<compile_context>
chip_gen: v7x
topology: tpu7x:2x2x1
jax: 0.10.2.dev20260603
libtpu: 0.0.44.dev20260713+nightly
codegen_flags: <defaults>
</compile_context>

<pallas_src>
import functools

import jax
import jax.numpy as jnp
from jax import lax
from jax.experimental import pallas as pl
from jax.experimental.pallas import tpu as pltpu
from jax.experimental.pallas import tpu_sc as plsc

B, T, D = 8, 3072, 1024
BT = B * T
_INFO = plsc.get_sparse_core_info()
NC, NS, L = _INFO.num_cores, _INFO.num_subcores, _INFO.num_lanes
NW = NC * NS
TW = T // NW
C = 16
NCH_B = TW // C
NCH = B * NCH_B
NBLK = TW // 32

_mesh = plsc.VectorSubcoreMesh(core_axis_name="c", subcore_axis_name="s")


@functools.partial(
    pl.kernel,
    mesh=_mesh,
    out_type=jax.ShapeDtypeStruct((BT, D), jnp.float32),
    scratch_types=[
        pltpu.VMEM((B * TW,), jnp.int32),
        pltpu.VMEM((32, D), jnp.float32),
        pltpu.VMEM((NBLK, D), jnp.float32),
        pltpu.VMEM((1, D), jnp.float32),
        pltpu.VMEM((1, D), jnp.float32),
        pltpu.VMEM((C, D), jnp.float32),
        pltpu.VMEM((C, D), jnp.float32),
        pltpu.VMEM((C, D), jnp.float32),
        pltpu.VMEM((C, D), jnp.float32),
        pltpu.VMEM((C, D), jnp.float32),
        pltpu.SemaphoreType.DMA,
        pltpu.SemaphoreType.DMA,
        pltpu.SemaphoreType.DMA,
        pltpu.SemaphoreType.DMA,
        pltpu.SemaphoreType.DMA,
    ],
)
def _embed_sc(idx_hbm, wte_hbm, rtab_hbm, ctab_hbm, htab_hbm, out_hbm,
              idx_w, col_v, rc_v, rbuf, hbuf, g0, g1, g2, o0, o1,
              gsem0, gsem1, gsem2, ssem0, ssem1):
    wid = lax.axis_index("s") * NC + lax.axis_index("c")
    toff = wid * TW

    for bi in range(B):
        pltpu.sync_copy(idx_hbm.at[pl.ds(bi * T + toff, TW)],
                        idx_w.at[pl.ds(bi * TW, TW)])

    def _early_gather(c, buf, sem):
        ioff = pl.multiple_of(c * C, 8)
        return pltpu.make_async_copy(
            wte_hbm.at[idx_w.at[pl.ds(ioff, C)]], buf, sem)

    _early_gather(0, g0, gsem0).start()
    _early_gather(1, g1, gsem1).start()
    pltpu.sync_copy(ctab_hbm, col_v)
    for k in range(NBLK):
        tblk = toff + 32 * k
        rblk = lax.rem(tblk, 1024) // 32
        hblk = tblk // 1024
        pltpu.sync_copy(rtab_hbm.at[pl.ds(rblk, 1)], rbuf)
        pltpu.sync_copy(htab_hbm.at[pl.ds(hblk, 1)], hbuf)

        def rcvec(v, carry, k=k):
            s = pl.ds(v * L, L)
            rc_v[k, s] = rbuf[0, s] + hbuf[0, s]
            return carry
        lax.fori_loop(0, D // L, rcvec, 0)

    def gather_desc(c, buf, sem):
        bi = c // NCH_B
        j = lax.rem(c, NCH_B)
        ioff = pl.multiple_of(bi * TW + j * C, 8)
        return pltpu.make_async_copy(
            wte_hbm.at[idx_w.at[pl.ds(ioff, C)]], buf, sem)

    def scatter_desc(c, buf, sem):
        bi = c // NCH_B
        j = lax.rem(c, NCH_B)
        return pltpu.make_async_copy(
            buf, out_hbm.at[pl.ds(bi * T + toff + j * C, C)], sem)

    def compute(c, g, o):
        j = lax.rem(c, NCH_B)
        kblk = j // (32 // C)
        colbase = lax.rem(j, 32 // C) * C
        nv = D // L

        @plsc.parallel_loop(0, C * nv, unroll=16)
        def _(v):
            r = v // nv
            s = pl.ds(lax.rem(v, nv) * L, L)
            o[r, s] = g[r, s] + col_v[colbase + r, s] + rc_v[kblk, s]

    gbufs = (g0, g1, g2)
    gsems = (gsem0, gsem1, gsem2)
    obufs = (o0, o1)
    ssems = (ssem0, ssem1)
    def six(i, carry):
        for p in range(6):
            c = 6 * i + p
            gb, gs = gbufs[p % 3], gsems[p % 3]
            ob, ss = obufs[p % 2], ssems[p % 2]
            ng, ngs = gbufs[(p + 2) % 3], gsems[(p + 2) % 3]
            gather_desc(c, gb, gs).wait()

            @pl.when(c + 2 < NCH)
            def _():
                gather_desc(c + 2, ng, ngs).start()

            @pl.when(c >= 2)
            def _():
                scatter_desc(c - 2, ob, ss).wait()

            compute(c, gb, ob)
            scatter_desc(c, ob, ss).start()
        return carry
    lax.fori_loop(0, NCH // 6, six, 0)
    scatter_desc(NCH - 2, obufs[(NCH - 2) % 2], ssems[(NCH - 2) % 2]).wait()
    scatter_desc(NCH - 1, obufs[(NCH - 1) % 2], ssems[(NCH - 1) % 2]).wait()


def kernel(idx, wte, row_emb, col_emb, chan_emb):
    b, t = idx.shape
    d = wte.shape[1]
    out = _embed_sc(idx.reshape(-1), wte, row_emb, col_emb, chan_emb)
    return out.reshape(b, t, d)

# --- scband reference (transcript-rebuilt; emitter-appended) ---
"""Pipeline reference for scband-embedding-stage-57939108823802 (READ-ONLY COPY).

The authoritative reference and input builder live on the scoring server;
editing this copy changes nothing except your own understanding.
"""

import jax, jax.numpy as jnp
import numpy as np


def setup_inputs(seed: int = 0) -> dict:
    key = jax.random.key(seed)
    k_idx, k_wte, k_row, k_col, k_chan = jax.random.split(key, 5)
    vocab = 512
    d = 1024
    b, t = 8, 3072
    std = 0.125 / np.sqrt(d)          # n_embeddings > 32 branch (wte)
    std_small = 0.125 / np.sqrt(d * 3)  # n_embeddings <= 32 branch (pos/chan tables)
    idx = jax.random.randint(k_idx, (b, t), 0, vocab, dtype=jnp.int32)
    wte = jax.random.normal(k_wte, (vocab, d), dtype=jnp.float32) * std
    row_emb = jax.random.normal(k_row, (32, d), dtype=jnp.float32) * std_small
    col_emb = jax.random.normal(k_col, (32, d), dtype=jnp.float32) * std_small
    chan_emb = jax.random.normal(k_chan, (3, d), dtype=jnp.float32) * std_small
    return {"idx": idx, "wte": wte, "row_emb": row_emb, "col_emb": col_emb, "chan_emb": chan_emb}


def reference(idx, wte, row_emb, col_emb, chan_emb):
    b, t = idx.shape
    H, W = 32, 32
    tok_emb = jnp.take(wte, idx, axis=0)                 # [b, t, d]
    positions = jnp.arange(t)
    chans = positions // (H * W)
    rows = (positions % (H * W)) // W
    cols = positions % W
    re = jnp.take(row_emb, rows, axis=0)[None, :, :]     # [1, t, d]
    ce = jnp.take(col_emb, cols, axis=0)[None, :, :]
    he = jnp.take(chan_emb, chans, axis=0)[None, :, :]
    # dropout p = 0.0 -> identity
    x = tok_emb + re + ce + he
    return x

if __name__ == "__main__":
    import jax
    _d = setup_inputs()
    print(jax.jit(kernel)(*tuple(_d.values())))

</pallas_src>

<mosaic_0001>
#map = affine_map<(d0, d1) -> (0)>
#map1 = affine_map<(d0, d1) -> (0, 0)>
module attributes {stable_mosaic.version = 14 : i64} {
  func.func @_embed_sc(%arg0: i32, %arg1: i32, %arg2: memref<24576xi32, #tpu.memory_space<hbm>>, %arg3: memref<512x1024xf32, #tpu.memory_space<hbm>>, %arg4: memref<32x1024xf32, #tpu.memory_space<hbm>>, %arg5: memref<32x1024xf32, #tpu.memory_space<hbm>>, %arg6: memref<3x1024xf32, #tpu.memory_space<hbm>>, %arg7: memref<24576x1024xf32, #tpu.memory_space<hbm>>, %arg8: memref<768xi32, #tpu.memory_space<vmem>>, %arg9: memref<32x1024xf32, #tpu.memory_space<vmem>>, %arg10: memref<3x1024xf32, #tpu.memory_space<vmem>>, %arg11: memref<1x1024xf32, #tpu.memory_space<vmem>>, %arg12: memref<1x1024xf32, #tpu.memory_space<vmem>>, %arg13: memref<16x1024xf32, #tpu.memory_space<vmem>>, %arg14: memref<16x1024xf32, #tpu.memory_space<vmem>>, %arg15: memref<16x1024xf32, #tpu.memory_space<vmem>>, %arg16: memref<16x1024xf32, #tpu.memory_space<vmem>>, %arg17: memref<16x1024xf32, #tpu.memory_space<vmem>>, %arg18: memref<!tpu.dma_semaphore, #tpu.memory_space<semaphore_mem>>, %arg19: memref<!tpu.dma_semaphore, #tpu.memory_space<semaphore_mem>>, %arg20: memref<!tpu.dma_semaphore, #tpu.memory_space<semaphore_mem>>, %arg21: memref<!tpu.dma_semaphore, #tpu.memory_space<semaphore_mem>>, %arg22: memref<!tpu.dma_semaphore, #tpu.memory_space<semaphore_mem>>) attributes {dimension_semantics = [#tpu.dimension_semantics<core_parallel>, #tpu.dimension_semantics<subcore_parallel>], iteration_bounds = array<i64: 2, 16>, scalar_prefetch = 0 : i64, scratch_operands = 15 : i64, tpu.core_type = #tpu.core_type<sc_vector_subcore>, window_params = [{transform_indices = #map}, {transform_indices = #map1}, {transform_indices = #map1}, {transform_indices = #map1}, {transform_indices = #map1}, {transform_indices = #map1}]} {
    %mul3A = arith.constant 2 : i32
    %mul3A_0 = arith.muli %arg1, %mul3A : i32
    %add3A = arith.addi %mul3A_0, %arg0 : i32
    %mul3A_1 = arith.constant 96 : i32
    %mul3A_2 = arith.muli %add3A, %mul3A_1 : i32
    %add3A_3 = arith.constant 0 : i32
    %add3A_4 = arith.addi %add3A_3, %mul3A_2 : i32
    "tpu.region"() ({
      %run_scoped3A = tpu.sem_alloc : memref<!tpu.dma_semaphore, #tpu.memory_space<semaphore_mem>>
      %dma_start3A_223 = arith.constant 0 : i32
      %dma_start3A_224 = tpu.memref_slice %arg8[%dma_start3A_223] : memref<768xi32, #tpu.memory_space<vmem>> -> memref<96xi32, #tpu.memory_space<vmem>>
      %dma_start3A_225 = tpu.memref_slice %arg2[%add3A_4] : memref<24576xi32, #tpu.memory_space<hbm>> -> memref<96xi32, #tpu.memory_space<hbm>>
      %dma_start3A_226 = arith.constant 0 : i32
      %dma_start3A_227 = tpu.memref_slice %arg8[%dma_start3A_226] : memref<768xi32, #tpu.memory_space<vmem>> -> memref<96xi32, #tpu.memory_space<vmem>>
      %dma_start3A_228 = tpu.memref_slice %arg2[%add3A_4] : memref<24576xi32, #tpu.memory_space<hbm>> -> memref<96xi32, #tpu.memory_space<hbm>>
      tpu.enqueue_dma source(%dma_start3A_228 : memref<96xi32, #tpu.memory_space<hbm>>) target(%dma_start3A_227 : memref<96xi32, #tpu.memory_space<vmem>>) target_semaphore(%run_scoped3A : memref<!tpu.dma_semaphore, #tpu.memory_space<semaphore_mem>>)
      %dma_wait3A_229 = arith.constant 0 : i32
      %dma_wait3A_230 = tpu.memref_slice %arg8[%dma_wait3A_229] : memref<768xi32, #tpu.memory_space<vmem>> -> memref<96xi32, #tpu.memory_space<vmem>>
      %dma_wait3A_231 = tpu.memref_slice %arg2[%add3A_4] : memref<24576xi32, #tpu.memory_space<hbm>> -> memref<96xi32, #tpu.memory_space<hbm>>
      %dma_wait3A_232 = arith.constant 0 : i32
      %dma_wait3A_233 = tpu.memref_slice %arg8[%dma_wait3A_232] : memref<768xi32, #tpu.memory_space<vmem>> -> memref<96xi32, #tpu.memory_space<vmem>>
      %dma_wait3A_234 = tpu.memref_slice %arg2[%add3A_4] : memref<24576xi32, #tpu.memory_space<hbm>> -> memref<96xi32, #tpu.memory_space<hbm>>
      tpu.wait_dma2 semaphore(%run_scoped3A : memref<!tpu.dma_semaphore, #tpu.memory_space<semaphore_mem>>) src(%dma_wait3A_234 : memref<96xi32, #tpu.memory_space<hbm>>) dst(%dma_wait3A_233 : memref<96xi32, #tpu.memory_space<vmem>>)
      tpu.yield
    }) : () -> ()
    %add3A_5 = arith.constant 3072 : i32
    %add3A_6 = arith.addi %add3A_5, %mul3A_2 : i32
    "tpu.region"() ({
      %run_scoped3A = tpu.sem_alloc : memref<!tpu.dma_semaphore, #tpu.memory_space<semaphore_mem>>
      %dma_start3A_223 = arith.constant 96 : i32
      %dma_start3A_224 = tpu.memref_slice %arg8[%dma_start3A_223] : memref<768xi32, #tpu.memory_space<vmem>> -> memref<96xi32, #tpu.memory_space<vmem>>
      %dma_start3A_225 = tpu.memref_slice %arg2[%add3A_6] : memref<24576xi32, #tpu.memory_space<hbm>> -> memref<96xi32, #tpu.memory_space<hbm>>
      %dma_start3A_226 = arith.constant 96 : i32
      %dma_start3A_227 = tpu.memref_slice %arg8[%dma_start3A_226] : memref<768xi32, #tpu.memory_space<vmem>> -> memref<96xi32, #tpu.memory_space<vmem>>
      %dma_start3A_228 = tpu.memref_slice %arg2[%add3A_6] : memref<24576xi32, #tpu.memory_space<hbm>> -> memref<96xi32, #tpu.memory_space<hbm>>
      tpu.enqueue_dma source(%dma_start3A_228 : memref<96xi32, #tpu.memory_space<hbm>>) target(%dma_start3A_227 : memref<96xi32, #tpu.memory_space<vmem>>) target_semaphore(%run_scoped3A : memref<!tpu.dma_semaphore, #tpu.memory_space<semaphore_mem>>)
      %dma_wait3A_229 = arith.constant 96 : i32
      %dma_wait3A_230 = tpu.memref_slice %arg8[%dma_wait3A_229] : memref<768xi32, #tpu.memory_space<vmem>> -> memref<96xi32, #tpu.memory_space<vmem>>
      %dma_wait3A_231 = tpu.memref_slice %arg2[%add3A_6] : memref<24576xi32, #tpu.memory_space<hbm>> -> memref<96xi32, #tpu.memory_space<hbm>>
      %dma_wait3A_232 = arith.constant 96 : i32
      %dma_wait3A_233 = tpu.memref_slice %arg8[%dma_wait3A_232] : memref<768xi32, #tpu.memory_space<vmem>> -> memref<96xi32, #tpu.memory_space<vmem>>
      %dma_wait3A_234 = tpu.memref_slice %arg2[%add3A_6] : memref<24576xi32, #tpu.memory_space<hbm>> -> memref<96xi32, #tpu.memory_space<hbm>>
      tpu.wait_dma2 semaphore(%run_scoped3A : memref<!tpu.dma_semaphore, #tpu.memory_space<semaphore_mem>>) src(%dma_wait3A_234 : memref<96xi32, #tpu.memory_space<hbm>>) dst(%dma_wait3A_233 : memref<96xi32, #tpu.memory_space<vmem>>)
      tpu.yield
    }) : () -> ()
    %add3A_7 = arith.constant 6144 : i32
    %add3A_8 = arith.addi %add3A_7, %mul3A_2 : i32
    "tpu.region"() ({
      %run_scoped3A = tpu.sem_alloc : memref<!tpu.dma_semaphore, #tpu.memory_space<semaphore_mem>>
      %dma_start3A_223 = arith.constant 192 : i32
      %dma_start3A_224 = tpu.memref_slice %arg8[%dma_start3A_223] : memref<768xi32, #tpu.memory_space<vmem>> -> memref<96xi32, #tpu.memory_space<vmem>>
      %dma_start3A_225 = tpu.memref_slice %arg2[%add3A_8] : memref<24576xi32, #tpu.memory_space<hbm>> -> memref<96xi32, #tpu.memory_space<hbm>>
      %dma_start3A_226 = arith.constant 192 : i32
      %dma_start3A_227 = tpu.memref_slice %arg8[%dma_start3A_226] : memref<768xi32, #tpu.memory_space<vmem>> -> memref<96xi32, #tpu.memory_space<vmem>>
      %dma_start3A_228 = tpu.memref_slice %arg2[%add3A_8] : memref<24576xi32, #tpu.memory_space<hbm>> -> memref<96xi32, #tpu.memory_space<hbm>>
      tpu.enqueue_dma source(%dma_start3A_228 : memref<96xi32, #tpu.memory_space<hbm>>) target(%dma_start3A_227 : memref<96xi32, #tpu.memory_space<vmem>>) target_semaphore(%run_scoped3A : memref<!tpu.dma_semaphore, #tpu.memory_space<semaphore_mem>>)
      %dma_wait3A_229 = arith.constant 192 : i32
      %dma_wait3A_230 = tpu.memref_slice %arg8[%dma_wait3A_229] : memref<768xi32, #tpu.memory_space<vmem>> -> memref<96xi32, #tpu.memory_space<vmem>>
      %dma_wait3A_231 = tpu.memref_slice %arg2[%add3A_8] : memref<24576xi32, #tpu.memory_space<hbm>> -> memref<96xi32, #tpu.memory_space<hbm>>
      %dma_wait3A_232 = arith.constant 192 : i32
      %dma_wait3A_233 = tpu.memref_slice %arg8[%dma_wait3A_232] : memref<768xi32, #tpu.memory_space<vmem>> -> memref<96xi32, #tpu.memory_space<vmem>>
      %dma_wait3A_234 = tpu.memref_slice %arg2[%add3A_8] : memref<24576xi32, #tpu.memory_space<hbm>> -> memref<96xi32, #tpu.memory_space<hbm>>
      tpu.wait_dma2 semaphore(%run_scoped3A : memref<!tpu.dma_semaphore, #tpu.memory_space<semaphore_mem>>) src(%dma_wait3A_234 : memref<96xi32, #tpu.memory_space<hbm>>) dst(%dma_wait3A_233 : memref<96xi32, #tpu.memory_space<vmem>>)
      tpu.yield
    }) : () -> ()
    %add3A_9 = arith.constant 9216 : i32
    %add3A_10 = arith.addi %add3A_9, %mul3A_2 : i32
    "tpu.region"() ({
      %run_scoped3A = tpu.sem_alloc : memref<!tpu.dma_semaphore, #tpu.memory_space<semaphore_mem>>
      %dma_start3A_223 = arith.constant 288 : i32
      %dma_start3A_224 = tpu.memref_slice %arg8[%dma_start3A_223] : memref<768xi32, #tpu.memory_space<vmem>> -> memref<96xi32, #tpu.memory_space<vmem>>
      %dma_start3A_225 = tpu.memref_slice %arg2[%add3A_10] : memref<24576xi32, #tpu.memory_space<hbm>> -> memref<96xi32, #tpu.memory_space<hbm>>
      %dma_start3A_226 = arith.constant 288 : i32
      %dma_start3A_227 = tpu.memref_slice %arg8[%dma_start3A_226] : memref<768xi32, #tpu.memory_space<vmem>> -> memref<96xi32, #tpu.memory_space<vmem>>
      %dma_start3A_228 = tpu.memref_slice %arg2[%add3A_10] : memref<24576xi32, #tpu.memory_space<hbm>> -> memref<96xi32, #tpu.memory_space<hbm>>
      tpu.enqueue_dma source(%dma_start3A_228 : memref<96xi32, #tpu.memory_space<hbm>>) target(%dma_start3A_227 : memref<96xi32, #tpu.memory_space<vmem>>) target_semaphore(%run_scoped3A : memref<!tpu.dma_semaphore, #tpu.memory_space<semaphore_mem>>)
      %dma_wait3A_229 = arith.constant 288 : i32
      %dma_wait3A_230 = tpu.memref_slice %arg8[%dma_wait3A_229] : memref<768xi32, #tpu.memory_space<vmem>> -> memref<96xi32, #tpu.memory_space<vmem>>
      %dma_wait3A_231 = tpu.memref_slice %arg2[%add3A_10] : memref<24576xi32, #tpu.memory_space<hbm>> -> memref<96xi32, #tpu.memory_space<hbm>>
      %dma_wait3A_232 = arith.constant 288 : i32
      %dma_wait3A_233 = tpu.memref_slice %arg8[%dma_wait3A_232] : memref<768xi32, #tpu.memory_space<vmem>> -> memref<96xi32, #tpu.memory_space<vmem>>
      %dma_wait3A_234 = tpu.memref_slice %arg2[%add3A_10] : memref<24576xi32, #tpu.memory_space<hbm>> -> memref<96xi32, #tpu.memory_space<hbm>>
      tpu.wait_dma2 semaphore(%run_scoped3A : memref<!tpu.dma_semaphore, #tpu.memory_space<semaphore_mem>>) src(%dma_wait3A_234 : memref<96xi32, #tpu.memory_space<hbm>>) dst(%dma_wait3A_233 : memref<96xi32, #tpu.memory_space<vmem>>)
      tpu.yield
    }) : () -> ()
    %add3A_11 = arith.constant 12288 : i32
    %add3A_12 = arith.addi %add3A_11, %mul3A_2 : i32
    "tpu.region"() ({
      %run_scoped3A = tpu.sem_alloc : memref<!tpu.dma_semaphore, #tpu.memory_space<semaphore_mem>>
      %dma_start3A_223 = arith.constant 384 : i32
      %dma_start3A_224 = tpu.memref_slice %arg8[%dma_start3A_223] : memref<768xi32, #tpu.memory_space<vmem>> -> memref<96xi32, #tpu.memory_space<vmem>>
      %dma_start3A_225 = tpu.memref_slice %arg2[%add3A_12] : memref<24576xi32, #tpu.memory_space<hbm>> -> memref<96xi32, #tpu.memory_space<hbm>>
      %dma_start3A_226 = arith.constant 384 : i32
      %dma_start3A_227 = tpu.memref_slice %arg8[%dma_start3A_226] : memref<768xi32, #tpu.memory_space<vmem>> -> memref<96xi32, #tpu.memory_space<vmem>>
      %dma_start3A_228 = tpu.memref_slice %arg2[%add3A_12] : memref<24576xi32, #tpu.memory_space<hbm>> -> memref<96xi32, #tpu.memory_space<hbm>>
      tpu.enqueue_dma source(%dma_start3A_228 : memref<96xi32, #tpu.memory_space<hbm>>) target(%dma_start3A_227 : memref<96xi32, #tpu.memory_space<vmem>>) target_semaphore(%run_scoped3A : memref<!tpu.dma_semaphore, #tpu.memory_space<semaphore_mem>>)
      %dma_wait3A_229 = arith.constant 384 : i32
      %dma_wait3A_230 = tpu.memref_slice %arg8[%dma_wait3A_229] : memref<768xi32, #tpu.memory_space<vmem>> -> memref<96xi32, #tpu.memory_space<vmem>>
      %dma_wait3A_231 = tpu.memref_slice %arg2[%add3A_12] : memref<24576xi32, #tpu.memory_space<hbm>> -> memref<96xi32, #tpu.memory_space<hbm>>
      %dma_wait3A_232 = arith.constant 384 : i32
      %dma_wait3A_233 = tpu.memref_slice %arg8[%dma_wait3A_232] : memref<768xi32, #tpu.memory_space<vmem>> -> memref<96xi32, #tpu.memory_space<vmem>>
      %dma_wait3A_234 = tpu.memref_slice %arg2[%add3A_12] : memref<24576xi32, #tpu.memory_space<hbm>> -> memref<96xi32, #tpu.memory_space<hbm>>
      tpu.wait_dma2 semaphore(%run_scoped3A : memref<!tpu.dma_semaphore, #tpu.memory_space<semaphore_mem>>) src(%dma_wait3A_234 : memref<96xi32, #tpu.memory_space<hbm>>) dst(%dma_wait3A_233 : memref<96xi32, #tpu.memory_space<vmem>>)
      tpu.yield
    }) : () -> ()
    %add3A_13 = arith.constant 15360 : i32
    %add3A_14 = arith.addi %add3A_13, %mul3A_2 : i32
    "tpu.region"() ({
      %run_scoped3A = tpu.sem_alloc : memref<!tpu.dma_semaphore, #tpu.memory_space<semaphore_mem>>
      %dma_start3A_223 = arith.constant 480 : i32
      %dma_start3A_224 = tpu.memref_slice %arg8[%dma_start3A_223] : memref<768xi32, #tpu.memory_space<vmem>> -> memref<96xi32, #tpu.memory_space<vmem>>
      %dma_start3A_225 = tpu.memref_slice %arg2[%add3A_14] : memref<24576xi32, #tpu.memory_space<hbm>> -> memref<96xi32, #tpu.memory_space<hbm>>
      %dma_start3A_226 = arith.constant 480 : i32
      %dma_start3A_227 = tpu.memref_slice %arg8[%dma_start3A_226] : memref<768xi32, #tpu.memory_space<vmem>> -> memref<96xi32, #tpu.memory_space<vmem>>
      %dma_start3A_228 = tpu.memref_slice %arg2[%add3A_14] : memref<24576xi32, #tpu.memory_space<hbm>> -> memref<96xi32, #tpu.memory_space<hbm>>
      tpu.enqueue_dma source(%dma_start3A_228 : memref<96xi32, #tpu.memory_space<hbm>>) target(%dma_start3A_227 : memref<96xi32, #tpu.memory_space<vmem>>) target_semaphore(%run_scoped3A : memref<!tpu.dma_semaphore, #tpu.memory_space<semaphore_mem>>)
      %dma_wait3A_229 = arith.constant 480 : i32
      %dma_wait3A_230 = tpu.memref_slice %arg8[%dma_wait3A_229] : memref<768xi32, #tpu.memory_space<vmem>> -> memref<96xi32, #tpu.memory_space<vmem>>
      %dma_wait3A_231 = tpu.memref_slice %arg2[%add3A_14] : memref<24576xi32, #tpu.memory_space<hbm>> -> memref<96xi32, #tpu.memory_space<hbm>>
      %dma_wait3A_232 = arith.constant 480 : i32
      %dma_wait3A_233 = tpu.memref_slice %arg8[%dma_wait3A_232] : memref<768xi32, #tpu.memory_space<vmem>> -> memref<96xi32, #tpu.memory_space<vmem>>
      %dma_wait3A_234 = tpu.memref_slice %arg2[%add3A_14] : memref<24576xi32, #tpu.memory_space<hbm>> -> memref<96xi32, #tpu.memory_space<hbm>>
      tpu.wait_dma2 semaphore(%run_scoped3A : memref<!tpu.dma_semaphore, #tpu.memory_space<semaphore_mem>>) src(%dma_wait3A_234 : memref<96xi32, #tpu.memory_space<hbm>>) dst(%dma_wait3A_233 : memref<96xi32, #tpu.memory_space<vmem>>)
      tpu.yield
    }) : () -> ()
    %add3A_15 = arith.constant 18432 : i32
    %add3A_16 = arith.addi %add3A_15, %mul3A_2 : i32
    "tpu.region"() ({
      %run_scoped3A = tpu.sem_alloc : memref<!tpu.dma_semaphore, #tpu.memory_space<semaphore_mem>>
      %dma_start3A_223 = arith.constant 576 : i32
      %dma_start3A_224 = tpu.memref_slice %arg8[%dma_start3A_223] : memref<768xi32, #tpu.memory_space<vmem>> -> memref<96xi32, #tpu.memory_space<vmem>>
      %dma_start3A_225 = tpu.memref_slice %arg2[%add3A_16] : memref<24576xi32, #tpu.memory_space<hbm>> -> memref<96xi32, #tpu.memory_space<hbm>>
      %dma_start3A_226 = arith.constant 576 : i32
      %dma_start3A_227 = tpu.memref_slice %arg8[%dma_start3A_226] : memref<768xi32, #tpu.memory_space<vmem>> -> memref<96xi32, #tpu.memory_space<vmem>>
      %dma_start3A_228 = tpu.memref_slice %arg2[%add3A_16] : memref<24576xi32, #tpu.memory_space<hbm>> -> memref<96xi32, #tpu.memory_space<hbm>>
      tpu.enqueue_dma source(%dma_start3A_228 : memref<96xi32, #tpu.memory_space<hbm>>) target(%dma_start3A_227 : memref<96xi32, #tpu.memory_space<vmem>>) target_semaphore(%run_scoped3A : memref<!tpu.dma_semaphore, #tpu.memory_space<semaphore_mem>>)
      %dma_wait3A_229 = arith.constant 576 : i32
      %dma_wait3A_230 = tpu.memref_slice %arg8[%dma_wait3A_229] : memref<768xi32, #tpu.memory_space<vmem>> -> memref<96xi32, #tpu.memory_space<vmem>>
      %dma_wait3A_231 = tpu.memref_slice %arg2[%add3A_16] : memref<24576xi32, #tpu.memory_space<hbm>> -> memref<96xi32, #tpu.memory_space<hbm>>
      %dma_wait3A_232 = arith.constant 576 : i32
      %dma_wait3A_233 = tpu.memref_slice %arg8[%dma_wait3A_232] : memref<768xi32, #tpu.memory_space<vmem>> -> memref<96xi32, #tpu.memory_space<vmem>>
      %dma_wait3A_234 = tpu.memref_slice %arg2[%add3A_16] : memref<24576xi32, #tpu.memory_space<hbm>> -> memref<96xi32, #tpu.memory_space<hbm>>
      tpu.wait_dma2 semaphore(%run_scoped3A : memref<!tpu.dma_semaphore, #tpu.memory_space<semaphore_mem>>) src(%dma_wait3A_234 : memref<96xi32, #tpu.memory_space<hbm>>) dst(%dma_wait3A_233 : memref<96xi32, #tpu.memory_space<vmem>>)
      tpu.yield
    }) : () -> ()
    %add3A_17 = arith.constant 21504 : i32
    %add3A_18 = arith.addi %add3A_17, %mul3A_2 : i32
    "tpu.region"() ({
      %run_scoped3A = tpu.sem_alloc : memref<!tpu.dma_semaphore, #tpu.memory_space<semaphore_mem>>
      %dma_start3A_223 = arith.constant 672 : i32
      %dma_start3A_224 = tpu.memref_slice %arg8[%dma_start3A_223] : memref<768xi32, #tpu.memory_space<vmem>> -> memref<96xi32, #tpu.memory_space<vmem>>
      %dma_start3A_225 = tpu.memref_slice %arg2[%add3A_18] : memref<24576xi32, #tpu.memory_space<hbm>> -> memref<96xi32, #tpu.memory_space<hbm>>
      %dma_start3A_226 = arith.constant 672 : i32
      %dma_start3A_227 = tpu.memref_slice %arg8[%dma_start3A_226] : memref<768xi32, #tpu.memory_space<vmem>> -> memref<96xi32, #tpu.memory_space<vmem>>
      %dma_start3A_228 = tpu.memref_slice %arg2[%add3A_18] : memref<24576xi32, #tpu.memory_space<hbm>> -> memref<96xi32, #tpu.memory_space<hbm>>
      tpu.enqueue_dma source(%dma_start3A_228 : memref<96xi32, #tpu.memory_space<hbm>>) target(%dma_start3A_227 : memref<96xi32, #tpu.memory_space<vmem>>) target_semaphore(%run_scoped3A : memref<!tpu.dma_semaphore, #tpu.memory_space<semaphore_mem>>)
      %dma_wait3A_229 = arith.constant 672 : i32
      %dma_wait3A_230 = tpu.memref_slice %arg8[%dma_wait3A_229] : memref<768xi32, #tpu.memory_space<vmem>> -> memref<96xi32, #tpu.memory_space<vmem>>
      %dma_wait3A_231 = tpu.memref_slice %arg2[%add3A_18] : memref<24576xi32, #tpu.memory_space<hbm>> -> memref<96xi32, #tpu.memory_space<hbm>>
      %dma_wait3A_232 = arith.constant 672 : i32
      %dma_wait3A_233 = tpu.memref_slice %arg8[%dma_wait3A_232] : memref<768xi32, #tpu.memory_space<vmem>> -> memref<96xi32, #tpu.memory_space<vmem>>
      %dma_wait3A_234 = tpu.memref_slice %arg2[%add3A_18] : memref<24576xi32, #tpu.memory_space<hbm>> -> memref<96xi32, #tpu.memory_space<hbm>>
      tpu.wait_dma2 semaphore(%run_scoped3A : memref<!tpu.dma_semaphore, #tpu.memory_space<semaphore_mem>>) src(%dma_wait3A_234 : memref<96xi32, #tpu.memory_space<hbm>>) dst(%dma_wait3A_233 : memref<96xi32, #tpu.memory_space<vmem>>)
      tpu.yield
    }) : () -> ()
    %multiple_of3A = arith.constant 0 : i32
    %multiple_of3A_19 = tpu.assume_multiple %multiple_of3A, 8 : i32
    %dma_start3A = tpu.memref_slice %arg8[%multiple_of3A_19] : memref<768xi32, #tpu.memory_space<vmem>> -> memref<16xi32, #tpu.memory_space<vmem>>
    %dma_start3A_20 = arith.constant 0 : i32
    %dma_start3A_21 = arith.constant 0 : i32
    %dma_start3A_22 = tpu.memref_slice %arg3[%dma_start3A_20, %dma_start3A_21] : memref<512x1024xf32, #tpu.memory_space<hbm>> -> memref<512x1024xf32, #tpu.memory_space<hbm>>
    tpu.enqueue_indirect_dma source(%dma_start3A_22 : memref<512x1024xf32, #tpu.memory_space<hbm>>) target(%arg13 : memref<16x1024xf32, #tpu.memory_space<vmem>>) offsets(%dma_start3A : memref<16xi32, #tpu.memory_space<vmem>>) semaphore(%arg18 : memref<!tpu.dma_semaphore, #tpu.memory_space<semaphore_mem>>)
    %multiple_of3A_23 = arith.constant 16 : i32
    %multiple_of3A_24 = tpu.assume_multiple %multiple_of3A_23, 8 : i32
    %dma_start3A_25 = tpu.memref_slice %arg8[%multiple_of3A_24] : memref<768xi32, #tpu.memory_space<vmem>> -> memref<16xi32, #tpu.memory_space<vmem>>
    %dma_start3A_26 = arith.constant 0 : i32
    %dma_start3A_27 = arith.constant 0 : i32
    %dma_start3A_28 = tpu.memref_slice %arg3[%dma_start3A_26, %dma_start3A_27] : memref<512x1024xf32, #tpu.memory_space<hbm>> -> memref<512x1024xf32, #tpu.memory_space<hbm>>
    tpu.enqueue_indirect_dma source(%dma_start3A_28 : memref<512x1024xf32, #tpu.memory_space<hbm>>) target(%arg14 : memref<16x1024xf32, #tpu.memory_space<vmem>>) offsets(%dma_start3A_25 : memref<16xi32, #tpu.memory_space<vmem>>) semaphore(%arg19 : memref<!tpu.dma_semaphore, #tpu.memory_space<semaphore_mem>>)
    "tpu.region"() ({
      %run_scoped3A = tpu.sem_alloc : memref<!tpu.dma_semaphore, #tpu.memory_space<semaphore_mem>>
      tpu.enqueue_dma source(%arg5 : memref<32x1024xf32, #tpu.memory_space<hbm>>) target(%arg9 : memref<32x1024xf32, #tpu.memory_space<vmem>>) target_semaphore(%run_scoped3A : memref<!tpu.dma_semaphore, #tpu.memory_space<semaphore_mem>>)
      tpu.wait_dma2 semaphore(%run_scoped3A : memref<!tpu.dma_semaphore, #tpu.memory_space<semaphore_mem>>) src(%arg5 : memref<32x1024xf32, #tpu.memory_space<hbm>>) dst(%arg9 : memref<32x1024xf32, #tpu.memory_space<vmem>>)
      tpu.yield
    }) : () -> ()
    %add3A_29 = arith.constant 0 : i32
    %add3A_30 = arith.addi %mul3A_2, %add3A_29 : i32
    %rem3A = arith.constant 1024 : i32
    %rem3A_31 = arith.remsi %add3A_30, %rem3A : i32
    %jit3A = arith.constant 32 : i32
    %div3A = arith.divsi %rem3A_31, %jit3A : i32
    %sign3A = arith.constant 0 : i32
    %sign3A_32 = arith.cmpi sgt, %rem3A_31, %sign3A : i32
    %sign3A_33 = arith.extui %sign3A_32 : i1 to i32
    %sign3A_34 = arith.constant 0 : i32
    %sign3A_35 = arith.cmpi slt, %rem3A_31, %sign3A_34 : i32
    %sign3A_36 = arith.extui %sign3A_35 : i1 to i32
    %sign3A_37 = arith.subi %sign3A_33, %sign3A_36 : i32
    %sign3A_38 = arith.constant 0 : i32
    %sign3A_39 = arith.cmpi sgt, %jit3A, %sign3A_38 : i32
    %sign3A_40 = arith.extui %sign3A_39 : i1 to i32
    %sign3A_41 = arith.constant 0 : i32
    %sign3A_42 = arith.cmpi slt, %jit3A, %sign3A_41 : i32
    %sign3A_43 = arith.extui %sign3A_42 : i1 to i32
    %sign3A_44 = arith.subi %sign3A_40, %sign3A_43 : i32
    %ne3A = arith.cmpi ne, %sign3A_37, %sign3A_44 : i32
    %rem3A_45 = arith.remsi %rem3A_31, %jit3A : i32
    %ne3A_46 = arith.constant 0 : i32
    %ne3A_47 = arith.cmpi ne, %rem3A_45, %ne3A_46 : i32
    %and3A = arith.andi %ne3A, %ne3A_47 : i1
    %sub3A = arith.constant 1 : i32
    %sub3A_48 = arith.subi %div3A, %sub3A : i32
    %select_n3A = arith.select %and3A, %sub3A_48, %div3A : i32
    %jit3A_49 = arith.constant 1024 : i32
    %div3A_50 = arith.divsi %add3A_30, %jit3A_49 : i32
    %sign3A_51 = arith.constant 0 : i32
    %sign3A_52 = arith.cmpi sgt, %add3A_30, %sign3A_51 : i32
    %sign3A_53 = arith.extui %sign3A_52 : i1 to i32
    %sign3A_54 = arith.constant 0 : i32
    %sign3A_55 = arith.cmpi slt, %add3A_30, %sign3A_54 : i32
    %sign3A_56 = arith.extui %sign3A_55 : i1 to i32
    %sign3A_57 = arith.subi %sign3A_53, %sign3A_56 : i32
    %sign3A_58 = arith.constant 0 : i32
    %sign3A_59 = arith.cmpi sgt, %jit3A_49, %sign3A_58 : i32
    %sign3A_60 = arith.extui %sign3A_59 : i1 to i32
    %sign3A_61 = arith.constant 0 : i32
    %sign3A_62 = arith.cmpi slt, %jit3A_49, %sign3A_61 : i32
    %sign3A_63 = arith.extui %sign3A_62 : i1 to i32
    %sign3A_64 = arith.subi %sign3A_60, %sign3A_63 : i32
    %ne3A_65 = arith.cmpi ne, %sign3A_57, %sign3A_64 : i32
    %rem3A_66 = arith.remsi %add3A_30, %jit3A_49 : i32
    %ne3A_67 = arith.constant 0 : i32
    %ne3A_68 = arith.cmpi ne, %rem3A_66, %ne3A_67 : i32
    %and3A_69 = arith.andi %ne3A_65, %ne3A_68 : i1
    %sub3A_70 = arith.constant 1 : i32
    %sub3A_71 = arith.subi %div3A_50, %sub3A_70 : i32
    %select_n3A_72 = arith.select %and3A_69, %sub3A_71, %div3A_50 : i32
    "tpu.region"() ({
      %run_scoped3A = tpu.sem_alloc : memref<!tpu.dma_semaphore, #tpu.memory_space<semaphore_mem>>
      %dma_start3A_223 = arith.constant 0 : i32
      %dma_start3A_224 = tpu.memref_slice %arg4[%select_n3A, %dma_start3A_223] : memref<32x1024xf32, #tpu.memory_space<hbm>> -> memref<1x1024xf32, #tpu.memory_space<hbm>>
      %dma_start3A_225 = arith.constant 0 : i32
      %dma_start3A_226 = tpu.memref_slice %arg4[%select_n3A, %dma_start3A_225] : memref<32x1024xf32, #tpu.memory_space<hbm>> -> memref<1x1024xf32, #tpu.memory_space<hbm>>
      tpu.enqueue_dma source(%dma_start3A_226 : memref<1x1024xf32, #tpu.memory_space<hbm>>) target(%arg11 : memref<1x1024xf32, #tpu.memory_space<vmem>>) target_semaphore(%run_scoped3A : memref<!tpu.dma_semaphore, #tpu.memory_space<semaphore_mem>>)
      %dma_wait3A_227 = arith.constant 0 : i32
      %dma_wait3A_228 = tpu.memref_slice %arg4[%select_n3A, %dma_wait3A_227] : memref<32x1024xf32, #tpu.memory_space<hbm>> -> memref<1x1024xf32, #tpu.memory_space<hbm>>
      %dma_wait3A_229 = arith.constant 0 : i32
      %dma_wait3A_230 = tpu.memref_slice %arg4[%select_n3A, %dma_wait3A_229] : memref<32x1024xf32, #tpu.memory_space<hbm>> -> memref<1x1024xf32, #tpu.memory_space<hbm>>
      tpu.wait_dma2 semaphore(%run_scoped3A : memref<!tpu.dma_semaphore, #tpu.memory_space<semaphore_mem>>) src(%dma_wait3A_230 : memref<1x1024xf32, #tpu.memory_space<hbm>>) dst(%arg11 : memref<1x1024xf32, #tpu.memory_space<vmem>>)
      tpu.yield
    }) : () -> ()
    "tpu.region"() ({
      %run_scoped3A = tpu.sem_alloc : memref<!tpu.dma_semaphore, #tpu.memory_space<semaphore_mem>>
      %dma_start3A_223 = arith.constant 0 : i32
      %dma_start3A_224 = tpu.memref_slice %arg6[%select_n3A_72, %dma_start3A_223] : memref<3x1024xf32, #tpu.memory_space<hbm>> -> memref<1x1024xf32, #tpu.memory_space<hbm>>
      %dma_start3A_225 = arith.constant 0 : i32
      %dma_start3A_226 = tpu.memref_slice %arg6[%select_n3A_72, %dma_start3A_225] : memref<3x1024xf32, #tpu.memory_space<hbm>> -> memref<1x1024xf32, #tpu.memory_space<hbm>>
      tpu.enqueue_dma source(%dma_start3A_226 : memref<1x1024xf32, #tpu.memory_space<hbm>>) target(%arg12 : memref<1x1024xf32, #tpu.memory_space<vmem>>) target_semaphore(%run_scoped3A : memref<!tpu.dma_semaphore, #tpu.memory_space<semaphore_mem>>)
      %dma_wait3A_227 = arith.constant 0 : i32
      %dma_wait3A_228 = tpu.memref_slice %arg6[%select_n3A_72, %dma_wait3A_227] : memref<3x1024xf32, #tpu.memory_space<hbm>> -> memref<1x1024xf32, #tpu.memory_space<hbm>>
      %dma_wait3A_229 = arith.constant 0 : i32
      %dma_wait3A_230 = tpu.memref_slice %arg6[%select_n3A_72, %dma_wait3A_229] : memref<3x1024xf32, #tpu.memory_space<hbm>> -> memref<1x1024xf32, #tpu.memory_space<hbm>>
      tpu.wait_dma2 semaphore(%run_scoped3A : memref<!tpu.dma_semaphore, #tpu.memory_space<semaphore_mem>>) src(%dma_wait3A_230 : memref<1x1024xf32, #tpu.memory_space<hbm>>) dst(%arg12 : memref<1x1024xf32, #tpu.memory_space<vmem>>)
      tpu.yield
    }) : () -> ()
    %scan3A = arith.constant 0 : i32
    %scan3A_73 = arith.constant 0 : i32
    %scan3A_74 = arith.constant 64 : i32
    %scan3A_75 = arith.addi %scan3A_73, %scan3A_74 : i32
    %scan3A_76 = arith.constant 1 : i32
    scf.for %scan3A_223 = %scan3A_73 to %scan3A_75 step %scan3A_76  : i32 {
      %mul3A_224 = arith.constant 16 : i32
      %mul3A_225 = arith.muli %scan3A_223, %mul3A_224 : i32
      %get3A = arith.constant 0 : i32
      %get3A_226 = arith.index_cast %get3A : i32 to index
      %get3A_227 = arith.index_cast %mul3A_225 : i32 to index
      %get3A_228 = tpu.vector_load %arg11[%get3A_226, %get3A_227] {strides = array<i32>} : memref<1x1024xf32, #tpu.memory_space<vmem>>, vector<1x16xf32>,
      %get3A_229 = vector.shape_cast %get3A_228 : vector<1x16xf32> to vector<16xf32>
      %get3A_230 = arith.constant 0 : i32
      %get3A_231 = arith.index_cast %get3A_230 : i32 to index
      %get3A_232 = arith.index_cast %mul3A_225 : i32 to index
      %get3A_233 = tpu.vector_load %arg12[%get3A_231, %get3A_232] {strides = array<i32>} : memref<1x1024xf32, #tpu.memory_space<vmem>>, vector<1x16xf32>,
      %get3A_234 = vector.shape_cast %get3A_233 : vector<1x16xf32> to vector<16xf32>
      %add3A_235 = arith.addf %get3A_229, %get3A_234 : vector<16xf32>
      %swap3A = arith.constant 0 : i32
      %swap3A_236 = arith.index_cast %swap3A : i32 to index
      %swap3A_237 = arith.index_cast %mul3A_225 : i32 to index
      %swap3A_238 = tpu.vector_load %arg10[%swap3A_236, %swap3A_237] {strides = array<i32>} : memref<3x1024xf32, #tpu.memory_space<vmem>>, vector<1x16xf32>,
      %swap3A_239 = vector.shape_cast %swap3A_238 : vector<1x16xf32> to vector<16xf32>
      %swap3A_240 = vector.shape_cast %add3A_235 : vector<16xf32> to vector<1x16xf32>
      tpu.vector_store %arg10[%swap3A_236, %swap3A_237], %swap3A_240 {strides = array<i32>} : memref<3x1024xf32, #tpu.memory_space<vmem>>, vector<1x16xf32>,
    }
    %scan3A_77 = arith.constant 64 : i32
    %add3A_78 = arith.constant 32 : i32
    %add3A_79 = arith.addi %mul3A_2, %add3A_78 : i32
    %rem3A_80 = arith.constant 1024 : i32
    %rem3A_81 = arith.remsi %add3A_79, %rem3A_80 : i32
    %jit3A_82 = arith.constant 32 : i32
    %div3A_83 = arith.divsi %rem3A_81, %jit3A_82 : i32
    %sign3A_84 = arith.constant 0 : i32
    %sign3A_85 = arith.cmpi sgt, %rem3A_81, %sign3A_84 : i32
    %sign3A_86 = arith.extui %sign3A_85 : i1 to i32
    %sign3A_87 = arith.constant 0 : i32
    %sign3A_88 = arith.cmpi slt, %rem3A_81, %sign3A_87 : i32
    %sign3A_89 = arith.extui %sign3A_88 : i1 to i32
    %sign3A_90 = arith.subi %sign3A_86, %sign3A_89 : i32
    %sign3A_91 = arith.constant 0 : i32
    %sign3A_92 = arith.cmpi sgt, %jit3A_82, %sign3A_91 : i32
    %sign3A_93 = arith.extui %sign3A_92 : i1 to i32
    %sign3A_94 = arith.constant 0 : i32
    %sign3A_95 = arith.cmpi slt, %jit3A_82, %sign3A_94 : i32
    %sign3A_96 = arith.extui %sign3A_95 : i1 to i32
    %sign3A_97 = arith.subi %sign3A_93, %sign3A_96 : i32
    %ne3A_98 = arith.cmpi ne, %sign3A_90, %sign3A_97 : i32
    %rem3A_99 = arith.remsi %rem3A_81, %jit3A_82 : i32
    %ne3A_100 = arith.constant 0 : i32
    %ne3A_101 = arith.cmpi ne, %rem3A_99, %ne3A_100 : i32
    %and3A_102 = arith.andi %ne3A_98, %ne3A_101 : i1
    %sub3A_103 = arith.constant 1 : i32
    %sub3A_104 = arith.subi %div3A_83, %sub3A_103 : i32
    %select_n3A_105 = arith.select %and3A_102, %sub3A_104, %div3A_83 : i32
    %jit3A_106 = arith.constant 1024 : i32
    %div3A_107 = arith.divsi %add3A_79, %jit3A_106 : i32
    %sign3A_108 = arith.constant 0 : i32
    %sign3A_109 = arith.cmpi sgt, %add3A_79, %sign3A_108 : i32
    %sign3A_110 = arith.extui %sign3A_109 : i1 to i32
    %sign3A_111 = arith.constant 0 : i32
    %sign3A_112 = arith.cmpi slt, %add3A_79, %sign3A_111 : i32
    %sign3A_113 = arith.extui %sign3A_112 : i1 to i32
    %sign3A_114 = arith.subi %sign3A_110, %sign3A_113 : i32
    %sign3A_115 = arith.constant 0 : i32
    %sign3A_116 = arith.cmpi sgt, %jit3A_106, %sign3A_115 : i32
    %sign3A_117 = arith.extui %sign3A_116 : i1 to i32
    %sign3A_118 = arith.constant 0 : i32
    %sign3A_119 = arith.cmpi slt, %jit3A_106, %sign3A_118 : i32
    %sign3A_120 = arith.extui %sign3A_119 : i1 to i32
    %sign3A_121 = arith.subi %sign3A_117, %sign3A_120 : i32
    %ne3A_122 = arith.cmpi ne, %sign3A_114, %sign3A_121 : i32
    %rem3A_123 = arith.remsi %add3A_79, %jit3A_106 : i32
    %ne3A_124 = arith.constant 0 : i32
    %ne3A_125 = arith.cmpi ne, %rem3A_123, %ne3A_124 : i32
    %and3A_126 = arith.andi %ne3A_122, %ne3A_125 : i1
    %sub3A_127 = arith.constant 1 : i32
    %sub3A_128 = arith.subi %div3A_107, %sub3A_127 : i32
    %select_n3A_129 = arith.select %and3A_126, %sub3A_128, %div3A_107 : i32
    "tpu.region"() ({
      %run_scoped3A = tpu.sem_alloc : memref<!tpu.dma_semaphore, #tpu.memory_space<semaphore_mem>>
      %dma_start3A_223 = arith.constant 0 : i32
      %dma_start3A_224 = tpu.memref_slice %arg4[%select_n3A_105, %dma_start3A_223] : memref<32x1024xf32, #tpu.memory_space<hbm>> -> memref<1x1024xf32, #tpu.memory_space<hbm>>
      %dma_start3A_225 = arith.constant 0 : i32
      %dma_start3A_226 = tpu.memref_slice %arg4[%select_n3A_105, %dma_start3A_225] : memref<32x1024xf32, #tpu.memory_space<hbm>> -> memref<1x1024xf32, #tpu.memory_space<hbm>>
      tpu.enqueue_dma source(%dma_start3A_226 : memref<1x1024xf32, #tpu.memory_space<hbm>>) target(%arg11 : memref<1x1024xf32, #tpu.memory_space<vmem>>) target_semaphore(%run_scoped3A : memref<!tpu.dma_semaphore, #tpu.memory_space<semaphore_mem>>)
      %dma_wait3A_227 = arith.constant 0 : i32
      %dma_wait3A_228 = tpu.memref_slice %arg4[%select_n3A_105, %dma_wait3A_227] : memref<32x1024xf32, #tpu.memory_space<hbm>> -> memref<1x1024xf32, #tpu.memory_space<hbm>>
      %dma_wait3A_229 = arith.constant 0 : i32
      %dma_wait3A_230 = tpu.memref_slice %arg4[%select_n3A_105, %dma_wait3A_229] : memref<32x1024xf32, #tpu.memory_space<hbm>> -> memref<1x1024xf32, #tpu.memory_space<hbm>>
      tpu.wait_dma2 semaphore(%run_scoped3A : memref<!tpu.dma_semaphore, #tpu.memory_space<semaphore_mem>>) src(%dma_wait3A_230 : memref<1x1024xf32, #tpu.memory_space<hbm>>) dst(%arg11 : memref<1x1024xf32, #tpu.memory_space<vmem>>)
      tpu.yield
    }) : () -> ()
    "tpu.region"() ({
      %run_scoped3A = tpu.sem_alloc : memref<!tpu.dma_semaphore, #tpu.memory_space<semaphore_mem>>
      %dma_start3A_223 = arith.constant 0 : i32
      %dma_start3A_224 = tpu.memref_slice %arg6[%select_n3A_129, %dma_start3A_223] : memref<3x1024xf32, #tpu.memory_space<hbm>> -> memref<1x1024xf32, #tpu.memory_space<hbm>>
      %dma_start3A_225 = arith.constant 0 : i32
      %dma_start3A_226 = tpu.memref_slice %arg6[%select_n3A_129, %dma_start3A_225] : memref<3x1024xf32, #tpu.memory_space<hbm>> -> memref<1x1024xf32, #tpu.memory_space<hbm>>
      tpu.enqueue_dma source(%dma_start3A_226 : memref<1x1024xf32, #tpu.memory_space<hbm>>) target(%arg12 : memref<1x1024xf32, #tpu.memory_space<vmem>>) target_semaphore(%run_scoped3A : memref<!tpu.dma_semaphore, #tpu.memory_space<semaphore_mem>>)
      %dma_wait3A_227 = arith.constant 0 : i32
      %dma_wait3A_228 = tpu.memref_slice %arg6[%select_n3A_129, %dma_wait3A_227] : memref<3x1024xf32, #tpu.memory_space<hbm>> -> memref<1x1024xf32, #tpu.memory_space<hbm>>
      %dma_wait3A_229 = arith.constant 0 : i32
      %dma_wait3A_230 = tpu.memref_slice %arg6[%select_n3A_129, %dma_wait3A_229] : memref<3x1024xf32, #tpu.memory_space<hbm>> -> memref<1x1024xf32, #tpu.memory_space<hbm>>
      tpu.wait_dma2 semaphore(%run_scoped3A : memref<!tpu.dma_semaphore, #tpu.memory_space<semaphore_mem>>) src(%dma_wait3A_230 : memref<1x1024xf32, #tpu.memory_space<hbm>>) dst(%arg12 : memref<1x1024xf32, #tpu.memory_space<vmem>>)
      tpu.yield
    }) : () -> ()
    %scan3A_130 = arith.constant 0 : i32
    %scan3A_131 = arith.constant 0 : i32
    %scan3A_132 = arith.constant 64 : i32
    %scan3A_133 = arith.addi %scan3A_131, %scan3A_132 : i32
    %scan3A_134 = arith.constant 1 : i32
    scf.for %scan3A_223 = %scan3A_131 to %scan3A_133 step %scan3A_134  : i32 {
      %mul3A_224 = arith.constant 16 : i32
      %mul3A_225 = arith.muli %scan3A_223, %mul3A_224 : i32
      %get3A = arith.constant 0 : i32
      %get3A_226 = arith.index_cast %get3A : i32 to index
      %get3A_227 = arith.index_cast %mul3A_225 : i32 to index
      %get3A_228 = tpu.vector_load %arg11[%get3A_226, %get3A_227] {strides = array<i32>} : memref<1x1024xf32, #tpu.memory_space<vmem>>, vector<1x16xf32>,
      %get3A_229 = vector.shape_cast %get3A_228 : vector<1x16xf32> to vector<16xf32>
      %get3A_230 = arith.constant 0 : i32
      %get3A_231 = arith.index_cast %get3A_230 : i32 to index
      %get3A_232 = arith.index_cast %mul3A_225 : i32 to index
      %get3A_233 = tpu.vector_load %arg12[%get3A_231, %get3A_232] {strides = array<i32>} : memref<1x1024xf32, #tpu.memory_space<vmem>>, vector<1x16xf32>,
      %get3A_234 = vector.shape_cast %get3A_233 : vector<1x16xf32> to vector<16xf32>
      %add3A_235 = arith.addf %get3A_229, %get3A_234 : vector<16xf32>
      %swap3A = arith.constant 1 : i32
      %swap3A_236 = arith.index_cast %swap3A : i32 to index
      %swap3A_237 = arith.index_cast %mul3A_225 : i32 to index
      %swap3A_238 = tpu.vector_load %arg10[%swap3A_236, %swap3A_237] {strides = array<i32>} : memref<3x1024xf32, #tpu.memory_space<vmem>>, vector<1x16xf32>,
      %swap3A_239 = vector.shape_cast %swap3A_238 : vector<1x16xf32> to vector<16xf32>
      %swap3A_240 = vector.shape_cast %add3A_235 : vector<16xf32> to vector<1x16xf32>
      tpu.vector_store %arg10[%swap3A_236, %swap3A_237], %swap3A_240 {strides = array<i32>} : memref<3x1024xf32, #tpu.memory_space<vmem>>, vector<1x16xf32>,
    }
    %scan3A_135 = arith.constant 64 : i32
    %add3A_136 = arith.constant 64 : i32
    %add3A_137 = arith.addi %mul3A_2, %add3A_136 : i32
    %rem3A_138 = arith.constant 1024 : i32
    %rem3A_139 = arith.remsi %add3A_137, %rem3A_138 : i32
    %jit3A_140 = arith.constant 32 : i32
    %div3A_141 = arith.divsi %rem3A_139, %jit3A_140 : i32
    %sign3A_142 = arith.constant 0 : i32
    %sign3A_143 = arith.cmpi sgt, %rem3A_139, %sign3A_142 : i32
    %sign3A_144 = arith.extui %sign3A_143 : i1 to i32
    %sign3A_145 = arith.constant 0 : i32
    %sign3A_146 = arith.cmpi slt, %rem3A_139, %sign3A_145 : i32
    %sign3A_147 = arith.extui %sign3A_146 : i1 to i32
    %sign3A_148 = arith.subi %sign3A_144, %sign3A_147 : i32
    %sign3A_149 = arith.constant 0 : i32
    %sign3A_150 = arith.cmpi sgt, %jit3A_140, %sign3A_149 : i32
    %sign3A_151 = arith.extui %sign3A_150 : i1 to i32
    %sign3A_152 = arith.constant 0 : i32
    %sign3A_153 = arith.cmpi slt, %jit3A_140, %sign3A_152 : i32
    %sign3A_154 = arith.extui %sign3A_153 : i1 to i32
    %sign3A_155 = arith.subi %sign3A_151, %sign3A_154 : i32
    %ne3A_156 = arith.cmpi ne, %sign3A_148, %sign3A_155 : i32
    %rem3A_157 = arith.remsi %rem3A_139, %jit3A_140 : i32
    %ne3A_158 = arith.constant 0 : i32
    %ne3A_159 = arith.cmpi ne, %rem3A_157, %ne3A_158 : i32
    %and3A_160 = arith.andi %ne3A_156, %ne3A_159 : i1
    %sub3A_161 = arith.constant 1 : i32
    %sub3A_162 = arith.subi %div3A_141, %sub3A_161 : i32
    %select_n3A_163 = arith.select %and3A_160, %sub3A_162, %div3A_141 : i32
    %jit3A_164 = arith.constant 1024 : i32
    %div3A_165 = arith.divsi %add3A_137, %jit3A_164 : i32
    %sign3A_166 = arith.constant 0 : i32
    %sign3A_167 = arith.cmpi sgt, %add3A_137, %sign3A_166 : i32
    %sign3A_168 = arith.extui %sign3A_167 : i1 to i32
    %sign3A_169 = arith.constant 0 : i32
    %sign3A_170 = arith.cmpi slt, %add3A_137, %sign3A_169 : i32
    %sign3A_171 = arith.extui %sign3A_170 : i1 to i32
    %sign3A_172 = arith.subi %sign3A_168, %sign3A_171 : i32
    %sign3A_173 = arith.constant 0 : i32
    %sign3A_174 = arith.cmpi sgt, %jit3A_164, %sign3A_173 : i32
    %sign3A_175 = arith.extui %sign3A_174 : i1 to i32
    %sign3A_176 = arith.constant 0 : i32
    %sign3A_177 = arith.cmpi slt, %jit3A_164, %sign3A_176 : i32
    %sign3A_178 = arith.extui %sign3A_177 : i1 to i32
    %sign3A_179 = arith.subi %sign3A_175, %sign3A_178 : i32
    %ne3A_180 = arith.cmpi ne, %sign3A_172, %sign3A_179 : i32
    %rem3A_181 = arith.remsi %add3A_137, %jit3A_164 : i32
    %ne3A_182 = arith.constant 0 : i32
    %ne3A_183 = arith.cmpi ne, %rem3A_181, %ne3A_182 : i32
    %and3A_184 = arith.andi %ne3A_180, %ne3A_183 : i1
    %sub3A_185 = arith.constant 1 : i32
    %sub3A_186 = arith.subi %div3A_165, %sub3A_185 : i32
    %select_n3A_187 = arith.select %and3A_184, %sub3A_186, %div3A_165 : i32
    "tpu.region"() ({
      %run_scoped3A = tpu.sem_alloc : memref<!tpu.dma_semaphore, #tpu.memory_space<semaphore_mem>>
      %dma_start3A_223 = arith.constant 0 : i32
      %dma_start3A_224 = tpu.memref_slice %arg4[%select_n3A_163, %dma_start3A_223] : memref<32x1024xf32, #tpu.memory_space<hbm>> -> memref<1x1024xf32, #tpu.memory_space<hbm>>
      %dma_start3A_225 = arith.constant 0 : i32
      %dma_start3A_226 = tpu.memref_slice %arg4[%select_n3A_163, %dma_start3A_225] : memref<32x1024xf32, #tpu.memory_space<hbm>> -> memref<1x1024xf32, #tpu.memory_space<hbm>>
      tpu.enqueue_dma source(%dma_start3A_226 : memref<1x1024xf32, #tpu.memory_space<hbm>>) target(%arg11 : memref<1x1024xf32, #tpu.memory_space<vmem>>) target_semaphore(%run_scoped3A : memref<!tpu.dma_semaphore, #tpu.memory_space<semaphore_mem>>)
      %dma_wait3A_227 = arith.constant 0 : i32
      %dma_wait3A_228 = tpu.memref_slice %arg4[%select_n3A_163, %dma_wait3A_227] : memref<32x1024xf32, #tpu.memory_space<hbm>> -> memref<1x1024xf32, #tpu.memory_space<hbm>>
      %dma_wait3A_229 = arith.constant 0 : i32
      %dma_wait3A_230 = tpu.memref_slice %arg4[%select_n3A_163, %dma_wait3A_229] : memref<32x1024xf32, #tpu.memory_space<hbm>> -> memref<1x1024xf32, #tpu.memory_space<hbm>>
      tpu.wait_dma2 semaphore(%run_scoped3A : memref<!tpu.dma_semaphore, #tpu.memory_space<semaphore_mem>>) src(%dma_wait3A_230 : memref<1x1024xf32, #tpu.memory_space<hbm>>) dst(%arg11 : memref<1x1024xf32, #tpu.memory_space<vmem>>)
      tpu.yield
    }) : () -> ()
    "tpu.region"() ({
      %run_scoped3A = tpu.sem_alloc : memref<!tpu.dma_semaphore, #tpu.memory_space<semaphore_mem>>
      %dma_start3A_223 = arith.constant 0 : i32
      %dma_start3A_224 = tpu.memref_slice %arg6[%select_n3A_187, %dma_start3A_223] : memref<3x1024xf32, #tpu.memory_space<hbm>> -> memref<1x1024xf32, #tpu.memory_space<hbm>>
      %dma_start3A_225 = arith.constant 0 : i32
      %dma_start3A_226 = tpu.memref_slice %arg6[%select_n3A_187, %dma_start3A_225] : memref<3x1024xf32, #tpu.memory_space<hbm>> -> memref<1x1024xf32, #tpu.memory_space<hbm>>
      tpu.enqueue_dma source(%dma_start3A_226 : memref<1x1024xf32, #tpu.memory_space<hbm>>) target(%arg12 : memref<1x1024xf32, #tpu.memory_space<vmem>>) target_semaphore(%run_scoped3A : memref<!tpu.dma_semaphore, #tpu.memory_space<semaphore_mem>>)
      %dma_wait3A_227 = arith.constant 0 : i32
      %dma_wait3A_228 = tpu.memref_slice %arg6[%select_n3A_187, %dma_wait3A_227] : memref<3x1024xf32, #tpu.memory_space<hbm>> -> memref<1x1024xf32, #tpu.memory_space<hbm>>
      %dma_wait3A_229 = arith.constant 0 : i32
      %dma_wait3A_230 = tpu.memref_slice %arg6[%select_n3A_187, %dma_wait3A_229] : memref<3x1024xf32, #tpu.memory_space<hbm>> -> memref<1x1024xf32, #tpu.memory_space<hbm>>
      tpu.wait_dma2 semaphore(%run_scoped3A : memref<!tpu.dma_semaphore, #tpu.memory_space<semaphore_mem>>) src(%dma_wait3A_230 : memref<1x1024xf32, #tpu.memory_space<hbm>>) dst(%arg12 : memref<1x1024xf32, #tpu.memory_space<vmem>>)
      tpu.yield
    }) : () -> ()
    %scan3A_188 = arith.constant 0 : i32
    %scan3A_189 = arith.constant 0 : i32
    %scan3A_190 = arith.constant 64 : i32
    %scan3A_191 = arith.addi %scan3A_189, %scan3A_190 : i32
    %scan3A_192 = arith.constant 1 : i32
    scf.for %scan3A_223 = %scan3A_189 to %scan3A_191 step %scan3A_192  : i32 {
      %mul3A_224 = arith.constant 16 : i32
      %mul3A_225 = arith.muli %scan3A_223, %mul3A_224 : i32
      %get3A = arith.constant 0 : i32
      %get3A_226 = arith.index_cast %get3A : i32 to index
      %get3A_227 = arith.index_cast %mul3A_225 : i32 to index
      %get3A_228 = tpu.vector_load %arg11[%get3A_226, %get3A_227] {strides = array<i32>} : memref<1x1024xf32, #tpu.memory_space<vmem>>, vector<1x16xf32>,
      %get3A_229 = vector.shape_cast %get3A_228 : vector<1x16xf32> to vector<16xf32>
      %get3A_230 = arith.constant 0 : i32
      %get3A_231 = arith.index_cast %get3A_230 : i32 to index
      %get3A_232 = arith.index_cast %mul3A_225 : i32 to index
      %get3A_233 = tpu.vector_load %arg12[%get3A_231, %get3A_232] {strides = array<i32>} : memref<1x1024xf32, #tpu.memory_space<vmem>>, vector<1x16xf32>,
      %get3A_234 = vector.shape_cast %get3A_233 : vector<1x16xf32> to vector<16xf32>
      %add3A_235 = arith.addf %get3A_229, %get3A_234 : vector<16xf32>
      %swap3A = arith.constant 2 : i32
      %swap3A_236 = arith.index_cast %swap3A : i32 to index
      %swap3A_237 = arith.index_cast %mul3A_225 : i32 to index
      %swap3A_238 = tpu.vector_load %arg10[%swap3A_236, %swap3A_237] {strides = array<i32>} : memref<3x1024xf32, #tpu.memory_space<vmem>>, vector<1x16xf32>,
      %swap3A_239 = vector.shape_cast %swap3A_238 : vector<1x16xf32> to vector<16xf32>
      %swap3A_240 = vector.shape_cast %add3A_235 : vector<16xf32> to vector<1x16xf32>
      tpu.vector_store %arg10[%swap3A_236, %swap3A_237], %swap3A_240 {strides = array<i32>} : memref<3x1024xf32, #tpu.memory_space<vmem>>, vector<1x16xf32>,
    }
    %scan3A_193 = arith.constant 64 : i32
    %scan3A_194 = arith.constant 0 : i32
    %scan3A_195 = arith.constant 0 : i32
    %scan3A_196 = arith.constant 8 : i32
    %scan3A_197 = arith.addi %scan3A_195, %scan3A_196 : i32
    %scan3A_198 = arith.constant 1 : i32
    scf.for %scan3A_223 = %scan3A_195 to %scan3A_197 step %scan3A_198  : i32 {
      %mul3A_224 = arith.constant 6 : i32
      %mul3A_225 = arith.muli %mul3A_224, %scan3A_223 : i32
      %add3A_226 = arith.constant 0 : i32
      %add3A_227 = arith.addi %mul3A_225, %add3A_226 : i32
      %jit3A_228 = arith.constant 6 : i32
      %div3A_229 = arith.divsi %add3A_227, %jit3A_228 : i32
      %sign3A_230 = arith.constant 0 : i32
      %sign3A_231 = arith.cmpi sgt, %add3A_227, %sign3A_230 : i32
      %sign3A_232 = arith.extui %sign3A_231 : i1 to i32
      %sign3A_233 = arith.constant 0 : i32
      %sign3A_234 = arith.cmpi slt, %add3A_227, %sign3A_233 : i32
      %sign3A_235 = arith.extui %sign3A_234 : i1 to i32
      %sign3A_236 = arith.subi %sign3A_232, %sign3A_235 : i32
      %sign3A_237 = arith.constant 0 : i32
      %sign3A_238 = arith.cmpi sgt, %jit3A_228, %sign3A_237 : i32
      %sign3A_239 = arith.extui %sign3A_238 : i1 to i32
      %sign3A_240 = arith.constant 0 : i32
      %sign3A_241 = arith.cmpi slt, %jit3A_228, %sign3A_240 : i32
      %sign3A_242 = arith.extui %sign3A_241 : i1 to i32
      %sign3A_243 = arith.subi %sign3A_239, %sign3A_242 : i32
      %ne3A_244 = arith.cmpi ne, %sign3A_236, %sign3A_243 : i32
      %rem3A_245 = arith.remsi %add3A_227, %jit3A_228 : i32
      %ne3A_246 = arith.constant 0 : i32
      %ne3A_247 = arith.cmpi ne, %rem3A_245, %ne3A_246 : i32
      %and3A_248 = arith.andi %ne3A_244, %ne3A_247 : i1
      %sub3A_249 = arith.constant 1 : i32
      %sub3A_250 = arith.subi %div3A_229, %sub3A_249 : i32
      %select_n3A_251 = arith.select %and3A_248, %sub3A_250, %div3A_229 : i32
      %rem3A_252 = arith.constant 6 : i32
      %rem3A_253 = arith.remsi %add3A_227, %rem3A_252 : i32
      %mul3A_254 = arith.constant 96 : i32
      %mul3A_255 = arith.muli %select_n3A_251, %mul3A_254 : i32
      %mul3A_256 = arith.constant 16 : i32
      %mul3A_257 = arith.muli %rem3A_253, %mul3A_256 : i32
      %add3A_258 = arith.addi %mul3A_255, %mul3A_257 : i32
      %multiple_of3A_259 = tpu.assume_multiple %add3A_258, 8 : i32
      %dma_wait3A_260 = tpu.memref_slice %arg8[%multiple_of3A_259] : memref<768xi32, #tpu.memory_space<vmem>> -> memref<16xi32, #tpu.memory_space<vmem>>
      %dma_wait3A_261 = arith.constant 0 : i32
      %dma_wait3A_262 = arith.constant 0 : i32
      %dma_wait3A_263 = tpu.memref_slice %arg3[%dma_wait3A_261, %dma_wait3A_262] : memref<512x1024xf32, #tpu.memory_space<hbm>> -> memref<512x1024xf32, #tpu.memory_space<hbm>>
      tpu.wait_indirect_dma semaphore(%arg18 : memref<!tpu.dma_semaphore, #tpu.memory_space<semaphore_mem>>) src(%dma_wait3A_263 : memref<512x1024xf32, #tpu.memory_space<hbm>>) dst(%arg13 : memref<16x1024xf32, #tpu.memory_space<vmem>>)
      %add3A_264 = arith.constant 2 : i32
      %add3A_265 = arith.addi %add3A_227, %add3A_264 : i32
      %lt3A = arith.constant 48 : i32
      %lt3A_266 = arith.cmpi slt, %add3A_265, %lt3A : i32
      %convert_element_type3A = arith.extui %lt3A_266 : i1 to i32
      %cond3A = arith.constant 0 : i32
      %cond3A_267 = arith.cmpi ne, %convert_element_type3A, %cond3A : i32
      scf.if %cond3A_267 {
        %add3A_945 = arith.constant 2 : i32
        %add3A_946 = arith.addi %add3A_227, %add3A_945 : i32
        %jit3A_947 = arith.constant 6 : i32
        %div3A_948 = arith.divsi %add3A_946, %jit3A_947 : i32
        %sign3A_949 = arith.constant 0 : i32
        %sign3A_950 = arith.cmpi sgt, %add3A_946, %sign3A_949 : i32
        %sign3A_951 = arith.extui %sign3A_950 : i1 to i32
        %sign3A_952 = arith.constant 0 : i32
        %sign3A_953 = arith.cmpi slt, %add3A_946, %sign3A_952 : i32
        %sign3A_954 = arith.extui %sign3A_953 : i1 to i32
        %sign3A_955 = arith.subi %sign3A_951, %sign3A_954 : i32
        %sign3A_956 = arith.constant 0 : i32
        %sign3A_957 = arith.cmpi sgt, %jit3A_947, %sign3A_956 : i32
        %sign3A_958 = arith.extui %sign3A_957 : i1 to i32
        %sign3A_959 = arith.constant 0 : i32
        %sign3A_960 = arith.cmpi slt, %jit3A_947, %sign3A_959 : i32
        %sign3A_961 = arith.extui %sign3A_960 : i1 to i32
        %sign3A_962 = arith.subi %sign3A_958, %sign3A_961 : i32
        %ne3A_963 = arith.cmpi ne, %sign3A_955, %sign3A_962 : i32
        %rem3A_964 = arith.remsi %add3A_946, %jit3A_947 : i32
        %ne3A_965 = arith.constant 0 : i32
        %ne3A_966 = arith.cmpi ne, %rem3A_964, %ne3A_965 : i32
        %and3A_967 = arith.andi %ne3A_963, %ne3A_966 : i1
        %sub3A_968 = arith.constant 1 : i32
        %sub3A_969 = arith.subi %div3A_948, %sub3A_968 : i32
        %select_n3A_970 = arith.select %and3A_967, %sub3A_969, %div3A_948 : i32
        %rem3A_971 = arith.constant 6 : i32
        %rem3A_972 = arith.remsi %add3A_946, %rem3A_971 : i32
        %mul3A_973 = arith.constant 96 : i32
        %mul3A_974 = arith.muli %select_n3A_970, %mul3A_973 : i32
        %mul3A_975 = arith.constant 16 : i32
        %mul3A_976 = arith.muli %rem3A_972, %mul3A_975 : i32
        %add3A_977 = arith.addi %mul3A_974, %mul3A_976 : i32
        %multiple_of3A_978 = tpu.assume_multiple %add3A_977, 8 : i32
        %dma_start3A_979 = tpu.memref_slice %arg8[%multiple_of3A_978] : memref<768xi32, #tpu.memory_space<vmem>> -> memref<16xi32, #tpu.memory_space<vmem>>
        %dma_start3A_980 = arith.constant 0 : i32
        %dma_start3A_981 = arith.constant 0 : i32
        %dma_start3A_982 = tpu.memref_slice %arg3[%dma_start3A_980, %dma_start3A_981] : memref<512x1024xf32, #tpu.memory_space<hbm>> -> memref<512x1024xf32, #tpu.memory_space<hbm>>
        tpu.enqueue_indirect_dma source(%dma_start3A_982 : memref<512x1024xf32, #tpu.memory_space<hbm>>) target(%arg15 : memref<16x1024xf32, #tpu.memory_space<vmem>>) offsets(%dma_start3A_979 : memref<16xi32, #tpu.memory_space<vmem>>) semaphore(%arg20 : memref<!tpu.dma_semaphore, #tpu.memory_space<semaphore_mem>>)
      } else {
      }
      %ge3A = arith.constant 2 : i32
      %ge3A_268 = arith.cmpi sge, %add3A_227, %ge3A : i32
      %convert_element_type3A_269 = arith.extui %ge3A_268 : i1 to i32
      %cond3A_270 = arith.constant 0 : i32
      %cond3A_271 = arith.cmpi ne, %convert_element_type3A_269, %cond3A_270 : i32
      scf.if %cond3A_271 {
        %sub3A_945 = arith.constant 2 : i32
        %sub3A_946 = arith.subi %add3A_227, %sub3A_945 : i32
        %jit3A_947 = arith.constant 6 : i32
        %div3A_948 = arith.divsi %sub3A_946, %jit3A_947 : i32
        %sign3A_949 = arith.constant 0 : i32
        %sign3A_950 = arith.cmpi sgt, %sub3A_946, %sign3A_949 : i32
        %sign3A_951 = arith.extui %sign3A_950 : i1 to i32
        %sign3A_952 = arith.constant 0 : i32
        %sign3A_953 = arith.cmpi slt, %sub3A_946, %sign3A_952 : i32
        %sign3A_954 = arith.extui %sign3A_953 : i1 to i32
        %sign3A_955 = arith.subi %sign3A_951, %sign3A_954 : i32
        %sign3A_956 = arith.constant 0 : i32
        %sign3A_957 = arith.cmpi sgt, %jit3A_947, %sign3A_956 : i32
        %sign3A_958 = arith.extui %sign3A_957 : i1 to i32
        %sign3A_959 = arith.constant 0 : i32
        %sign3A_960 = arith.cmpi slt, %jit3A_947, %sign3A_959 : i32
        %sign3A_961 = arith.extui %sign3A_960 : i1 to i32
        %sign3A_962 = arith.subi %sign3A_958, %sign3A_961 : i32
        %ne3A_963 = arith.cmpi ne, %sign3A_955, %sign3A_962 : i32
        %rem3A_964 = arith.remsi %sub3A_946, %jit3A_947 : i32
        %ne3A_965 = arith.constant 0 : i32
        %ne3A_966 = arith.cmpi ne, %rem3A_964, %ne3A_965 : i32
        %and3A_967 = arith.andi %ne3A_963, %ne3A_966 : i1
        %sub3A_968 = arith.constant 1 : i32
        %sub3A_969 = arith.subi %div3A_948, %sub3A_968 : i32
        %select_n3A_970 = arith.select %and3A_967, %sub3A_969, %div3A_948 : i32
        %rem3A_971 = arith.constant 6 : i32
        %rem3A_972 = arith.remsi %sub3A_946, %rem3A_971 : i32
        %mul3A_973 = arith.constant 3072 : i32
        %mul3A_974 = arith.muli %select_n3A_970, %mul3A_973 : i32
        %add3A_975 = arith.addi %mul3A_974, %mul3A_2 : i32
        %mul3A_976 = arith.constant 16 : i32
        %mul3A_977 = arith.muli %rem3A_972, %mul3A_976 : i32
        %add3A_978 = arith.addi %add3A_975, %mul3A_977 : i32
        %dma_wait3A_979 = arith.constant 0 : i32
        %dma_wait3A_980 = tpu.memref_slice %arg7[%add3A_978, %dma_wait3A_979] : memref<24576x1024xf32, #tpu.memory_space<hbm>> -> memref<16x1024xf32, #tpu.memory_space<hbm>>
        %dma_wait3A_981 = arith.constant 0 : i32
        %dma_wait3A_982 = tpu.memref_slice %arg7[%add3A_978, %dma_wait3A_981] : memref<24576x1024xf32, #tpu.memory_space<hbm>> -> memref<16x1024xf32, #tpu.memory_space<hbm>>
        tpu.wait_dma2 semaphore(%arg21 : memref<!tpu.dma_semaphore, #tpu.memory_space<semaphore_mem>>) src(%arg16 : memref<16x1024xf32, #tpu.memory_space<vmem>>) dst(%dma_wait3A_982 : memref<16x1024xf32, #tpu.memory_space<hbm>>)
      } else {
      }
      %rem3A_272 = arith.constant 6 : i32
      %rem3A_273 = arith.remsi %add3A_227, %rem3A_272 : i32
      %jit3A_274 = arith.constant 2 : i32
      %div3A_275 = arith.divsi %rem3A_273, %jit3A_274 : i32
      %sign3A_276 = arith.constant 0 : i32
      %sign3A_277 = arith.cmpi sgt, %rem3A_273, %sign3A_276 : i32
      %sign3A_278 = arith.extui %sign3A_277 : i1 to i32
      %sign3A_279 = arith.constant 0 : i32
      %sign3A_280 = arith.cmpi slt, %rem3A_273, %sign3A_279 : i32
      %sign3A_281 = arith.extui %sign3A_280 : i1 to i32
      %sign3A_282 = arith.subi %sign3A_278, %sign3A_281 : i32
      %sign3A_283 = arith.constant 0 : i32
      %sign3A_284 = arith.cmpi sgt, %jit3A_274, %sign3A_283 : i32
      %sign3A_285 = arith.extui %sign3A_284 : i1 to i32
      %sign3A_286 = arith.constant 0 : i32
      %sign3A_287 = arith.cmpi slt, %jit3A_274, %sign3A_286 : i32
      %sign3A_288 = arith.extui %sign3A_287 : i1 to i32
      %sign3A_289 = arith.subi %sign3A_285, %sign3A_288 : i32
      %ne3A_290 = arith.cmpi ne, %sign3A_282, %sign3A_289 : i32
      %rem3A_291 = arith.remsi %rem3A_273, %jit3A_274 : i32
      %ne3A_292 = arith.constant 0 : i32
      %ne3A_293 = arith.cmpi ne, %rem3A_291, %ne3A_292 : i32
      %and3A_294 = arith.andi %ne3A_290, %ne3A_293 : i1
      %sub3A_295 = arith.constant 1 : i32
      %sub3A_296 = arith.subi %div3A_275, %sub3A_295 : i32
      %select_n3A_297 = arith.select %and3A_294, %sub3A_296, %div3A_275 : i32
      %rem3A_298 = arith.constant 2 : i32
      %rem3A_299 = arith.remsi %rem3A_273, %rem3A_298 : i32
      %mul3A_300 = arith.constant 16 : i32
      %mul3A_301 = arith.muli %rem3A_299, %mul3A_300 : i32
      %parallel_loop3A = arith.constant 0 : i32
      %parallel_loop3A_302 = arith.constant 1024 : i32
      %parallel_loop3A_303 = arith.constant 1 : i32
      scf.for %parallel_loop3A_945 = %parallel_loop3A to %parallel_loop3A_302 step %parallel_loop3A_303  : i32 {
        %parallel_loop3A_946 = arith.constant 64 : i32
        %parallel_loop3A_947 = arith.divsi %parallel_loop3A_945, %parallel_loop3A_946 : i32
        %parallel_loop3A_948 = arith.constant 0 : i32
        %parallel_loop3A_949 = arith.cmpi sgt, %parallel_loop3A_945, %parallel_loop3A_948 : i32
        %parallel_loop3A_950 = arith.extui %parallel_loop3A_949 : i1 to i32
        %parallel_loop3A_951 = arith.constant 0 : i32
        %parallel_loop3A_952 = arith.cmpi slt, %parallel_loop3A_945, %parallel_loop3A_951 : i32
        %parallel_loop3A_953 = arith.extui %parallel_loop3A_952 : i1 to i32
        %parallel_loop3A_954 = arith.subi %parallel_loop3A_950, %parallel_loop3A_953 : i32
        %parallel_loop3A_955 = arith.constant 0 : i32
        %parallel_loop3A_956 = arith.cmpi sgt, %parallel_loop3A_946, %parallel_loop3A_955 : i32
        %parallel_loop3A_957 = arith.extui %parallel_loop3A_956 : i1 to i32
        %parallel_loop3A_958 = arith.constant 0 : i32
        %parallel_loop3A_959 = arith.cmpi slt, %parallel_loop3A_946, %parallel_loop3A_958 : i32
        %parallel_loop3A_960 = arith.extui %parallel_loop3A_959 : i1 to i32
        %parallel_loop3A_961 = arith.subi %parallel_loop3A_957, %parallel_loop3A_960 : i32
        %parallel_loop3A_962 = arith.cmpi ne, %parallel_loop3A_954, %parallel_loop3A_961 : i32
        %parallel_loop3A_963 = arith.remsi %parallel_loop3A_945, %parallel_loop3A_946 : i32
        %parallel_loop3A_964 = arith.constant 0 : i32
        %parallel_loop3A_965 = arith.cmpi ne, %parallel_loop3A_963, %parallel_loop3A_964 : i32
        %parallel_loop3A_966 = arith.andi %parallel_loop3A_962, %parallel_loop3A_965 : i1
        %parallel_loop3A_967 = arith.constant 1 : i32
        %parallel_loop3A_968 = arith.subi %parallel_loop3A_947, %parallel_loop3A_967 : i32
        %parallel_loop3A_969 = arith.select %parallel_loop3A_966, %parallel_loop3A_968, %parallel_loop3A_947 : i32
        %parallel_loop3A_970 = arith.constant 64 : i32
        %parallel_loop3A_971 = arith.remsi %parallel_loop3A_945, %parallel_loop3A_970 : i32
        %parallel_loop3A_972 = arith.constant 16 : i32
        %parallel_loop3A_973 = arith.muli %parallel_loop3A_971, %parallel_loop3A_972 : i32
        %parallel_loop3A_974 = arith.index_cast %parallel_loop3A_969 : i32 to index
        %parallel_loop3A_975 = arith.index_cast %parallel_loop3A_973 : i32 to index
        %parallel_loop3A_976 = tpu.vector_load %arg13[%parallel_loop3A_974, %parallel_loop3A_975] {strides = array<i32>} : memref<16x1024xf32, #tpu.memory_space<vmem>>, vector<1x16xf32>,
        %parallel_loop3A_977 = vector.shape_cast %parallel_loop3A_976 : vector<1x16xf32> to vector<16xf32>
        %parallel_loop3A_978 = arith.addi %mul3A_301, %parallel_loop3A_969 : i32
        %parallel_loop3A_979 = arith.index_cast %parallel_loop3A_978 : i32 to index
        %parallel_loop3A_980 = arith.index_cast %parallel_loop3A_973 : i32 to index
        %parallel_loop3A_981 = tpu.vector_load %arg9[%parallel_loop3A_979, %parallel_loop3A_980] {strides = array<i32>} : memref<32x1024xf32, #tpu.memory_space<vmem>>, vector<1x16xf32>,
        %parallel_loop3A_982 = vector.shape_cast %parallel_loop3A_981 : vector<1x16xf32> to vector<16xf32>
        %parallel_loop3A_983 = arith.addf %parallel_loop3A_977, %parallel_loop3A_982 : vector<16xf32>
        %parallel_loop3A_984 = arith.index_cast %select_n3A_297 : i32 to index
        %parallel_loop3A_985 = arith.index_cast %parallel_loop3A_973 : i32 to index
        %parallel_loop3A_986 = tpu.vector_load %arg10[%parallel_loop3A_984, %parallel_loop3A_985] {strides = array<i32>} : memref<3x1024xf32, #tpu.memory_space<vmem>>, vector<1x16xf32>,
        %parallel_loop3A_987 = vector.shape_cast %parallel_loop3A_986 : vector<1x16xf32> to vector<16xf32>
        %parallel_loop3A_988 = arith.addf %parallel_loop3A_983, %parallel_loop3A_987 : vector<16xf32>
        %parallel_loop3A_989 = arith.index_cast %parallel_loop3A_969 : i32 to index
        %parallel_loop3A_990 = arith.index_cast %parallel_loop3A_973 : i32 to index
        %parallel_loop3A_991 = tpu.vector_load %arg16[%parallel_loop3A_989, %parallel_loop3A_990] {strides = array<i32>} : memref<16x1024xf32, #tpu.memory_space<vmem>>, vector<1x16xf32>,
        %parallel_loop3A_992 = vector.shape_cast %parallel_loop3A_991 : vector<1x16xf32> to vector<16xf32>
        %parallel_loop3A_993 = vector.shape_cast %parallel_loop3A_988 : vector<16xf32> to vector<1x16xf32>
        tpu.vector_store %arg16[%parallel_loop3A_989, %parallel_loop3A_990], %parallel_loop3A_993 {strides = array<i32>} : memref<16x1024xf32, #tpu.memory_space<vmem>>, vector<1x16xf32>,
      } {sc.loop_unroll_factor = 16 : i64, sc.parallel_access}
      %jit3A_304 = arith.constant 6 : i32
      %div3A_305 = arith.divsi %add3A_227, %jit3A_304 : i32
      %sign3A_306 = arith.constant 0 : i32
      %sign3A_307 = arith.cmpi sgt, %add3A_227, %sign3A_306 : i32
      %sign3A_308 = arith.extui %sign3A_307 : i1 to i32
      %sign3A_309 = arith.constant 0 : i32
      %sign3A_310 = arith.cmpi slt, %add3A_227, %sign3A_309 : i32
      %sign3A_311 = arith.extui %sign3A_310 : i1 to i32
      %sign3A_312 = arith.subi %sign3A_308, %sign3A_311 : i32
      %sign3A_313 = arith.constant 0 : i32
      %sign3A_314 = arith.cmpi sgt, %jit3A_304, %sign3A_313 : i32
      %sign3A_315 = arith.extui %sign3A_314 : i1 to i32
      %sign3A_316 = arith.constant 0 : i32
      %sign3A_317 = arith.cmpi slt, %jit3A_304, %sign3A_316 : i32
      %sign3A_318 = arith.extui %sign3A_317 : i1 to i32
      %sign3A_319 = arith.subi %sign3A_315, %sign3A_318 : i32
      %ne3A_320 = arith.cmpi ne, %sign3A_312, %sign3A_319 : i32
      %rem3A_321 = arith.remsi %add3A_227, %jit3A_304 : i32
      %ne3A_322 = arith.constant 0 : i32
      %ne3A_323 = arith.cmpi ne, %rem3A_321, %ne3A_322 : i32
      %and3A_324 = arith.andi %ne3A_320, %ne3A_323 : i1
      %sub3A_325 = arith.constant 1 : i32
      %sub3A_326 = arith.subi %div3A_305, %sub3A_325 : i32
      %select_n3A_327 = arith.select %and3A_324, %sub3A_326, %div3A_305 : i32
      %rem3A_328 = arith.constant 6 : i32
      %rem3A_329 = arith.remsi %add3A_227, %rem3A_328 : i32
      %mul3A_330 = arith.constant 3072 : i32
      %mul3A_331 = arith.muli %select_n3A_327, %mul3A_330 : i32
      %add3A_332 = arith.addi %mul3A_331, %mul3A_2 : i32
      %mul3A_333 = arith.constant 16 : i32
      %mul3A_334 = arith.muli %rem3A_329, %mul3A_333 : i32
      %add3A_335 = arith.addi %add3A_332, %mul3A_334 : i32
      %dma_start3A_336 = arith.constant 0 : i32
      %dma_start3A_337 = tpu.memref_slice %arg7[%add3A_335, %dma_start3A_336] : memref<24576x1024xf32, #tpu.memory_space<hbm>> -> memref<16x1024xf32, #tpu.memory_space<hbm>>
      %dma_start3A_338 = arith.constant 0 : i32
      %dma_start3A_339 = tpu.memref_slice %arg7[%add3A_335, %dma_start3A_338] : memref<24576x1024xf32, #tpu.memory_space<hbm>> -> memref<16x1024xf32, #tpu.memory_space<hbm>>
      tpu.enqueue_dma source(%arg16 : memref<16x1024xf32, #tpu.memory_space<vmem>>) target(%dma_start3A_339 : memref<16x1024xf32, #tpu.memory_space<hbm>>) target_semaphore(%arg21 : memref<!tpu.dma_semaphore, #tpu.memory_space<semaphore_mem>>)
      %mul3A_340 = arith.constant 6 : i32
      %mul3A_341 = arith.muli %mul3A_340, %scan3A_223 : i32
      %add3A_342 = arith.constant 1 : i32
      %add3A_343 = arith.addi %mul3A_341, %add3A_342 : i32
      %jit3A_344 = arith.constant 6 : i32
      %div3A_345 = arith.divsi %add3A_343, %jit3A_344 : i32
      %sign3A_346 = arith.constant 0 : i32
      %sign3A_347 = arith.cmpi sgt, %add3A_343, %sign3A_346 : i32
      %sign3A_348 = arith.extui %sign3A_347 : i1 to i32
      %sign3A_349 = arith.constant 0 : i32
      %sign3A_350 = arith.cmpi slt, %add3A_343, %sign3A_349 : i32
      %sign3A_351 = arith.extui %sign3A_350 : i1 to i32
      %sign3A_352 = arith.subi %sign3A_348, %sign3A_351 : i32
      %sign3A_353 = arith.constant 0 : i32
      %sign3A_354 = arith.cmpi sgt, %jit3A_344, %sign3A_353 : i32
      %sign3A_355 = arith.extui %sign3A_354 : i1 to i32
      %sign3A_356 = arith.constant 0 : i32
      %sign3A_357 = arith.cmpi slt, %jit3A_344, %sign3A_356 : i32
      %sign3A_358 = arith.extui %sign3A_357 : i1 to i32
      %sign3A_359 = arith.subi %sign3A_355, %sign3A_358 : i32
      %ne3A_360 = arith.cmpi ne, %sign3A_352, %sign3A_359 : i32
      %rem3A_361 = arith.remsi %add3A_343, %jit3A_344 : i32
      %ne3A_362 = arith.constant 0 : i32
      %ne3A_363 = arith.cmpi ne, %rem3A_361, %ne3A_362 : i32
      %and3A_364 = arith.andi %ne3A_360, %ne3A_363 : i1
      %sub3A_365 = arith.constant 1 : i32
      %sub3A_366 = arith.subi %div3A_345, %sub3A_365 : i32
      %select_n3A_367 = arith.select %and3A_364, %sub3A_366, %div3A_345 : i32
      %rem3A_368 = arith.constant 6 : i32
      %rem3A_369 = arith.remsi %add3A_343, %rem3A_368 : i32
      %mul3A_370 = arith.constant 96 : i32
      %mul3A_371 = arith.muli %select_n3A_367, %mul3A_370 : i32
      %mul3A_372 = arith.constant 16 : i32
      %mul3A_373 = arith.muli %rem3A_369, %mul3A_372 : i32
      %add3A_374 = arith.addi %mul3A_371, %mul3A_373 : i32
      %multiple_of3A_375 = tpu.assume_multiple %add3A_374, 8 : i32
      %dma_wait3A_376 = tpu.memref_slice %arg8[%multiple_of3A_375] : memref<768xi32, #tpu.memory_space<vmem>> -> memref<16xi32, #tpu.memory_space<vmem>>
      %dma_wait3A_377 = arith.constant 0 : i32
      %dma_wait3A_378 = arith.constant 0 : i32
      %dma_wait3A_379 = tpu.memref_slice %arg3[%dma_wait3A_377, %dma_wait3A_378] : memref<512x1024xf32, #tpu.memory_space<hbm>> -> memref<512x1024xf32, #tpu.memory_space<hbm>>
      tpu.wait_indirect_dma semaphore(%arg19 : memref<!tpu.dma_semaphore, #tpu.memory_space<semaphore_mem>>) src(%dma_wait3A_379 : memref<512x1024xf32, #tpu.memory_space<hbm>>) dst(%arg14 : memref<16x1024xf32, #tpu.memory_space<vmem>>)
      %add3A_380 = arith.constant 2 : i32
      %add3A_381 = arith.addi %add3A_343, %add3A_380 : i32
      %lt3A_382 = arith.constant 48 : i32
      %lt3A_383 = arith.cmpi slt, %add3A_381, %lt3A_382 : i32
      %convert_element_type3A_384 = arith.extui %lt3A_383 : i1 to i32
      %cond3A_385 = arith.constant 0 : i32
      %cond3A_386 = arith.cmpi ne, %convert_element_type3A_384, %cond3A_385 : i32
      scf.if %cond3A_386 {
        %add3A_945 = arith.constant 2 : i32
        %add3A_946 = arith.addi %add3A_343, %add3A_945 : i32
        %jit3A_947 = arith.constant 6 : i32
        %div3A_948 = arith.divsi %add3A_946, %jit3A_947 : i32
        %sign3A_949 = arith.constant 0 : i32
        %sign3A_950 = arith.cmpi sgt, %add3A_946, %sign3A_949 : i32
        %sign3A_951 = arith.extui %sign3A_950 : i1 to i32
        %sign3A_952 = arith.constant 0 : i32
        %sign3A_953 = arith.cmpi slt, %add3A_946, %sign3A_952 : i32
        %sign3A_954 = arith.extui %sign3A_953 : i1 to i32
        %sign3A_955 = arith.subi %sign3A_951, %sign3A_954 : i32
        %sign3A_956 = arith.constant 0 : i32
        %sign3A_957 = arith.cmpi sgt, %jit3A_947, %sign3A_956 : i32
        %sign3A_958 = arith.extui %sign3A_957 : i1 to i32
        %sign3A_959 = arith.constant 0 : i32
        %sign3A_960 = arith.cmpi slt, %jit3A_947, %sign3A_959 : i32
        %sign3A_961 = arith.extui %sign3A_960 : i1 to i32
        %sign3A_962 = arith.subi %sign3A_958, %sign3A_961 : i32
        %ne3A_963 = arith.cmpi ne, %sign3A_955, %sign3A_962 : i32
        %rem3A_964 = arith.remsi %add3A_946, %jit3A_947 : i32
        %ne3A_965 = arith.constant 0 : i32
        %ne3A_966 = arith.cmpi ne, %rem3A_964, %ne3A_965 : i32
        %and3A_967 = arith.andi %ne3A_963, %ne3A_966 : i1
        %sub3A_968 = arith.constant 1 : i32
        %sub3A_969 = arith.subi %div3A_948, %sub3A_968 : i32
        %select_n3A_970 = arith.select %and3A_967, %sub3A_969, %div3A_948 : i32
        %rem3A_971 = arith.constant 6 : i32
        %rem3A_972 = arith.remsi %add3A_946, %rem3A_971 : i32
        %mul3A_973 = arith.constant 96 : i32
        %mul3A_974 = arith.muli %select_n3A_970, %mul3A_973 : i32
        %mul3A_975 = arith.constant 16 : i32
        %mul3A_976 = arith.muli %rem3A_972, %mul3A_975 : i32
        %add3A_977 = arith.addi %mul3A_974, %mul3A_976 : i32
        %multiple_of3A_978 = tpu.assume_multiple %add3A_977, 8 : i32
        %dma_start3A_979 = tpu.memref_slice %arg8[%multiple_of3A_978] : memref<768xi32, #tpu.memory_space<vmem>> -> memref<16xi32, #tpu.memory_space<vmem>>
        %dma_start3A_980 = arith.constant 0 : i32
        %dma_start3A_981 = arith.constant 0 : i32
        %dma_start3A_982 = tpu.memref_slice %arg3[%dma_start3A_980, %dma_start3A_981] : memref<512x1024xf32, #tpu.memory_space<hbm>> -> memref<512x1024xf32, #tpu.memory_space<hbm>>
        tpu.enqueue_indirect_dma source(%dma_start3A_982 : memref<512x1024xf32, #tpu.memory_space<hbm>>) target(%arg13 : memref<16x1024xf32, #tpu.memory_space<vmem>>) offsets(%dma_start3A_979 : memref<16xi32, #tpu.memory_space<vmem>>) semaphore(%arg18 : memref<!tpu.dma_semaphore, #tpu.memory_space<semaphore_mem>>)
      } else {
      }
      %ge3A_387 = arith.constant 2 : i32
      %ge3A_388 = arith.cmpi sge, %add3A_343, %ge3A_387 : i32
      %convert_element_type3A_389 = arith.extui %ge3A_388 : i1 to i32
      %cond3A_390 = arith.constant 0 : i32
      %cond3A_391 = arith.cmpi ne, %convert_element_type3A_389, %cond3A_390 : i32
      scf.if %cond3A_391 {
        %sub3A_945 = arith.constant 2 : i32
        %sub3A_946 = arith.subi %add3A_343, %sub3A_945 : i32
        %jit3A_947 = arith.constant 6 : i32
        %div3A_948 = arith.divsi %sub3A_946, %jit3A_947 : i32
        %sign3A_949 = arith.constant 0 : i32
        %sign3A_950 = arith.cmpi sgt, %sub3A_946, %sign3A_949 : i32
        %sign3A_951 = arith.extui %sign3A_950 : i1 to i32
        %sign3A_952 = arith.constant 0 : i32
        %sign3A_953 = arith.cmpi slt, %sub3A_946, %sign3A_952 : i32
        %sign3A_954 = arith.extui %sign3A_953 : i1 to i32
        %sign3A_955 = arith.subi %sign3A_951, %sign3A_954 : i32
        %sign3A_956 = arith.constant 0 : i32
        %sign3A_957 = arith.cmpi sgt, %jit3A_947, %sign3A_956 : i32
        %sign3A_958 = arith.extui %sign3A_957 : i1 to i32
        %sign3A_959 = arith.constant 0 : i32
        %sign3A_960 = arith.cmpi slt, %jit3A_947, %sign3A_959 : i32
        %sign3A_961 = arith.extui %sign3A_960 : i1 to i32
        %sign3A_962 = arith.subi %sign3A_958, %sign3A_961 : i32
        %ne3A_963 = arith.cmpi ne, %sign3A_955, %sign3A_962 : i32
        %rem3A_964 = arith.remsi %sub3A_946, %jit3A_947 : i32
        %ne3A_965 = arith.constant 0 : i32
        %ne3A_966 = arith.cmpi ne, %rem3A_964, %ne3A_965 : i32
        %and3A_967 = arith.andi %ne3A_963, %ne3A_966 : i1
        %sub3A_968 = arith.constant 1 : i32
        %sub3A_969 = arith.subi %div3A_948, %sub3A_968 : i32
        %select_n3A_970 = arith.select %and3A_967, %sub3A_969, %div3A_948 : i32
        %rem3A_971 = arith.constant 6 : i32
        %rem3A_972 = arith.remsi %sub3A_946, %rem3A_971 : i32
        %mul3A_973 = arith.constant 3072 : i32
        %mul3A_974 = arith.muli %select_n3A_970, %mul3A_973 : i32
        %add3A_975 = arith.addi %mul3A_974, %mul3A_2 : i32
        %mul3A_976 = arith.constant 16 : i32
        %mul3A_977 = arith.muli %rem3A_972, %mul3A_976 : i32
        %add3A_978 = arith.addi %add3A_975, %mul3A_977 : i32
        %dma_wait3A_979 = arith.constant 0 : i32
        %dma_wait3A_980 = tpu.memref_slice %arg7[%add3A_978, %dma_wait3A_979] : memref<24576x1024xf32, #tpu.memory_space<hbm>> -> memref<16x1024xf32, #tpu.memory_space<hbm>>
        %dma_wait3A_981 = arith.constant 0 : i32
        %dma_wait3A_982 = tpu.memref_slice %arg7[%add3A_978, %dma_wait3A_981] : memref<24576x1024xf32, #tpu.memory_space<hbm>> -> memref<16x1024xf32, #tpu.memory_space<hbm>>
        tpu.wait_dma2 semaphore(%arg22 : memref<!tpu.dma_semaphore, #tpu.memory_space<semaphore_mem>>) src(%arg17 : memref<16x1024xf32, #tpu.memory_space<vmem>>) dst(%dma_wait3A_982 : memref<16x1024xf32, #tpu.memory_space<hbm>>)
      } else {
      }
      %rem3A_392 = arith.constant 6 : i32
      %rem3A_393 = arith.remsi %add3A_343, %rem3A_392 : i32
      %jit3A_394 = arith.constant 2 : i32
      %div3A_395 = arith.divsi %rem3A_393, %jit3A_394 : i32
      %sign3A_396 = arith.constant 0 : i32
      %sign3A_397 = arith.cmpi sgt, %rem3A_393, %sign3A_396 : i32
      %sign3A_398 = arith.extui %sign3A_397 : i1 to i32
      %sign3A_399 = arith.constant 0 : i32
      %sign3A_400 = arith.cmpi slt, %rem3A_393, %sign3A_399 : i32
      %sign3A_401 = arith.extui %sign3A_400 : i1 to i32
      %sign3A_402 = arith.subi %sign3A_398, %sign3A_401 : i32
      %sign3A_403 = arith.constant 0 : i32
      %sign3A_404 = arith.cmpi sgt, %jit3A_394, %sign3A_403 : i32
      %sign3A_405 = arith.extui %sign3A_404 : i1 to i32
      %sign3A_406 = arith.constant 0 : i32
      %sign3A_407 = arith.cmpi slt, %jit3A_394, %sign3A_406 : i32
      %sign3A_408 = arith.extui %sign3A_407 : i1 to i32
      %sign3A_409 = arith.subi %sign3A_405, %sign3A_408 : i32
      %ne3A_410 = arith.cmpi ne, %sign3A_402, %sign3A_409 : i32
      %rem3A_411 = arith.remsi %rem3A_393, %jit3A_394 : i32
      %ne3A_412 = arith.constant 0 : i32
      %ne3A_413 = arith.cmpi ne, %rem3A_411, %ne3A_412 : i32
      %and3A_414 = arith.andi %ne3A_410, %ne3A_413 : i1
      %sub3A_415 = arith.constant 1 : i32
      %sub3A_416 = arith.subi %div3A_395, %sub3A_415 : i32
      %select_n3A_417 = arith.select %and3A_414, %sub3A_416, %div3A_395 : i32
      %rem3A_418 = arith.constant 2 : i32
      %rem3A_419 = arith.remsi %rem3A_393, %rem3A_418 : i32
      %mul3A_420 = arith.constant 16 : i32
      %mul3A_421 = arith.muli %rem3A_419, %mul3A_420 : i32
      %parallel_loop3A_422 = arith.constant 0 : i32
      %parallel_loop3A_423 = arith.constant 1024 : i32
      %parallel_loop3A_424 = arith.constant 1 : i32
      scf.for %parallel_loop3A_945 = %parallel_loop3A_422 to %parallel_loop3A_423 step %parallel_loop3A_424  : i32 {
        %parallel_loop3A_946 = arith.constant 64 : i32
        %parallel_loop3A_947 = arith.divsi %parallel_loop3A_945, %parallel_loop3A_946 : i32
        %parallel_loop3A_948 = arith.constant 0 : i32
        %parallel_loop3A_949 = arith.cmpi sgt, %parallel_loop3A_945, %parallel_loop3A_948 : i32
        %parallel_loop3A_950 = arith.extui %parallel_loop3A_949 : i1 to i32
        %parallel_loop3A_951 = arith.constant 0 : i32
        %parallel_loop3A_952 = arith.cmpi slt, %parallel_loop3A_945, %parallel_loop3A_951 : i32
        %parallel_loop3A_953 = arith.extui %parallel_loop3A_952 : i1 to i32
        %parallel_loop3A_954 = arith.subi %parallel_loop3A_950, %parallel_loop3A_953 : i32
        %parallel_loop3A_955 = arith.constant 0 : i32
        %parallel_loop3A_956 = arith.cmpi sgt, %parallel_loop3A_946, %parallel_loop3A_955 : i32
        %parallel_loop3A_957 = arith.extui %parallel_loop3A_956 : i1 to i32
        %parallel_loop3A_958 = arith.constant 0 : i32
        %parallel_loop3A_959 = arith.cmpi slt, %parallel_loop3A_946, %parallel_loop3A_958 : i32
        %parallel_loop3A_960 = arith.extui %parallel_loop3A_959 : i1 to i32
        %parallel_loop3A_961 = arith.subi %parallel_loop3A_957, %parallel_loop3A_960 : i32
        %parallel_loop3A_962 = arith.cmpi ne, %parallel_loop3A_954, %parallel_loop3A_961 : i32
        %parallel_loop3A_963 = arith.remsi %parallel_loop3A_945, %parallel_loop3A_946 : i32
        %parallel_loop3A_964 = arith.constant 0 : i32
        %parallel_loop3A_965 = arith.cmpi ne, %parallel_loop3A_963, %parallel_loop3A_964 : i32
        %parallel_loop3A_966 = arith.andi %parallel_loop3A_962, %parallel_loop3A_965 : i1
        %parallel_loop3A_967 = arith.constant 1 : i32
        %parallel_loop3A_968 = arith.subi %parallel_loop3A_947, %parallel_loop3A_967 : i32
        %parallel_loop3A_969 = arith.select %parallel_loop3A_966, %parallel_loop3A_968, %parallel_loop3A_947 : i32
        %parallel_loop3A_970 = arith.constant 64 : i32
        %parallel_loop3A_971 = arith.remsi %parallel_loop3A_945, %parallel_loop3A_970 : i32
        %parallel_loop3A_972 = arith.constant 16 : i32
        %parallel_loop3A_973 = arith.muli %parallel_loop3A_971, %parallel_loop3A_972 : i32
        %parallel_loop3A_974 = arith.index_cast %parallel_loop3A_969 : i32 to index
        %parallel_loop3A_975 = arith.index_cast %parallel_loop3A_973 : i32 to index
        %parallel_loop3A_976 = tpu.vector_load %arg14[%parallel_loop3A_974, %parallel_loop3A_975] {strides = array<i32>} : memref<16x1024xf32, #tpu.memory_space<vmem>>, vector<1x16xf32>,
        %parallel_loop3A_977 = vector.shape_cast %parallel_loop3A_976 : vector<1x16xf32> to vector<16xf32>
        %parallel_loop3A_978 = arith.addi %mul3A_421, %parallel_loop3A_969 : i32
        %parallel_loop3A_979 = arith.index_cast %parallel_loop3A_978 : i32 to index
        %parallel_loop3A_980 = arith.index_cast %parallel_loop3A_973 : i32 to index
        %parallel_loop3A_981 = tpu.vector_load %arg9[%parallel_loop3A_979, %parallel_loop3A_980] {strides = array<i32>} : memref<32x1024xf32, #tpu.memory_space<vmem>>, vector<1x16xf32>,
        %parallel_loop3A_982 = vector.shape_cast %parallel_loop3A_981 : vector<1x16xf32> to vector<16xf32>
        %parallel_loop3A_983 = arith.addf %parallel_loop3A_977, %parallel_loop3A_982 : vector<16xf32>
        %parallel_loop3A_984 = arith.index_cast %select_n3A_417 : i32 to index
        %parallel_loop3A_985 = arith.index_cast %parallel_loop3A_973 : i32 to index
        %parallel_loop3A_986 = tpu.vector_load %arg10[%parallel_loop3A_984, %parallel_loop3A_985] {strides = array<i32>} : memref<3x1024xf32, #tpu.memory_space<vmem>>, vector<1x16xf32>,
        %parallel_loop3A_987 = vector.shape_cast %parallel_loop3A_986 : vector<1x16xf32> to vector<16xf32>
        %parallel_loop3A_988 = arith.addf %parallel_loop3A_983, %parallel_loop3A_987 : vector<16xf32>
        %parallel_loop3A_989 = arith.index_cast %parallel_loop3A_969 : i32 to index
        %parallel_loop3A_990 = arith.index_cast %parallel_loop3A_973 : i32 to index
        %parallel_loop3A_991 = tpu.vector_load %arg17[%parallel_loop3A_989, %parallel_loop3A_990] {strides = array<i32>} : memref<16x1024xf32, #tpu.memory_space<vmem>>, vector<1x16xf32>,
        %parallel_loop3A_992 = vector.shape_cast %parallel_loop3A_991 : vector<1x16xf32> to vector<16xf32>
        %parallel_loop3A_993 = vector.shape_cast %parallel_loop3A_988 : vector<16xf32> to vector<1x16xf32>
        tpu.vector_store %arg17[%parallel_loop3A_989, %parallel_loop3A_990], %parallel_loop3A_993 {strides = array<i32>} : memref<16x1024xf32, #tpu.memory_space<vmem>>, vector<1x16xf32>,
      } {sc.loop_unroll_factor = 16 : i64, sc.parallel_access}
      %jit3A_425 = arith.constant 6 : i32
      %div3A_426 = arith.divsi %add3A_343, %jit3A_425 : i32
      %sign3A_427 = arith.constant 0 : i32
      %sign3A_428 = arith.cmpi sgt, %add3A_343, %sign3A_427 : i32
      %sign3A_429 = arith.extui %sign3A_428 : i1 to i32
      %sign3A_430 = arith.constant 0 : i32
      %sign3A_431 = arith.cmpi slt, %add3A_343, %sign3A_430 : i32
      %sign3A_432 = arith.extui %sign3A_431 : i1 to i32
      %sign3A_433 = arith.subi %sign3A_429, %sign3A_432 : i32
      %sign3A_434 = arith.constant 0 : i32
      %sign3A_435 = arith.cmpi sgt, %jit3A_425, %sign3A_434 : i32
      %sign3A_436 = arith.extui %sign3A_435 : i1 to i32
      %sign3A_437 = arith.constant 0 : i32
      %sign3A_438 = arith.cmpi slt, %jit3A_425, %sign3A_437 : i32
      %sign3A_439 = arith.extui %sign3A_438 : i1 to i32
      %sign3A_440 = arith.subi %sign3A_436, %sign3A_439 : i32
      %ne3A_441 = arith.cmpi ne, %sign3A_433, %sign3A_440 : i32
      %rem3A_442 = arith.remsi %add3A_343, %jit3A_425 : i32
      %ne3A_443 = arith.constant 0 : i32
      %ne3A_444 = arith.cmpi ne, %rem3A_442, %ne3A_443 : i32
      %and3A_445 = arith.andi %ne3A_441, %ne3A_444 : i1
      %sub3A_446 = arith.constant 1 : i32
      %sub3A_447 = arith.subi %div3A_426, %sub3A_446 : i32
      %select_n3A_448 = arith.select %and3A_445, %sub3A_447, %div3A_426 : i32
      %rem3A_449 = arith.constant 6 : i32
      %rem3A_450 = arith.remsi %add3A_343, %rem3A_449 : i32
      %mul3A_451 = arith.constant 3072 : i32
      %mul3A_452 = arith.muli %select_n3A_448, %mul3A_451 : i32
      %add3A_453 = arith.addi %mul3A_452, %mul3A_2 : i32
      %mul3A_454 = arith.constant 16 : i32
      %mul3A_455 = arith.muli %rem3A_450, %mul3A_454 : i32
      %add3A_456 = arith.addi %add3A_453, %mul3A_455 : i32
      %dma_start3A_457 = arith.constant 0 : i32
      %dma_start3A_458 = tpu.memref_slice %arg7[%add3A_456, %dma_start3A_457] : memref<24576x1024xf32, #tpu.memory_space<hbm>> -> memref<16x1024xf32, #tpu.memory_space<hbm>>
      %dma_start3A_459 = arith.constant 0 : i32
      %dma_start3A_460 = tpu.memref_slice %arg7[%add3A_456, %dma_start3A_459] : memref<24576x1024xf32, #tpu.memory_space<hbm>> -> memref<16x1024xf32, #tpu.memory_space<hbm>>
      tpu.enqueue_dma source(%arg17 : memref<16x1024xf32, #tpu.memory_space<vmem>>) target(%dma_start3A_460 : memref<16x1024xf32, #tpu.memory_space<hbm>>) target_semaphore(%arg22 : memref<!tpu.dma_semaphore, #tpu.memory_space<semaphore_mem>>)
      %mul3A_461 = arith.constant 6 : i32
      %mul3A_462 = arith.muli %mul3A_461, %scan3A_223 : i32
      %add3A_463 = arith.constant 2 : i32
      %add3A_464 = arith.addi %mul3A_462, %add3A_463 : i32
      %jit3A_465 = arith.constant 6 : i32
      %div3A_466 = arith.divsi %add3A_464, %jit3A_465 : i32
      %sign3A_467 = arith.constant 0 : i32
      %sign3A_468 = arith.cmpi sgt, %add3A_464, %sign3A_467 : i32
      %sign3A_469 = arith.extui %sign3A_468 : i1 to i32
      %sign3A_470 = arith.constant 0 : i32
      %sign3A_471 = arith.cmpi slt, %add3A_464, %sign3A_470 : i32
      %sign3A_472 = arith.extui %sign3A_471 : i1 to i32
      %sign3A_473 = arith.subi %sign3A_469, %sign3A_472 : i32
      %sign3A_474 = arith.constant 0 : i32
      %sign3A_475 = arith.cmpi sgt, %jit3A_465, %sign3A_474 : i32
      %sign3A_476 = arith.extui %sign3A_475 : i1 to i32
      %sign3A_477 = arith.constant 0 : i32
      %sign3A_478 = arith.cmpi slt, %jit3A_465, %sign3A_477 : i32
      %sign3A_479 = arith.extui %sign3A_478 : i1 to i32
      %sign3A_480 = arith.subi %sign3A_476, %sign3A_479 : i32
      %ne3A_481 = arith.cmpi ne, %sign3A_473, %sign3A_480 : i32
      %rem3A_482 = arith.remsi %add3A_464, %jit3A_465 : i32
      %ne3A_483 = arith.constant 0 : i32
      %ne3A_484 = arith.cmpi ne, %rem3A_482, %ne3A_483 : i32
      %and3A_485 = arith.andi %ne3A_481, %ne3A_484 : i1
      %sub3A_486 = arith.constant 1 : i32
      %sub3A_487 = arith.subi %div3A_466, %sub3A_486 : i32
      %select_n3A_488 = arith.select %and3A_485, %sub3A_487, %div3A_466 : i32
      %rem3A_489 = arith.constant 6 : i32
      %rem3A_490 = arith.remsi %add3A_464, %rem3A_489 : i32
      %mul3A_491 = arith.constant 96 : i32
      %mul3A_492 = arith.muli %select_n3A_488, %mul3A_491 : i32
      %mul3A_493 = arith.constant 16 : i32
      %mul3A_494 = arith.muli %rem3A_490, %mul3A_493 : i32
      %add3A_495 = arith.addi %mul3A_492, %mul3A_494 : i32
      %multiple_of3A_496 = tpu.assume_multiple %add3A_495, 8 : i32
      %dma_wait3A_497 = tpu.memref_slice %arg8[%multiple_of3A_496] : memref<768xi32, #tpu.memory_space<vmem>> -> memref<16xi32, #tpu.memory_space<vmem>>
      %dma_wait3A_498 = arith.constant 0 : i32
      %dma_wait3A_499 = arith.constant 0 : i32
      %dma_wait3A_500 = tpu.memref_slice %arg3[%dma_wait3A_498, %dma_wait3A_499] : memref<512x1024xf32, #tpu.memory_space<hbm>> -> memref<512x1024xf32, #tpu.memory_space<hbm>>
      tpu.wait_indirect_dma semaphore(%arg20 : memref<!tpu.dma_semaphore, #tpu.memory_space<semaphore_mem>>) src(%dma_wait3A_500 : memref<512x1024xf32, #tpu.memory_space<hbm>>) dst(%arg15 : memref<16x1024xf32, #tpu.memory_space<vmem>>)
      %add3A_501 = arith.constant 2 : i32
      %add3A_502 = arith.addi %add3A_464, %add3A_501 : i32
      %lt3A_503 = arith.constant 48 : i32
      %lt3A_504 = arith.cmpi slt, %add3A_502, %lt3A_503 : i32
      %convert_element_type3A_505 = arith.extui %lt3A_504 : i1 to i32
      %cond3A_506 = arith.constant 0 : i32
      %cond3A_507 = arith.cmpi ne, %convert_element_type3A_505, %cond3A_506 : i32
      scf.if %cond3A_507 {
        %add3A_945 = arith.constant 2 : i32
        %add3A_946 = arith.addi %add3A_464, %add3A_945 : i32
        %jit3A_947 = arith.constant 6 : i32
        %div3A_948 = arith.divsi %add3A_946, %jit3A_947 : i32
        %sign3A_949 = arith.constant 0 : i32
        %sign3A_950 = arith.cmpi sgt, %add3A_946, %sign3A_949 : i32
        %sign3A_951 = arith.extui %sign3A_950 : i1 to i32
        %sign3A_952 = arith.constant 0 : i32
        %sign3A_953 = arith.cmpi slt, %add3A_946, %sign3A_952 : i32
        %sign3A_954 = arith.extui %sign3A_953 : i1 to i32
        %sign3A_955 = arith.subi %sign3A_951, %sign3A_954 : i32
        %sign3A_956 = arith.constant 0 : i32
        %sign3A_957 = arith.cmpi sgt, %jit3A_947, %sign3A_956 : i32
        %sign3A_958 = arith.extui %sign3A_957 : i1 to i32
        %sign3A_959 = arith.constant 0 : i32
        %sign3A_960 = arith.cmpi slt, %jit3A_947, %sign3A_959 : i32
        %sign3A_961 = arith.extui %sign3A_960 : i1 to i32
        %sign3A_962 = arith.subi %sign3A_958, %sign3A_961 : i32
        %ne3A_963 = arith.cmpi ne, %sign3A_955, %sign3A_962 : i32
        %rem3A_964 = arith.remsi %add3A_946, %jit3A_947 : i32
        %ne3A_965 = arith.constant 0 : i32
        %ne3A_966 = arith.cmpi ne, %rem3A_964, %ne3A_965 : i32
        %and3A_967 = arith.andi %ne3A_963, %ne3A_966 : i1
        %sub3A_968 = arith.constant 1 : i32
        %sub3A_969 = arith.subi %div3A_948, %sub3A_968 : i32
        %select_n3A_970 = arith.select %and3A_967, %sub3A_969, %div3A_948 : i32
        %rem3A_971 = arith.constant 6 : i32
        %rem3A_972 = arith.remsi %add3A_946, %rem3A_971 : i32
        %mul3A_973 = arith.constant 96 : i32
        %mul3A_974 = arith.muli %select_n3A_970, %mul3A_973 : i32
        %mul3A_975 = arith.constant 16 : i32
        %mul3A_976 = arith.muli %rem3A_972, %mul3A_975 : i32
        %add3A_977 = arith.addi %mul3A_974, %mul3A_976 : i32
        %multiple_of3A_978 = tpu.assume_multiple %add3A_977, 8 : i32
        %dma_start3A_979 = tpu.memref_slice %arg8[%multiple_of3A_978] : memref<768xi32, #tpu.memory_space<vmem>> -> memref<16xi32, #tpu.memory_space<vmem>>
        %dma_start3A_980 = arith.constant 0 : i32
        %dma_start3A_981 = arith.constant 0 : i32
        %dma_start3A_982 = tpu.memref_slice %arg3[%dma_start3A_980, %dma_start3A_981] : memref<512x1024xf32, #tpu.memory_space<hbm>> -> memref<512x1024xf32, #tpu.memory_space<hbm>>
        tpu.enqueue_indirect_dma source(%dma_start3A_982 : memref<512x1024xf32, #tpu.memory_space<hbm>>) target(%arg14 : memref<16x1024xf32, #tpu.memory_space<vmem>>) offsets(%dma_start3A_979 : memref<16xi32, #tpu.memory_space<vmem>>) semaphore(%arg19 : memref<!tpu.dma_semaphore, #tpu.memory_space<semaphore_mem>>)
      } else {
      }
      %ge3A_508 = arith.constant 2 : i32
      %ge3A_509 = arith.cmpi sge, %add3A_464, %ge3A_508 : i32
      %convert_element_type3A_510 = arith.extui %ge3A_509 : i1 to i32
      %cond3A_511 = arith.constant 0 : i32
      %cond3A_512 = arith.cmpi ne, %convert_element_type3A_510, %cond3A_511 : i32
      scf.if %cond3A_512 {
        %sub3A_945 = arith.constant 2 : i32
        %sub3A_946 = arith.subi %add3A_464, %sub3A_945 : i32
        %jit3A_947 = arith.constant 6 : i32
        %div3A_948 = arith.divsi %sub3A_946, %jit3A_947 : i32
        %sign3A_949 = arith.constant 0 : i32
        %sign3A_950 = arith.cmpi sgt, %sub3A_946, %sign3A_949 : i32
        %sign3A_951 = arith.extui %sign3A_950 : i1 to i32
        %sign3A_952 = arith.constant 0 : i32
        %sign3A_953 = arith.cmpi slt, %sub3A_946, %sign3A_952 : i32
        %sign3A_954 = arith.extui %sign3A_953 : i1 to i32
        %sign3A_955 = arith.subi %sign3A_951, %sign3A_954 : i32
        %sign3A_956 = arith.constant 0 : i32
        %sign3A_957 = arith.cmpi sgt, %jit3A_947, %sign3A_956 : i32
        %sign3A_958 = arith.extui %sign3A_957 : i1 to i32
        %sign3A_959 = arith.constant 0 : i32
        %sign3A_960 = arith.cmpi slt, %jit3A_947, %sign3A_959 : i32
        %sign3A_961 = arith.extui %sign3A_960 : i1 to i32
        %sign3A_962 = arith.subi %sign3A_958, %sign3A_961 : i32
        %ne3A_963 = arith.cmpi ne, %sign3A_955, %sign3A_962 : i32
        %rem3A_964 = arith.remsi %sub3A_946, %jit3A_947 : i32
        %ne3A_965 = arith.constant 0 : i32
        %ne3A_966 = arith.cmpi ne, %rem3A_964, %ne3A_965 : i32
        %and3A_967 = arith.andi %ne3A_963, %ne3A_966 : i1
        %sub3A_968 = arith.constant 1 : i32
        %sub3A_969 = arith.subi %div3A_948, %sub3A_968 : i32
        %select_n3A_970 = arith.select %and3A_967, %sub3A_969, %div3A_948 : i32
        %rem3A_971 = arith.constant 6 : i32
        %rem3A_972 = arith.remsi %sub3A_946, %rem3A_971 : i32
        %mul3A_973 = arith.constant 3072 : i32
        %mul3A_974 = arith.muli %select_n3A_970, %mul3A_973 : i32
        %add3A_975 = arith.addi %mul3A_974, %mul3A_2 : i32
        %mul3A_976 = arith.constant 16 : i32
        %mul3A_977 = arith.muli %rem3A_972, %mul3A_976 : i32
        %add3A_978 = arith.addi %add3A_975, %mul3A_977 : i32
        %dma_wait3A_979 = arith.constant 0 : i32
        %dma_wait3A_980 = tpu.memref_slice %arg7[%add3A_978, %dma_wait3A_979] : memref<24576x1024xf32, #tpu.memory_space<hbm>> -> memref<16x1024xf32, #tpu.memory_space<hbm>>
        %dma_wait3A_981 = arith.constant 0 : i32
        %dma_wait3A_982 = tpu.memref_slice %arg7[%add3A_978, %dma_wait3A_981] : memref<24576x1024xf32, #tpu.memory_space<hbm>> -> memref<16x1024xf32, #tpu.memory_space<hbm>>
        tpu.wait_dma2 semaphore(%arg21 : memref<!tpu.dma_semaphore, #tpu.memory_space<semaphore_mem>>) src(%arg16 : memref<16x1024xf32, #tpu.memory_space<vmem>>) dst(%dma_wait3A_982 : memref<16x1024xf32, #tpu.memory_space<hbm>>)
      } else {
      }
      %rem3A_513 = arith.constant 6 : i32
      %rem3A_514 = arith.remsi %add3A_464, %rem3A_513 : i32
      %jit3A_515 = arith.constant 2 : i32
      %div3A_516 = arith.divsi %rem3A_514, %jit3A_515 : i32
      %sign3A_517 = arith.constant 0 : i32
      %sign3A_518 = arith.cmpi sgt, %rem3A_514, %sign3A_517 : i32
      %sign3A_519 = arith.extui %sign3A_518 : i1 to i32
      %sign3A_520 = arith.constant 0 : i32
      %sign3A_521 = arith.cmpi slt, %rem3A_514, %sign3A_520 : i32
      %sign3A_522 = arith.extui %sign3A_521 : i1 to i32
      %sign3A_523 = arith.subi %sign3A_519, %sign3A_522 : i32
      %sign3A_524 = arith.constant 0 : i32
      %sign3A_525 = arith.cmpi sgt, %jit3A_515, %sign3A_524 : i32
      %sign3A_526 = arith.extui %sign3A_525 : i1 to i32
      %sign3A_527 = arith.constant 0 : i32
      %sign3A_528 = arith.cmpi slt, %jit3A_515, %sign3A_527 : i32
      %sign3A_529 = arith.extui %sign3A_528 : i1 to i32
      %sign3A_530 = arith.subi %sign3A_526, %sign3A_529 : i32
      %ne3A_531 = arith.cmpi ne, %sign3A_523, %sign3A_530 : i32
      %rem3A_532 = arith.remsi %rem3A_514, %jit3A_515 : i32
      %ne3A_533 = arith.constant 0 : i32
      %ne3A_534 = arith.cmpi ne, %rem3A_532, %ne3A_533 : i32
      %and3A_535 = arith.andi %ne3A_531, %ne3A_534 : i1
      %sub3A_536 = arith.constant 1 : i32
      %sub3A_537 = arith.subi %div3A_516, %sub3A_536 : i32
      %select_n3A_538 = arith.select %and3A_535, %sub3A_537, %div3A_516 : i32
      %rem3A_539 = arith.constant 2 : i32
      %rem3A_540 = arith.remsi %rem3A_514, %rem3A_539 : i32
      %mul3A_541 = arith.constant 16 : i32
      %mul3A_542 = arith.muli %rem3A_540, %mul3A_541 : i32
      %parallel_loop3A_543 = arith.constant 0 : i32
      %parallel_loop3A_544 = arith.constant 1024 : i32
      %parallel_loop3A_545 = arith.constant 1 : i32
      scf.for %parallel_loop3A_945 = %parallel_loop3A_543 to %parallel_loop3A_544 step %parallel_loop3A_545  : i32 {
        %parallel_loop3A_946 = arith.constant 64 : i32
        %parallel_loop3A_947 = arith.divsi %parallel_loop3A_945, %parallel_loop3A_946 : i32
        %parallel_loop3A_948 = arith.constant 0 : i32
        %parallel_loop3A_949 = arith.cmpi sgt, %parallel_loop3A_945, %parallel_loop3A_948 : i32
        %parallel_loop3A_950 = arith.extui %parallel_loop3A_949 : i1 to i32
        %parallel_loop3A_951 = arith.constant 0 : i32
        %parallel_loop3A_952 = arith.cmpi slt, %parallel_loop3A_945, %parallel_loop3A_951 : i32
        %parallel_loop3A_953 = arith.extui %parallel_loop3A_952 : i1 to i32
        %parallel_loop3A_954 = arith.subi %parallel_loop3A_950, %parallel_loop3A_953 : i32
        %parallel_loop3A_955 = arith.constant 0 : i32
        %parallel_loop3A_956 = arith.cmpi sgt, %parallel_loop3A_946, %parallel_loop3A_955 : i32
        %parallel_loop3A_957 = arith.extui %parallel_loop3A_956 : i1 to i32
        %parallel_loop3A_958 = arith.constant 0 : i32
        %parallel_loop3A_959 = arith.cmpi slt, %parallel_loop3A_946, %parallel_loop3A_958 : i32
        %parallel_loop3A_960 = arith.extui %parallel_loop3A_959 : i1 to i32
        %parallel_loop3A_961 = arith.subi %parallel_loop3A_957, %parallel_loop3A_960 : i32
        %parallel_loop3A_962 = arith.cmpi ne, %parallel_loop3A_954, %parallel_loop3A_961 : i32
        %parallel_loop3A_963 = arith.remsi %parallel_loop3A_945, %parallel_loop3A_946 : i32
        %parallel_loop3A_964 = arith.constant 0 : i32
        %parallel_loop3A_965 = arith.cmpi ne, %parallel_loop3A_963, %parallel_loop3A_964 : i32
        %parallel_loop3A_966 = arith.andi %parallel_loop3A_962, %parallel_loop3A_965 : i1
        %parallel_loop3A_967 = arith.constant 1 : i32
        %parallel_loop3A_968 = arith.subi %parallel_loop3A_947, %parallel_loop3A_967 : i32
        %parallel_loop3A_969 = arith.select %parallel_loop3A_966, %parallel_loop3A_968, %parallel_loop3A_947 : i32
        %parallel_loop3A_970 = arith.constant 64 : i32
        %parallel_loop3A_971 = arith.remsi %parallel_loop3A_945, %parallel_loop3A_970 : i32
        %parallel_loop3A_972 = arith.constant 16 : i32
        %parallel_loop3A_973 = arith.muli %parallel_loop3A_971, %parallel_loop3A_972 : i32
        %parallel_loop3A_974 = arith.index_cast %parallel_loop3A_969 : i32 to index
        %parallel_loop3A_975 = arith.index_cast %parallel_loop3A_973 : i32 to index
        %parallel_loop3A_976 = tpu.vector_load %arg15[%parallel_loop3A_974, %parallel_loop3A_975] {strides = array<i32>} : memref<16x1024xf32, #tpu.memory_space<vmem>>, vector<1x16xf32>,
        %parallel_loop3A_977 = vector.shape_cast %parallel_loop3A_976 : vector<1x16xf32> to vector<16xf32>
        %parallel_loop3A_978 = arith.addi %mul3A_542, %parallel_loop3A_969 : i32
        %parallel_loop3A_979 = arith.index_cast %parallel_loop3A_978 : i32 to index
        %parallel_loop3A_980 = arith.index_cast %parallel_loop3A_973 : i32 to index
        %parallel_loop3A_981 = tpu.vector_load %arg9[%parallel_loop3A_979, %parallel_loop3A_980] {strides = array<i32>} : memref<32x1024xf32, #tpu.memory_space<vmem>>, vector<1x16xf32>,
        %parallel_loop3A_982 = vector.shape_cast %parallel_loop3A_981 : vector<1x16xf32> to vector<16xf32>
        %parallel_loop3A_983 = arith.addf %parallel_loop3A_977, %parallel_loop3A_982 : vector<16xf32>
        %parallel_loop3A_984 = arith.index_cast %select_n3A_538 : i32 to index
        %parallel_loop3A_985 = arith.index_cast %parallel_loop3A_973 : i32 to index
        %parallel_loop3A_986 = tpu.vector_load %arg10[%parallel_loop3A_984, %parallel_loop3A_985] {strides = array<i32>} : memref<3x1024xf32, #tpu.memory_space<vmem>>, vector<1x16xf32>,
        %parallel_loop3A_987 = vector.shape_cast %parallel_loop3A_986 : vector<1x16xf32> to vector<16xf32>
        %parallel_loop3A_988 = arith.addf %parallel_loop3A_983, %parallel_loop3A_987 : vector<16xf32>
        %parallel_loop3A_989 = arith.index_cast %parallel_loop3A_969 : i32 to index
        %parallel_loop3A_990 = arith.index_cast %parallel_loop3A_973 : i32 to index
        %parallel_loop3A_991 = tpu.vector_load %arg16[%parallel_loop3A_989, %parallel_loop3A_990] {strides = array<i32>} : memref<16x1024xf32, #tpu.memory_space<vmem>>, vector<1x16xf32>,
        %parallel_loop3A_992 = vector.shape_cast %parallel_loop3A_991 : vector<1x16xf32> to vector<16xf32>
        %parallel_loop3A_993 = vector.shape_cast %parallel_loop3A_988 : vector<16xf32> to vector<1x16xf32>
        tpu.vector_store %arg16[%parallel_loop3A_989, %parallel_loop3A_990], %parallel_loop3A_993 {strides = array<i32>} : memref<16x1024xf32, #tpu.memory_space<vmem>>, vector<1x16xf32>,
      } {sc.loop_unroll_factor = 16 : i64, sc.parallel_access}
      %jit3A_546 = arith.constant 6 : i32
      %div3A_547 = arith.divsi %add3A_464, %jit3A_546 : i32
      %sign3A_548 = arith.constant 0 : i32
      %sign3A_549 = arith.cmpi sgt, %add3A_464, %sign3A_548 : i32
      %sign3A_550 = arith.extui %sign3A_549 : i1 to i32
      %sign3A_551 = arith.constant 0 : i32
      %sign3A_552 = arith.cmpi slt, %add3A_464, %sign3A_551 : i32
      %sign3A_553 = arith.extui %sign3A_552 : i1 to i32
      %sign3A_554 = arith.subi %sign3A_550, %sign3A_553 : i32
      %sign3A_555 = arith.constant 0 : i32
      %sign3A_556 = arith.cmpi sgt, %jit3A_546, %sign3A_555 : i32
      %sign3A_557 = arith.extui %sign3A_556 : i1 to i32
      %sign3A_558 = arith.constant 0 : i32
      %sign3A_559 = arith.cmpi slt, %jit3A_546, %sign3A_558 : i32
      %sign3A_560 = arith.extui %sign3A_559 : i1 to i32
      %sign3A_561 = arith.subi %sign3A_557, %sign3A_560 : i32
      %ne3A_562 = arith.cmpi ne, %sign3A_554, %sign3A_561 : i32
      %rem3A_563 = arith.remsi %add3A_464, %jit3A_546 : i32
      %ne3A_564 = arith.constant 0 : i32
      %ne3A_565 = arith.cmpi ne, %rem3A_563, %ne3A_564 : i32
      %and3A_566 = arith.andi %ne3A_562, %ne3A_565 : i1
      %sub3A_567 = arith.constant 1 : i32
      %sub3A_568 = arith.subi %div3A_547, %sub3A_567 : i32
      %select_n3A_569 = arith.select %and3A_566, %sub3A_568, %div3A_547 : i32
      %rem3A_570 = arith.constant 6 : i32
      %rem3A_571 = arith.remsi %add3A_464, %rem3A_570 : i32
      %mul3A_572 = arith.constant 3072 : i32
      %mul3A_573 = arith.muli %select_n3A_569, %mul3A_572 : i32
      %add3A_574 = arith.addi %mul3A_573, %mul3A_2 : i32
      %mul3A_575 = arith.constant 16 : i32
      %mul3A_576 = arith.muli %rem3A_571, %mul3A_575 : i32
      %add3A_577 = arith.addi %add3A_574, %mul3A_576 : i32
      %dma_start3A_578 = arith.constant 0 : i32
      %dma_start3A_579 = tpu.memref_slice %arg7[%add3A_577, %dma_start3A_578] : memref<24576x1024xf32, #tpu.memory_space<hbm>> -> memref<16x1024xf32, #tpu.memory_space<hbm>>
      %dma_start3A_580 = arith.constant 0 : i32
      %dma_start3A_581 = tpu.memref_slice %arg7[%add3A_577, %dma_start3A_580] : memref<24576x1024xf32, #tpu.memory_space<hbm>> -> memref<16x1024xf32, #tpu.memory_space<hbm>>
      tpu.enqueue_dma source(%arg16 : memref<16x1024xf32, #tpu.memory_space<vmem>>) target(%dma_start3A_581 : memref<16x1024xf32, #tpu.memory_space<hbm>>) target_semaphore(%arg21 : memref<!tpu.dma_semaphore, #tpu.memory_space<semaphore_mem>>)
      %mul3A_582 = arith.constant 6 : i32
      %mul3A_583 = arith.muli %mul3A_582, %scan3A_223 : i32
      %add3A_584 = arith.constant 3 : i32
      %add3A_585 = arith.addi %mul3A_583, %add3A_584 : i32
      %jit3A_586 = arith.constant 6 : i32
      %div3A_587 = arith.divsi %add3A_585, %jit3A_586 : i32
      %sign3A_588 = arith.constant 0 : i32
      %sign3A_589 = arith.cmpi sgt, %add3A_585, %sign3A_588 : i32
      %sign3A_590 = arith.extui %sign3A_589 : i1 to i32
      %sign3A_591 = arith.constant 0 : i32
      %sign3A_592 = arith.cmpi slt, %add3A_585, %sign3A_591 : i32
      %sign3A_593 = arith.extui %sign3A_592 : i1 to i32
      %sign3A_594 = arith.subi %sign3A_590, %sign3A_593 : i32
      %sign3A_595 = arith.constant 0 : i32
      %sign3A_596 = arith.cmpi sgt, %jit3A_586, %sign3A_595 : i32
      %sign3A_597 = arith.extui %sign3A_596 : i1 to i32
      %sign3A_598 = arith.constant 0 : i32
      %sign3A_599 = arith.cmpi slt, %jit3A_586, %sign3A_598 : i32
      %sign3A_600 = arith.extui %sign3A_599 : i1 to i32
      %sign3A_601 = arith.subi %sign3A_597, %sign3A_600 : i32
      %ne3A_602 = arith.cmpi ne, %sign3A_594, %sign3A_601 : i32
      %rem3A_603 = arith.remsi %add3A_585, %jit3A_586 : i32
      %ne3A_604 = arith.constant 0 : i32
      %ne3A_605 = arith.cmpi ne, %rem3A_603, %ne3A_604 : i32
      %and3A_606 = arith.andi %ne3A_602, %ne3A_605 : i1
      %sub3A_607 = arith.constant 1 : i32
      %sub3A_608 = arith.subi %div3A_587, %sub3A_607 : i32
      %select_n3A_609 = arith.select %and3A_606, %sub3A_608, %div3A_587 : i32
      %rem3A_610 = arith.constant 6 : i32
      %rem3A_611 = arith.remsi %add3A_585, %rem3A_610 : i32
      %mul3A_612 = arith.constant 96 : i32
      %mul3A_613 = arith.muli %select_n3A_609, %mul3A_612 : i32
      %mul3A_614 = arith.constant 16 : i32
      %mul3A_615 = arith.muli %rem3A_611, %mul3A_614 : i32
      %add3A_616 = arith.addi %mul3A_613, %mul3A_615 : i32
      %multiple_of3A_617 = tpu.assume_multiple %add3A_616, 8 : i32
      %dma_wait3A_618 = tpu.memref_slice %arg8[%multiple_of3A_617] : memref<768xi32, #tpu.memory_space<vmem>> -> memref<16xi32, #tpu.memory_space<vmem>>
      %dma_wait3A_619 = arith.constant 0 : i32
      %dma_wait3A_620 = arith.constant 0 : i32
      %dma_wait3A_621 = tpu.memref_slice %arg3[%dma_wait3A_619, %dma_wait3A_620] : memref<512x1024xf32, #tpu.memory_space<hbm>> -> memref<512x1024xf32, #tpu.memory_space<hbm>>
      tpu.wait_indirect_dma semaphore(%arg18 : memref<!tpu.dma_semaphore, #tpu.memory_space<semaphore_mem>>) src(%dma_wait3A_621 : memref<512x1024xf32, #tpu.memory_space<hbm>>) dst(%arg13 : memref<16x1024xf32, #tpu.memory_space<vmem>>)
      %add3A_622 = arith.constant 2 : i32
      %add3A_623 = arith.addi %add3A_585, %add3A_622 : i32
      %lt3A_624 = arith.constant 48 : i32
      %lt3A_625 = arith.cmpi slt, %add3A_623, %lt3A_624 : i32
      %convert_element_type3A_626 = arith.extui %lt3A_625 : i1 to i32
      %cond3A_627 = arith.constant 0 : i32
      %cond3A_628 = arith.cmpi ne, %convert_element_type3A_626, %cond3A_627 : i32
      scf.if %cond3A_628 {
        %add3A_945 = arith.constant 2 : i32
        %add3A_946 = arith.addi %add3A_585, %add3A_945 : i32
        %jit3A_947 = arith.constant 6 : i32
        %div3A_948 = arith.divsi %add3A_946, %jit3A_947 : i32
        %sign3A_949 = arith.constant 0 : i32
        %sign3A_950 = arith.cmpi sgt, %add3A_946, %sign3A_949 : i32
        %sign3A_951 = arith.extui %sign3A_950 : i1 to i32
        %sign3A_952 = arith.constant 0 : i32
        %sign3A_953 = arith.cmpi slt, %add3A_946, %sign3A_952 : i32
        %sign3A_954 = arith.extui %sign3A_953 : i1 to i32
        %sign3A_955 = arith.subi %sign3A_951, %sign3A_954 : i32
        %sign3A_956 = arith.constant 0 : i32
        %sign3A_957 = arith.cmpi sgt, %jit3A_947, %sign3A_956 : i32
        %sign3A_958 = arith.extui %sign3A_957 : i1 to i32
        %sign3A_959 = arith.constant 0 : i32
        %sign3A_960 = arith.cmpi slt, %jit3A_947, %sign3A_959 : i32
        %sign3A_961 = arith.extui %sign3A_960 : i1 to i32
        %sign3A_962 = arith.subi %sign3A_958, %sign3A_961 : i32
        %ne3A_963 = arith.cmpi ne, %sign3A_955, %sign3A_962 : i32
        %rem3A_964 = arith.remsi %add3A_946, %jit3A_947 : i32
        %ne3A_965 = arith.constant 0 : i32
        %ne3A_966 = arith.cmpi ne, %rem3A_964, %ne3A_965 : i32
        %and3A_967 = arith.andi %ne3A_963, %ne3A_966 : i1
        %sub3A_968 = arith.constant 1 : i32
        %sub3A_969 = arith.subi %div3A_948, %sub3A_968 : i32
        %select_n3A_970 = arith.select %and3A_967, %sub3A_969, %div3A_948 : i32
        %rem3A_971 = arith.constant 6 : i32
        %rem3A_972 = arith.remsi %add3A_946, %rem3A_971 : i32
        %mul3A_973 = arith.constant 96 : i32
        %mul3A_974 = arith.muli %select_n3A_970, %mul3A_973 : i32
        %mul3A_975 = arith.constant 16 : i32
        %mul3A_976 = arith.muli %rem3A_972, %mul3A_975 : i32
        %add3A_977 = arith.addi %mul3A_974, %mul3A_976 : i32
        %multiple_of3A_978 = tpu.assume_multiple %add3A_977, 8 : i32
        %dma_start3A_979 = tpu.memref_slice %arg8[%multiple_of3A_978] : memref<768xi32, #tpu.memory_space<vmem>> -> memref<16xi32, #tpu.memory_space<vmem>>
        %dma_start3A_980 = arith.constant 0 : i32
        %dma_start3A_981 = arith.constant 0 : i32
        %dma_start3A_982 = tpu.memref_slice %arg3[%dma_start3A_980, %dma_start3A_981] : memref<512x1024xf32, #tpu.memory_space<hbm>> -> memref<512x1024xf32, #tpu.memory_space<hbm>>
        tpu.enqueue_indirect_dma source(%dma_start3A_982 : memref<512x1024xf32, #tpu.memory_space<hbm>>) target(%arg15 : memref<16x1024xf32, #tpu.memory_space<vmem>>) offsets(%dma_start3A_979 : memref<16xi32, #tpu.memory_space<vmem>>) semaphore(%arg20 : memref<!tpu.dma_semaphore, #tpu.memory_space<semaphore_mem>>)
      } else {
      }
      %ge3A_629 = arith.constant 2 : i32
      %ge3A_630 = arith.cmpi sge, %add3A_585, %ge3A_629 : i32
      %convert_element_type3A_631 = arith.extui %ge3A_630 : i1 to i32
      %cond3A_632 = arith.constant 0 : i32
      %cond3A_633 = arith.cmpi ne, %convert_element_type3A_631, %cond3A_632 : i32
      scf.if %cond3A_633 {
        %sub3A_945 = arith.constant 2 : i32
        %sub3A_946 = arith.subi %add3A_585, %sub3A_945 : i32
        %jit3A_947 = arith.constant 6 : i32
        %div3A_948 = arith.divsi %sub3A_946, %jit3A_947 : i32
        %sign3A_949 = arith.constant 0 : i32
        %sign3A_950 = arith.cmpi sgt, %sub3A_946, %sign3A_949 : i32
        %sign3A_951 = arith.extui %sign3A_950 : i1 to i32
        %sign3A_952 = arith.constant 0 : i32
        %sign3A_953 = arith.cmpi slt, %sub3A_946, %sign3A_952 : i32
        %sign3A_954 = arith.extui %sign3A_953 : i1 to i32
        %sign3A_955 = arith.subi %sign3A_951, %sign3A_954 : i32
        %sign3A_956 = arith.constant 0 : i32
        %sign3A_957 = arith.cmpi sgt, %jit3A_947, %sign3A_956 : i32
        %sign3A_958 = arith.extui %sign3A_957 : i1 to i32
        %sign3A_959 = arith.constant 0 : i32
        %sign3A_960 = arith.cmpi slt, %jit3A_947, %sign3A_959 : i32
        %sign3A_961 = arith.extui %sign3A_960 : i1 to i32
        %sign3A_962 = arith.subi %sign3A_958, %sign3A_961 : i32
        %ne3A_963 = arith.cmpi ne, %sign3A_955, %sign3A_962 : i32
        %rem3A_964 = arith.remsi %sub3A_946, %jit3A_947 : i32
        %ne3A_965 = arith.constant 0 : i32
        %ne3A_966 = arith.cmpi ne, %rem3A_964, %ne3A_965 : i32
        %and3A_967 = arith.andi %ne3A_963, %ne3A_966 : i1
        %sub3A_968 = arith.constant 1 : i32
        %sub3A_969 = arith.subi %div3A_948, %sub3A_968 : i32
        %select_n3A_970 = arith.select %and3A_967, %sub3A_969, %div3A_948 : i32
        %rem3A_971 = arith.constant 6 : i32
        %rem3A_972 = arith.remsi %sub3A_946, %rem3A_971 : i32
        %mul3A_973 = arith.constant 3072 : i32
        %mul3A_974 = arith.muli %select_n3A_970, %mul3A_973 : i32
        %add3A_975 = arith.addi %mul3A_974, %mul3A_2 : i32
        %mul3A_976 = arith.constant 16 : i32
        %mul3A_977 = arith.muli %rem3A_972, %mul3A_976 : i32
        %add3A_978 = arith.addi %add3A_975, %mul3A_977 : i32
        %dma_wait3A_979 = arith.constant 0 : i32
        %dma_wait3A_980 = tpu.memref_slice %arg7[%add3A_978, %dma_wait3A_979] : memref<24576x1024xf32, #tpu.memory_space<hbm>> -> memref<16x1024xf32, #tpu.memory_space<hbm>>
        %dma_wait3A_981 = arith.constant 0 : i32
        %dma_wait3A_982 = tpu.memref_slice %arg7[%add3A_978, %dma_wait3A_981] : memref<24576x1024xf32, #tpu.memory_space<hbm>> -> memref<16x1024xf32, #tpu.memory_space<hbm>>
        tpu.wait_dma2 semaphore(%arg22 : memref<!tpu.dma_semaphore, #tpu.memory_space<semaphore_mem>>) src(%arg17 : memref<16x1024xf32, #tpu.memory_space<vmem>>) dst(%dma_wait3A_982 : memref<16x1024xf32, #tpu.memory_space<hbm>>)
      } else {
      }
      %rem3A_634 = arith.constant 6 : i32
      %rem3A_635 = arith.remsi %add3A_585, %rem3A_634 : i32
      %jit3A_636 = arith.constant 2 : i32
      %div3A_637 = arith.divsi %rem3A_635, %jit3A_636 : i32
      %sign3A_638 = arith.constant 0 : i32
      %sign3A_639 = arith.cmpi sgt, %rem3A_635, %sign3A_638 : i32
      %sign3A_640 = arith.extui %sign3A_639 : i1 to i32
      %sign3A_641 = arith.constant 0 : i32
      %sign3A_642 = arith.cmpi slt, %rem3A_635, %sign3A_641 : i32
      %sign3A_643 = arith.extui %sign3A_642 : i1 to i32
      %sign3A_644 = arith.subi %sign3A_640, %sign3A_643 : i32
      %sign3A_645 = arith.constant 0 : i32
      %sign3A_646 = arith.cmpi sgt, %jit3A_636, %sign3A_645 : i32
      %sign3A_647 = arith.extui %sign3A_646 : i1 to i32
      %sign3A_648 = arith.constant 0 : i32
      %sign3A_649 = arith.cmpi slt, %jit3A_636, %sign3A_648 : i32
      %sign3A_650 = arith.extui %sign3A_649 : i1 to i32
      %sign3A_651 = arith.subi %sign3A_647, %sign3A_650 : i32
      %ne3A_652 = arith.cmpi ne, %sign3A_644, %sign3A_651 : i32
      %rem3A_653 = arith.remsi %rem3A_635, %jit3A_636 : i32
      %ne3A_654 = arith.constant 0 : i32
      %ne3A_655 = arith.cmpi ne, %rem3A_653, %ne3A_654 : i32
      %and3A_656 = arith.andi %ne3A_652, %ne3A_655 : i1
      %sub3A_657 = arith.constant 1 : i32
      %sub3A_658 = arith.subi %div3A_637, %sub3A_657 : i32
      %select_n3A_659 = arith.select %and3A_656, %sub3A_658, %div3A_637 : i32
      %rem3A_660 = arith.constant 2 : i32
      %rem3A_661 = arith.remsi %rem3A_635, %rem3A_660 : i32
      %mul3A_662 = arith.constant 16 : i32
      %mul3A_663 = arith.muli %rem3A_661, %mul3A_662 : i32
      %parallel_loop3A_664 = arith.constant 0 : i32
      %parallel_loop3A_665 = arith.constant 1024 : i32
      %parallel_loop3A_666 = arith.constant 1 : i32
      scf.for %parallel_loop3A_945 = %parallel_loop3A_664 to %parallel_loop3A_665 step %parallel_loop3A_666  : i32 {
        %parallel_loop3A_946 = arith.constant 64 : i32
        %parallel_loop3A_947 = arith.divsi %parallel_loop3A_945, %parallel_loop3A_946 : i32
        %parallel_loop3A_948 = arith.constant 0 : i32
        %parallel_loop3A_949 = arith.cmpi sgt, %parallel_loop3A_945, %parallel_loop3A_948 : i32
        %parallel_loop3A_950 = arith.extui %parallel_loop3A_949 : i1 to i32
        %parallel_loop3A_951 = arith.constant 0 : i32
        %parallel_loop3A_952 = arith.cmpi slt, %parallel_loop3A_945, %parallel_loop3A_951 : i32
        %parallel_loop3A_953 = arith.extui %parallel_loop3A_952 : i1 to i32
        %parallel_loop3A_954 = arith.subi %parallel_loop3A_950, %parallel_loop3A_953 : i32
        %parallel_loop3A_955 = arith.constant 0 : i32
        %parallel_loop3A_956 = arith.cmpi sgt, %parallel_loop3A_946, %parallel_loop3A_955 : i32
        %parallel_loop3A_957 = arith.extui %parallel_loop3A_956 : i1 to i32
        %parallel_loop3A_958 = arith.constant 0 : i32
        %parallel_loop3A_959 = arith.cmpi slt, %parallel_loop3A_946, %parallel_loop3A_958 : i32
        %parallel_loop3A_960 = arith.extui %parallel_loop3A_959 : i1 to i32
        %parallel_loop3A_961 = arith.subi %parallel_loop3A_957, %parallel_loop3A_960 : i32
        %parallel_loop3A_962 = arith.cmpi ne, %parallel_loop3A_954, %parallel_loop3A_961 : i32
        %parallel_loop3A_963 = arith.remsi %parallel_loop3A_945, %parallel_loop3A_946 : i32
        %parallel_loop3A_964 = arith.constant 0 : i32
        %parallel_loop3A_965 = arith.cmpi ne, %parallel_loop3A_963, %parallel_loop3A_964 : i32
        %parallel_loop3A_966 = arith.andi %parallel_loop3A_962, %parallel_loop3A_965 : i1
        %parallel_loop3A_967 = arith.constant 1 : i32
        %parallel_loop3A_968 = arith.subi %parallel_loop3A_947, %parallel_loop3A_967 : i32
        %parallel_loop3A_969 = arith.select %parallel_loop3A_966, %parallel_loop3A_968, %parallel_loop3A_947 : i32
        %parallel_loop3A_970 = arith.constant 64 : i32
        %parallel_loop3A_971 = arith.remsi %parallel_loop3A_945, %parallel_loop3A_970 : i32
        %parallel_loop3A_972 = arith.constant 16 : i32
        %parallel_loop3A_973 = arith.muli %parallel_loop3A_971, %parallel_loop3A_972 : i32
        %parallel_loop3A_974 = arith.index_cast %parallel_loop3A_969 : i32 to index
        %parallel_loop3A_975 = arith.index_cast %parallel_loop3A_973 : i32 to index
        %parallel_loop3A_976 = tpu.vector_load %arg13[%parallel_loop3A_974, %parallel_loop3A_975] {strides = array<i32>} : memref<16x1024xf32, #tpu.memory_space<vmem>>, vector<1x16xf32>,
        %parallel_loop3A_977 = vector.shape_cast %parallel_loop3A_976 : vector<1x16xf32> to vector<16xf32>
        %parallel_loop3A_978 = arith.addi %mul3A_663, %parallel_loop3A_969 : i32
        %parallel_loop3A_979 = arith.index_cast %parallel_loop3A_978 : i32 to index
        %parallel_loop3A_980 = arith.index_cast %parallel_loop3A_973 : i32 to index
        %parallel_loop3A_981 = tpu.vector_load %arg9[%parallel_loop3A_979, %parallel_loop3A_980] {strides = array<i32>} : memref<32x1024xf32, #tpu.memory_space<vmem>>, vector<1x16xf32>,
        %parallel_loop3A_982 = vector.shape_cast %parallel_loop3A_981 : vector<1x16xf32> to vector<16xf32>
        %parallel_loop3A_983 = arith.addf %parallel_loop3A_977, %parallel_loop3A_982 : vector<16xf32>
        %parallel_loop3A_984 = arith.index_cast %select_n3A_659 : i32 to index
        %parallel_loop3A_985 = arith.index_cast %parallel_loop3A_973 : i32 to index
        %parallel_loop3A_986 = tpu.vector_load %arg10[%parallel_loop3A_984, %parallel_loop3A_985] {strides = array<i32>} : memref<3x1024xf32, #tpu.memory_space<vmem>>, vector<1x16xf32>,
        %parallel_loop3A_987 = vector.shape_cast %parallel_loop3A_986 : vector<1x16xf32> to vector<16xf32>
        %parallel_loop3A_988 = arith.addf %parallel_loop3A_983, %parallel_loop3A_987 : vector<16xf32>
        %parallel_loop3A_989 = arith.index_cast %parallel_loop3A_969 : i32 to index
        %parallel_loop3A_990 = arith.index_cast %parallel_loop3A_973 : i32 to index
        %parallel_loop3A_991 = tpu.vector_load %arg17[%parallel_loop3A_989, %parallel_loop3A_990] {strides = array<i32>} : memref<16x1024xf32, #tpu.memory_space<vmem>>, vector<1x16xf32>,
        %parallel_loop3A_992 = vector.shape_cast %parallel_loop3A_991 : vector<1x16xf32> to vector<16xf32>
        %parallel_loop3A_993 = vector.shape_cast %parallel_loop3A_988 : vector<16xf32> to vector<1x16xf32>
        tpu.vector_store %arg17[%parallel_loop3A_989, %parallel_loop3A_990], %parallel_loop3A_993 {strides = array<i32>} : memref<16x1024xf32, #tpu.memory_space<vmem>>, vector<1x16xf32>,
      } {sc.loop_unroll_factor = 16 : i64, sc.parallel_access}
      %jit3A_667 = arith.constant 6 : i32
      %div3A_668 = arith.divsi %add3A_585, %jit3A_667 : i32
      %sign3A_669 = arith.constant 0 : i32
      %sign3A_670 = arith.cmpi sgt, %add3A_585, %sign3A_669 : i32
      %sign3A_671 = arith.extui %sign3A_670 : i1 to i32
      %sign3A_672 = arith.constant 0 : i32
      %sign3A_673 = arith.cmpi slt, %add3A_585, %sign3A_672 : i32
      %sign3A_674 = arith.extui %sign3A_673 : i1 to i32
      %sign3A_675 = arith.subi %sign3A_671, %sign3A_674 : i32
      %sign3A_676 = arith.constant 0 : i32
      %sign3A_677 = arith.cmpi sgt, %jit3A_667, %sign3A_676 : i32
      %sign3A_678 = arith.extui %sign3A_677 : i1 to i32
      %sign3A_679 = arith.constant 0 : i32
      %sign3A_680 = arith.cmpi slt, %jit3A_667, %sign3A_679 : i32
      %sign3A_681 = arith.extui %sign3A_680 : i1 to i32
      %sign3A_682 = arith.subi %sign3A_678, %sign3A_681 : i32
      %ne3A_683 = arith.cmpi ne, %sign3A_675, %sign3A_682 : i32
      %rem3A_684 = arith.remsi %add3A_585, %jit3A_667 : i32
      %ne3A_685 = arith.constant 0 : i32
      %ne3A_686 = arith.cmpi ne, %rem3A_684, %ne3A_685 : i32
      %and3A_687 = arith.andi %ne3A_683, %ne3A_686 : i1
      %sub3A_688 = arith.constant 1 : i32
      %sub3A_689 = arith.subi %div3A_668, %sub3A_688 : i32
      %select_n3A_690 = arith.select %and3A_687, %sub3A_689, %div3A_668 : i32
      %rem3A_691 = arith.constant 6 : i32
      %rem3A_692 = arith.remsi %add3A_585, %rem3A_691 : i32
      %mul3A_693 = arith.constant 3072 : i32
      %mul3A_694 = arith.muli %select_n3A_690, %mul3A_693 : i32
      %add3A_695 = arith.addi %mul3A_694, %mul3A_2 : i32
      %mul3A_696 = arith.constant 16 : i32
      %mul3A_697 = arith.muli %rem3A_692, %mul3A_696 : i32
      %add3A_698 = arith.addi %add3A_695, %mul3A_697 : i32
      %dma_start3A_699 = arith.constant 0 : i32
      %dma_start3A_700 = tpu.memref_slice %arg7[%add3A_698, %dma_start3A_699] : memref<24576x1024xf32, #tpu.memory_space<hbm>> -> memref<16x1024xf32, #tpu.memory_space<hbm>>
      %dma_start3A_701 = arith.constant 0 : i32
      %dma_start3A_702 = tpu.memref_slice %arg7[%add3A_698, %dma_start3A_701] : memref<24576x1024xf32, #tpu.memory_space<hbm>> -> memref<16x1024xf32, #tpu.memory_space<hbm>>
      tpu.enqueue_dma source(%arg17 : memref<16x1024xf32, #tpu.memory_space<vmem>>) target(%dma_start3A_702 : memref<16x1024xf32, #tpu.memory_space<hbm>>) target_semaphore(%arg22 : memref<!tpu.dma_semaphore, #tpu.memory_space<semaphore_mem>>)
      %mul3A_703 = arith.constant 6 : i32
      %mul3A_704 = arith.muli %mul3A_703, %scan3A_223 : i32
      %add3A_705 = arith.constant 4 : i32
      %add3A_706 = arith.addi %mul3A_704, %add3A_705 : i32
      %jit3A_707 = arith.constant 6 : i32
      %div3A_708 = arith.divsi %add3A_706, %jit3A_707 : i32
      %sign3A_709 = arith.constant 0 : i32
      %sign3A_710 = arith.cmpi sgt, %add3A_706, %sign3A_709 : i32
      %sign3A_711 = arith.extui %sign3A_710 : i1 to i32
      %sign3A_712 = arith.constant 0 : i32
      %sign3A_713 = arith.cmpi slt, %add3A_706, %sign3A_712 : i32
      %sign3A_714 = arith.extui %sign3A_713 : i1 to i32
      %sign3A_715 = arith.subi %sign3A_711, %sign3A_714 : i32
      %sign3A_716 = arith.constant 0 : i32
      %sign3A_717 = arith.cmpi sgt, %jit3A_707, %sign3A_716 : i32
      %sign3A_718 = arith.extui %sign3A_717 : i1 to i32
      %sign3A_719 = arith.constant 0 : i32
      %sign3A_720 = arith.cmpi slt, %jit3A_707, %sign3A_719 : i32
      %sign3A_721 = arith.extui %sign3A_720 : i1 to i32
      %sign3A_722 = arith.subi %sign3A_718, %sign3A_721 : i32
      %ne3A_723 = arith.cmpi ne, %sign3A_715, %sign3A_722 : i32
      %rem3A_724 = arith.remsi %add3A_706, %jit3A_707 : i32
      %ne3A_725 = arith.constant 0 : i32
      %ne3A_726 = arith.cmpi ne, %rem3A_724, %ne3A_725 : i32
      %and3A_727 = arith.andi %ne3A_723, %ne3A_726 : i1
      %sub3A_728 = arith.constant 1 : i32
      %sub3A_729 = arith.subi %div3A_708, %sub3A_728 : i32
      %select_n3A_730 = arith.select %and3A_727, %sub3A_729, %div3A_708 : i32
      %rem3A_731 = arith.constant 6 : i32
      %rem3A_732 = arith.remsi %add3A_706, %rem3A_731 : i32
      %mul3A_733 = arith.constant 96 : i32
      %mul3A_734 = arith.muli %select_n3A_730, %mul3A_733 : i32
      %mul3A_735 = arith.constant 16 : i32
      %mul3A_736 = arith.muli %rem3A_732, %mul3A_735 : i32
      %add3A_737 = arith.addi %mul3A_734, %mul3A_736 : i32
      %multiple_of3A_738 = tpu.assume_multiple %add3A_737, 8 : i32
      %dma_wait3A_739 = tpu.memref_slice %arg8[%multiple_of3A_738] : memref<768xi32, #tpu.memory_space<vmem>> -> memref<16xi32, #tpu.memory_space<vmem>>
      %dma_wait3A_740 = arith.constant 0 : i32
      %dma_wait3A_741 = arith.constant 0 : i32
      %dma_wait3A_742 = tpu.memref_slice %arg3[%dma_wait3A_740, %dma_wait3A_741] : memref<512x1024xf32, #tpu.memory_space<hbm>> -> memref<512x1024xf32, #tpu.memory_space<hbm>>
      tpu.wait_indirect_dma semaphore(%arg19 : memref<!tpu.dma_semaphore, #tpu.memory_space<semaphore_mem>>) src(%dma_wait3A_742 : memref<512x1024xf32, #tpu.memory_space<hbm>>) dst(%arg14 : memref<16x1024xf32, #tpu.memory_space<vmem>>)
      %add3A_743 = arith.constant 2 : i32
      %add3A_744 = arith.addi %add3A_706, %add3A_743 : i32
      %lt3A_745 = arith.constant 48 : i32
      %lt3A_746 = arith.cmpi slt, %add3A_744, %lt3A_745 : i32
      %convert_element_type3A_747 = arith.extui %lt3A_746 : i1 to i32
      %cond3A_748 = arith.constant 0 : i32
      %cond3A_749 = arith.cmpi ne, %convert_element_type3A_747, %cond3A_748 : i32
      scf.if %cond3A_749 {
        %add3A_945 = arith.constant 2 : i32
        %add3A_946 = arith.addi %add3A_706, %add3A_945 : i32
        %jit3A_947 = arith.constant 6 : i32
        %div3A_948 = arith.divsi %add3A_946, %jit3A_947 : i32
        %sign3A_949 = arith.constant 0 : i32
        %sign3A_950 = arith.cmpi sgt, %add3A_946, %sign3A_949 : i32
        %sign3A_951 = arith.extui %sign3A_950 : i1 to i32
        %sign3A_952 = arith.constant 0 : i32
        %sign3A_953 = arith.cmpi slt, %add3A_946, %sign3A_952 : i32
        %sign3A_954 = arith.extui %sign3A_953 : i1 to i32
        %sign3A_955 = arith.subi %sign3A_951, %sign3A_954 : i32
        %sign3A_956 = arith.constant 0 : i32
        %sign3A_957 = arith.cmpi sgt, %jit3A_947, %sign3A_956 : i32
        %sign3A_958 = arith.extui %sign3A_957 : i1 to i32
        %sign3A_959 = arith.constant 0 : i32
        %sign3A_960 = arith.cmpi slt, %jit3A_947, %sign3A_959 : i32
        %sign3A_961 = arith.extui %sign3A_960 : i1 to i32
        %sign3A_962 = arith.subi %sign3A_958, %sign3A_961 : i32
        %ne3A_963 = arith.cmpi ne, %sign3A_955, %sign3A_962 : i32
        %rem3A_964 = arith.remsi %add3A_946, %jit3A_947 : i32
        %ne3A_965 = arith.constant 0 : i32
        %ne3A_966 = arith.cmpi ne, %rem3A_964, %ne3A_965 : i32
        %and3A_967 = arith.andi %ne3A_963, %ne3A_966 : i1
        %sub3A_968 = arith.constant 1 : i32
        %sub3A_969 = arith.subi %div3A_948, %sub3A_968 : i32
        %select_n3A_970 = arith.select %and3A_967, %sub3A_969, %div3A_948 : i32
        %rem3A_971 = arith.constant 6 : i32
        %rem3A_972 = arith.remsi %add3A_946, %rem3A_971 : i32
        %mul3A_973 = arith.constant 96 : i32
        %mul3A_974 = arith.muli %select_n3A_970, %mul3A_973 : i32
        %mul3A_975 = arith.constant 16 : i32
        %mul3A_976 = arith.muli %rem3A_972, %mul3A_975 : i32
        %add3A_977 = arith.addi %mul3A_974, %mul3A_976 : i32
        %multiple_of3A_978 = tpu.assume_multiple %add3A_977, 8 : i32
        %dma_start3A_979 = tpu.memref_slice %arg8[%multiple_of3A_978] : memref<768xi32, #tpu.memory_space<vmem>> -> memref<16xi32, #tpu.memory_space<vmem>>
        %dma_start3A_980 = arith.constant 0 : i32
        %dma_start3A_981 = arith.constant 0 : i32
        %dma_start3A_982 = tpu.memref_slice %arg3[%dma_start3A_980, %dma_start3A_981] : memref<512x1024xf32, #tpu.memory_space<hbm>> -> memref<512x1024xf32, #tpu.memory_space<hbm>>
        tpu.enqueue_indirect_dma source(%dma_start3A_982 : memref<512x1024xf32, #tpu.memory_space<hbm>>) target(%arg13 : memref<16x1024xf32, #tpu.memory_space<vmem>>) offsets(%dma_start3A_979 : memref<16xi32, #tpu.memory_space<vmem>>) semaphore(%arg18 : memref<!tpu.dma_semaphore, #tpu.memory_space<semaphore_mem>>)
      } else {
      }
      %ge3A_750 = arith.constant 2 : i32
      %ge3A_751 = arith.cmpi sge, %add3A_706, %ge3A_750 : i32
      %convert_element_type3A_752 = arith.extui %ge3A_751 : i1 to i32
      %cond3A_753 = arith.constant 0 : i32
      %cond3A_754 = arith.cmpi ne, %convert_element_type3A_752, %cond3A_753 : i32
      scf.if %cond3A_754 {
        %sub3A_945 = arith.constant 2 : i32
        %sub3A_946 = arith.subi %add3A_706, %sub3A_945 : i32
        %jit3A_947 = arith.constant 6 : i32
        %div3A_948 = arith.divsi %sub3A_946, %jit3A_947 : i32
        %sign3A_949 = arith.constant 0 : i32
        %sign3A_950 = arith.cmpi sgt, %sub3A_946, %sign3A_949 : i32
        %sign3A_951 = arith.extui %sign3A_950 : i1 to i32
        %sign3A_952 = arith.constant 0 : i32
        %sign3A_953 = arith.cmpi slt, %sub3A_946, %sign3A_952 : i32
        %sign3A_954 = arith.extui %sign3A_953 : i1 to i32
        %sign3A_955 = arith.subi %sign3A_951, %sign3A_954 : i32
        %sign3A_956 = arith.constant 0 : i32
        %sign3A_957 = arith.cmpi sgt, %jit3A_947, %sign3A_956 : i32
        %sign3A_958 = arith.extui %sign3A_957 : i1 to i32
        %sign3A_959 = arith.constant 0 : i32
        %sign3A_960 = arith.cmpi slt, %jit3A_947, %sign3A_959 : i32
        %sign3A_961 = arith.extui %sign3A_960 : i1 to i32
        %sign3A_962 = arith.subi %sign3A_958, %sign3A_961 : i32
        %ne3A_963 = arith.cmpi ne, %sign3A_955, %sign3A_962 : i32
        %rem3A_964 = arith.remsi %sub3A_946, %jit3A_947 : i32
        %ne3A_965 = arith.constant 0 : i32
        %ne3A_966 = arith.cmpi ne, %rem3A_964, %ne3A_965 : i32
        %and3A_967 = arith.andi %ne3A_963, %ne3A_966 : i1
        %sub3A_968 = arith.constant 1 : i32
        %sub3A_969 = arith.subi %div3A_948, %sub3A_968 : i32
        %select_n3A_970 = arith.select %and3A_967, %sub3A_969, %div3A_948 : i32
        %rem3A_971 = arith.constant 6 : i32
        %rem3A_972 = arith.remsi %sub3A_946, %rem3A_971 : i32
        %mul3A_973 = arith.constant 3072 : i32
        %mul3A_974 = arith.muli %select_n3A_970, %mul3A_973 : i32
        %add3A_975 = arith.addi %mul3A_974, %mul3A_2 : i32
        %mul3A_976 = arith.constant 16 : i32
        %mul3A_977 = arith.muli %rem3A_972, %mul3A_976 : i32
        %add3A_978 = arith.addi %add3A_975, %mul3A_977 : i32
        %dma_wait3A_979 = arith.constant 0 : i32
        %dma_wait3A_980 = tpu.memref_slice %arg7[%add3A_978, %dma_wait3A_979] : memref<24576x1024xf32, #tpu.memory_space<hbm>> -> memref<16x1024xf32, #tpu.memory_space<hbm>>
        %dma_wait3A_981 = arith.constant 0 : i32
        %dma_wait3A_982 = tpu.memref_slice %arg7[%add3A_978, %dma_wait3A_981] : memref<24576x1024xf32, #tpu.memory_space<hbm>> -> memref<16x1024xf32, #tpu.memory_space<hbm>>
        tpu.wait_dma2 semaphore(%arg21 : memref<!tpu.dma_semaphore, #tpu.memory_space<semaphore_mem>>) src(%arg16 : memref<16x1024xf32, #tpu.memory_space<vmem>>) dst(%dma_wait3A_982 : memref<16x1024xf32, #tpu.memory_space<hbm>>)
      } else {
      }
      %rem3A_755 = arith.constant 6 : i32
      %rem3A_756 = arith.remsi %add3A_706, %rem3A_755 : i32
      %jit3A_757 = arith.constant 2 : i32
      %div3A_758 = arith.divsi %rem3A_756, %jit3A_757 : i32
      %sign3A_759 = arith.constant 0 : i32
      %sign3A_760 = arith.cmpi sgt, %rem3A_756, %sign3A_759 : i32
      %sign3A_761 = arith.extui %sign3A_760 : i1 to i32
      %sign3A_762 = arith.constant 0 : i32
      %sign3A_763 = arith.cmpi slt, %rem3A_756, %sign3A_762 : i32
      %sign3A_764 = arith.extui %sign3A_763 : i1 to i32
      %sign3A_765 = arith.subi %sign3A_761, %sign3A_764 : i32
      %sign3A_766 = arith.constant 0 : i32
      %sign3A_767 = arith.cmpi sgt, %jit3A_757, %sign3A_766 : i32
      %sign3A_768 = arith.extui %sign3A_767 : i1 to i32
      %sign3A_769 = arith.constant 0 : i32
      %sign3A_770 = arith.cmpi slt, %jit3A_757, %sign3A_769 : i32
      %sign3A_771 = arith.extui %sign3A_770 : i1 to i32
      %sign3A_772 = arith.subi %sign3A_768, %sign3A_771 : i32
      %ne3A_773 = arith.cmpi ne, %sign3A_765, %sign3A_772 : i32
      %rem3A_774 = arith.remsi %rem3A_756, %jit3A_757 : i32
      %ne3A_775 = arith.constant 0 : i32
      %ne3A_776 = arith.cmpi ne, %rem3A_774, %ne3A_775 : i32
      %and3A_777 = arith.andi %ne3A_773, %ne3A_776 : i1
      %sub3A_778 = arith.constant 1 : i32
      %sub3A_779 = arith.subi %div3A_758, %sub3A_778 : i32
      %select_n3A_780 = arith.select %and3A_777, %sub3A_779, %div3A_758 : i32
      %rem3A_781 = arith.constant 2 : i32
      %rem3A_782 = arith.remsi %rem3A_756, %rem3A_781 : i32
      %mul3A_783 = arith.constant 16 : i32
      %mul3A_784 = arith.muli %rem3A_782, %mul3A_783 : i32
      %parallel_loop3A_785 = arith.constant 0 : i32
      %parallel_loop3A_786 = arith.constant 1024 : i32
      %parallel_loop3A_787 = arith.constant 1 : i32
      scf.for %parallel_loop3A_945 = %parallel_loop3A_785 to %parallel_loop3A_786 step %parallel_loop3A_787  : i32 {
        %parallel_loop3A_946 = arith.constant 64 : i32
        %parallel_loop3A_947 = arith.divsi %parallel_loop3A_945, %parallel_loop3A_946 : i32
        %parallel_loop3A_948 = arith.constant 0 : i32
        %parallel_loop3A_949 = arith.cmpi sgt, %parallel_loop3A_945, %parallel_loop3A_948 : i32
        %parallel_loop3A_950 = arith.extui %parallel_loop3A_949 : i1 to i32
        %parallel_loop3A_951 = arith.constant 0 : i32
        %parallel_loop3A_952 = arith.cmpi slt, %parallel_loop3A_945, %parallel_loop3A_951 : i32
        %parallel_loop3A_953 = arith.extui %parallel_loop3A_952 : i1 to i32
        %parallel_loop3A_954 = arith.subi %parallel_loop3A_950, %parallel_loop3A_953 : i32
        %parallel_loop3A_955 = arith.constant 0 : i32
        %parallel_loop3A_956 = arith.cmpi sgt, %parallel_loop3A_946, %parallel_loop3A_955 : i32
        %parallel_loop3A_957 = arith.extui %parallel_loop3A_956 : i1 to i32
        %parallel_loop3A_958 = arith.constant 0 : i32
        %parallel_loop3A_959 = arith.cmpi slt, %parallel_loop3A_946, %parallel_loop3A_958 : i32
        %parallel_loop3A_960 = arith.extui %parallel_loop3A_959 : i1 to i32
        %parallel_loop3A_961 = arith.subi %parallel_loop3A_957, %parallel_loop3A_960 : i32
        %parallel_loop3A_962 = arith.cmpi ne, %parallel_loop3A_954, %parallel_loop3A_961 : i32
        %parallel_loop3A_963 = arith.remsi %parallel_loop3A_945, %parallel_loop3A_946 : i32
        %parallel_loop3A_964 = arith.constant 0 : i32
        %parallel_loop3A_965 = arith.cmpi ne, %parallel_loop3A_963, %parallel_loop3A_964 : i32
        %parallel_loop3A_966 = arith.andi %parallel_loop3A_962, %parallel_loop3A_965 : i1
        %parallel_loop3A_967 = arith.constant 1 : i32
        %parallel_loop3A_968 = arith.subi %parallel_loop3A_947, %parallel_loop3A_967 : i32
        %parallel_loop3A_969 = arith.select %parallel_loop3A_966, %parallel_loop3A_968, %parallel_loop3A_947 : i32
        %parallel_loop3A_970 = arith.constant 64 : i32
        %parallel_loop3A_971 = arith.remsi %parallel_loop3A_945, %parallel_loop3A_970 : i32
        %parallel_loop3A_972 = arith.constant 16 : i32
        %parallel_loop3A_973 = arith.muli %parallel_loop3A_971, %parallel_loop3A_972 : i32
        %parallel_loop3A_974 = arith.index_cast %parallel_loop3A_969 : i32 to index
        %parallel_loop3A_975 = arith.index_cast %parallel_loop3A_973 : i32 to index
        %parallel_loop3A_976 = tpu.vector_load %arg14[%parallel_loop3A_974, %parallel_loop3A_975] {strides = array<i32>} : memref<16x1024xf32, #tpu.memory_space<vmem>>, vector<1x16xf32>,
        %parallel_loop3A_977 = vector.shape_cast %parallel_loop3A_976 : vector<1x16xf32> to vector<16xf32>
        %parallel_loop3A_978 = arith.addi %mul3A_784, %parallel_loop3A_969 : i32
        %parallel_loop3A_979 = arith.index_cast %parallel_loop3A_978 : i32 to index
        %parallel_loop3A_980 = arith.index_cast %parallel_loop3A_973 : i32 to index
        %parallel_loop3A_981 = tpu.vector_load %arg9[%parallel_loop3A_979, %parallel_loop3A_980] {strides = array<i32>} : memref<32x1024xf32, #tpu.memory_space<vmem>>, vector<1x16xf32>,
        %parallel_loop3A_982 = vector.shape_cast %parallel_loop3A_981 : vector<1x16xf32> to vector<16xf32>
        %parallel_loop3A_983 = arith.addf %parallel_loop3A_977, %parallel_loop3A_982 : vector<16xf32>
        %parallel_loop3A_984 = arith.index_cast %select_n3A_780 : i32 to index
        %parallel_loop3A_985 = arith.index_cast %parallel_loop3A_973 : i32 to index
        %parallel_loop3A_986 = tpu.vector_load %arg10[%parallel_loop3A_984, %parallel_loop3A_985] {strides = array<i32>} : memref<3x1024xf32, #tpu.memory_space<vmem>>, vector<1x16xf32>,
        %parallel_loop3A_987 = vector.shape_cast %parallel_loop3A_986 : vector<1x16xf32> to vector<16xf32>
        %parallel_loop3A_988 = arith.addf %parallel_loop3A_983, %parallel_loop3A_987 : vector<16xf32>
        %parallel_loop3A_989 = arith.index_cast %parallel_loop3A_969 : i32 to index
        %parallel_loop3A_990 = arith.index_cast %parallel_loop3A_973 : i32 to index
        %parallel_loop3A_991 = tpu.vector_load %arg16[%parallel_loop3A_989, %parallel_loop3A_990] {strides = array<i32>} : memref<16x1024xf32, #tpu.memory_space<vmem>>, vector<1x16xf32>,
        %parallel_loop3A_992 = vector.shape_cast %parallel_loop3A_991 : vector<1x16xf32> to vector<16xf32>
        %parallel_loop3A_993 = vector.shape_cast %parallel_loop3A_988 : vector<16xf32> to vector<1x16xf32>
        tpu.vector_store %arg16[%parallel_loop3A_989, %parallel_loop3A_990], %parallel_loop3A_993 {strides = array<i32>} : memref<16x1024xf32, #tpu.memory_space<vmem>>, vector<1x16xf32>,
      } {sc.loop_unroll_factor = 16 : i64, sc.parallel_access}
      %jit3A_788 = arith.constant 6 : i32
      %div3A_789 = arith.divsi %add3A_706, %jit3A_788 : i32
      %sign3A_790 = arith.constant 0 : i32
      %sign3A_791 = arith.cmpi sgt, %add3A_706, %sign3A_790 : i32
      %sign3A_792 = arith.extui %sign3A_791 : i1 to i32
      %sign3A_793 = arith.constant 0 : i32
      %sign3A_794 = arith.cmpi slt, %add3A_706, %sign3A_793 : i32
      %sign3A_795 = arith.extui %sign3A_794 : i1 to i32
      %sign3A_796 = arith.subi %sign3A_792, %sign3A_795 : i32
      %sign3A_797 = arith.constant 0 : i32
      %sign3A_798 = arith.cmpi sgt, %jit3A_788, %sign3A_797 : i32
      %sign3A_799 = arith.extui %sign3A_798 : i1 to i32
      %sign3A_800 = arith.constant 0 : i32
      %sign3A_801 = arith.cmpi slt, %jit3A_788, %sign3A_800 : i32
      %sign3A_802 = arith.extui %sign3A_801 : i1 to i32
      %sign3A_803 = arith.subi %sign3A_799, %sign3A_802 : i32
      %ne3A_804 = arith.cmpi ne, %sign3A_796, %sign3A_803 : i32
      %rem3A_805 = arith.remsi %add3A_706, %jit3A_788 : i32
      %ne3A_806 = arith.constant 0 : i32
      %ne3A_807 = arith.cmpi ne, %rem3A_805, %ne3A_806 : i32
      %and3A_808 = arith.andi %ne3A_804, %ne3A_807 : i1
      %sub3A_809 = arith.constant 1 : i32
      %sub3A_810 = arith.subi %div3A_789, %sub3A_809 : i32
      %select_n3A_811 = arith.select %and3A_808, %sub3A_810, %div3A_789 : i32
      %rem3A_812 = arith.constant 6 : i32
      %rem3A_813 = arith.remsi %add3A_706, %rem3A_812 : i32
      %mul3A_814 = arith.constant 3072 : i32
      %mul3A_815 = arith.muli %select_n3A_811, %mul3A_814 : i32
      %add3A_816 = arith.addi %mul3A_815, %mul3A_2 : i32
      %mul3A_817 = arith.constant 16 : i32
      %mul3A_818 = arith.muli %rem3A_813, %mul3A_817 : i32
      %add3A_819 = arith.addi %add3A_816, %mul3A_818 : i32
      %dma_start3A_820 = arith.constant 0 : i32
      %dma_start3A_821 = tpu.memref_slice %arg7[%add3A_819, %dma_start3A_820] : memref<24576x1024xf32, #tpu.memory_space<hbm>> -> memref<16x1024xf32, #tpu.memory_space<hbm>>
      %dma_start3A_822 = arith.constant 0 : i32
      %dma_start3A_823 = tpu.memref_slice %arg7[%add3A_819, %dma_start3A_822] : memref<24576x1024xf32, #tpu.memory_space<hbm>> -> memref<16x1024xf32, #tpu.memory_space<hbm>>
      tpu.enqueue_dma source(%arg16 : memref<16x1024xf32, #tpu.memory_space<vmem>>) target(%dma_start3A_823 : memref<16x1024xf32, #tpu.memory_space<hbm>>) target_semaphore(%arg21 : memref<!tpu.dma_semaphore, #tpu.memory_space<semaphore_mem>>)
      %mul3A_824 = arith.constant 6 : i32
      %mul3A_825 = arith.muli %mul3A_824, %scan3A_223 : i32
      %add3A_826 = arith.constant 5 : i32
      %add3A_827 = arith.addi %mul3A_825, %add3A_826 : i32
      %jit3A_828 = arith.constant 6 : i32
      %div3A_829 = arith.divsi %add3A_827, %jit3A_828 : i32
      %sign3A_830 = arith.constant 0 : i32
      %sign3A_831 = arith.cmpi sgt, %add3A_827, %sign3A_830 : i32
      %sign3A_832 = arith.extui %sign3A_831 : i1 to i32
      %sign3A_833 = arith.constant 0 : i32
      %sign3A_834 = arith.cmpi slt, %add3A_827, %sign3A_833 : i32
      %sign3A_835 = arith.extui %sign3A_834 : i1 to i32
      %sign3A_836 = arith.subi %sign3A_832, %sign3A_835 : i32
      %sign3A_837 = arith.constant 0 : i32
      %sign3A_838 = arith.cmpi sgt, %jit3A_828, %sign3A_837 : i32
      %sign3A_839 = arith.extui %sign3A_838 : i1 to i32
      %sign3A_840 = arith.constant 0 : i32
      %sign3A_841 = arith.cmpi slt, %jit3A_828, %sign3A_840 : i32
      %sign3A_842 = arith.extui %sign3A_841 : i1 to i32
      %sign3A_843 = arith.subi %sign3A_839, %sign3A_842 : i32
      %ne3A_844 = arith.cmpi ne, %sign3A_836, %sign3A_843 : i32
      %rem3A_845 = arith.remsi %add3A_827, %jit3A_828 : i32
      %ne3A_846 = arith.constant 0 : i32
      %ne3A_847 = arith.cmpi ne, %rem3A_845, %ne3A_846 : i32
      %and3A_848 = arith.andi %ne3A_844, %ne3A_847 : i1
      %sub3A_849 = arith.constant 1 : i32
      %sub3A_850 = arith.subi %div3A_829, %sub3A_849 : i32
      %select_n3A_851 = arith.select %and3A_848, %sub3A_850, %div3A_829 : i32
      %rem3A_852 = arith.constant 6 : i32
      %rem3A_853 = arith.remsi %add3A_827, %rem3A_852 : i32
      %mul3A_854 = arith.constant 96 : i32
      %mul3A_855 = arith.muli %select_n3A_851, %mul3A_854 : i32
      %mul3A_856 = arith.constant 16 : i32
      %mul3A_857 = arith.muli %rem3A_853, %mul3A_856 : i32
      %add3A_858 = arith.addi %mul3A_855, %mul3A_857 : i32
      %multiple_of3A_859 = tpu.assume_multiple %add3A_858, 8 : i32
      %dma_wait3A_860 = tpu.memref_slice %arg8[%multiple_of3A_859] : memref<768xi32, #tpu.memory_space<vmem>> -> memref<16xi32, #tpu.memory_space<vmem>>
      %dma_wait3A_861 = arith.constant 0 : i32
      %dma_wait3A_862 = arith.constant 0 : i32
      %dma_wait3A_863 = tpu.memref_slice %arg3[%dma_wait3A_861, %dma_wait3A_862] : memref<512x1024xf32, #tpu.memory_space<hbm>> -> memref<512x1024xf32, #tpu.memory_space<hbm>>
      tpu.wait_indirect_dma semaphore(%arg20 : memref<!tpu.dma_semaphore, #tpu.memory_space<semaphore_mem>>) src(%dma_wait3A_863 : memref<512x1024xf32, #tpu.memory_space<hbm>>) dst(%arg15 : memref<16x1024xf32, #tpu.memory_space<vmem>>)
      %add3A_864 = arith.constant 2 : i32
      %add3A_865 = arith.addi %add3A_827, %add3A_864 : i32
      %lt3A_866 = arith.constant 48 : i32
      %lt3A_867 = arith.cmpi slt, %add3A_865, %lt3A_866 : i32
      %convert_element_type3A_868 = arith.extui %lt3A_867 : i1 to i32
      %cond3A_869 = arith.constant 0 : i32
      %cond3A_870 = arith.cmpi ne, %convert_element_type3A_868, %cond3A_869 : i32
      scf.if %cond3A_870 {
        %add3A_945 = arith.constant 2 : i32
        %add3A_946 = arith.addi %add3A_827, %add3A_945 : i32
        %jit3A_947 = arith.constant 6 : i32
        %div3A_948 = arith.divsi %add3A_946, %jit3A_947 : i32
        %sign3A_949 = arith.constant 0 : i32
        %sign3A_950 = arith.cmpi sgt, %add3A_946, %sign3A_949 : i32
        %sign3A_951 = arith.extui %sign3A_950 : i1 to i32
        %sign3A_952 = arith.constant 0 : i32
        %sign3A_953 = arith.cmpi slt, %add3A_946, %sign3A_952 : i32
        %sign3A_954 = arith.extui %sign3A_953 : i1 to i32
        %sign3A_955 = arith.subi %sign3A_951, %sign3A_954 : i32
        %sign3A_956 = arith.constant 0 : i32
        %sign3A_957 = arith.cmpi sgt, %jit3A_947, %sign3A_956 : i32
        %sign3A_958 = arith.extui %sign3A_957 : i1 to i32
        %sign3A_959 = arith.constant 0 : i32
        %sign3A_960 = arith.cmpi slt, %jit3A_947, %sign3A_959 : i32
        %sign3A_961 = arith.extui %sign3A_960 : i1 to i32
        %sign3A_962 = arith.subi %sign3A_958, %sign3A_961 : i32
        %ne3A_963 = arith.cmpi ne, %sign3A_955, %sign3A_962 : i32
        %rem3A_964 = arith.remsi %add3A_946, %jit3A_947 : i32
        %ne3A_965 = arith.constant 0 : i32
        %ne3A_966 = arith.cmpi ne, %rem3A_964, %ne3A_965 : i32
        %and3A_967 = arith.andi %ne3A_963, %ne3A_966 : i1
        %sub3A_968 = arith.constant 1 : i32
        %sub3A_969 = arith.subi %div3A_948, %sub3A_968 : i32
        %select_n3A_970 = arith.select %and3A_967, %sub3A_969, %div3A_948 : i32
        %rem3A_971 = arith.constant 6 : i32
        %rem3A_972 = arith.remsi %add3A_946, %rem3A_971 : i32
        %mul3A_973 = arith.constant 96 : i32
        %mul3A_974 = arith.muli %select_n3A_970, %mul3A_973 : i32
        %mul3A_975 = arith.constant 16 : i32
        %mul3A_976 = arith.muli %rem3A_972, %mul3A_975 : i32
        %add3A_977 = arith.addi %mul3A_974, %mul3A_976 : i32
        %multiple_of3A_978 = tpu.assume_multiple %add3A_977, 8 : i32
        %dma_start3A_979 = tpu.memref_slice %arg8[%multiple_of3A_978] : memref<768xi32, #tpu.memory_space<vmem>> -> memref<16xi32, #tpu.memory_space<vmem>>
        %dma_start3A_980 = arith.constant 0 : i32
        %dma_start3A_981 = arith.constant 0 : i32
        %dma_start3A_982 = tpu.memref_slice %arg3[%dma_start3A_980, %dma_start3A_981] : memref<512x1024xf32, #tpu.memory_space<hbm>> -> memref<512x1024xf32, #tpu.memory_space<hbm>>
        tpu.enqueue_indirect_dma source(%dma_start3A_982 : memref<512x1024xf32, #tpu.memory_space<hbm>>) target(%arg14 : memref<16x1024xf32, #tpu.memory_space<vmem>>) offsets(%dma_start3A_979 : memref<16xi32, #tpu.memory_space<vmem>>) semaphore(%arg19 : memref<!tpu.dma_semaphore, #tpu.memory_space<semaphore_mem>>)
      } else {
      }
      %ge3A_871 = arith.constant 2 : i32
      %ge3A_872 = arith.cmpi sge, %add3A_827, %ge3A_871 : i32
      %convert_element_type3A_873 = arith.extui %ge3A_872 : i1 to i32
      %cond3A_874 = arith.constant 0 : i32
      %cond3A_875 = arith.cmpi ne, %convert_element_type3A_873, %cond3A_874 : i32
      scf.if %cond3A_875 {
        %sub3A_945 = arith.constant 2 : i32
        %sub3A_946 = arith.subi %add3A_827, %sub3A_945 : i32
        %jit3A_947 = arith.constant 6 : i32
        %div3A_948 = arith.divsi %sub3A_946, %jit3A_947 : i32
        %sign3A_949 = arith.constant 0 : i32
        %sign3A_950 = arith.cmpi sgt, %sub3A_946, %sign3A_949 : i32
        %sign3A_951 = arith.extui %sign3A_950 : i1 to i32
        %sign3A_952 = arith.constant 0 : i32
        %sign3A_953 = arith.cmpi slt, %sub3A_946, %sign3A_952 : i32
        %sign3A_954 = arith.extui %sign3A_953 : i1 to i32
        %sign3A_955 = arith.subi %sign3A_951, %sign3A_954 : i32
        %sign3A_956 = arith.constant 0 : i32
        %sign3A_957 = arith.cmpi sgt, %jit3A_947, %sign3A_956 : i32
        %sign3A_958 = arith.extui %sign3A_957 : i1 to i32
        %sign3A_959 = arith.constant 0 : i32
        %sign3A_960 = arith.cmpi slt, %jit3A_947, %sign3A_959 : i32
        %sign3A_961 = arith.extui %sign3A_960 : i1 to i32
        %sign3A_962 = arith.subi %sign3A_958, %sign3A_961 : i32
        %ne3A_963 = arith.cmpi ne, %sign3A_955, %sign3A_962 : i32
        %rem3A_964 = arith.remsi %sub3A_946, %jit3A_947 : i32
        %ne3A_965 = arith.constant 0 : i32
        %ne3A_966 = arith.cmpi ne, %rem3A_964, %ne3A_965 : i32
        %and3A_967 = arith.andi %ne3A_963, %ne3A_966 : i1
        %sub3A_968 = arith.constant 1 : i32
        %sub3A_969 = arith.subi %div3A_948, %sub3A_968 : i32
        %select_n3A_970 = arith.select %and3A_967, %sub3A_969, %div3A_948 : i32
        %rem3A_971 = arith.constant 6 : i32
        %rem3A_972 = arith.remsi %sub3A_946, %rem3A_971 : i32
        %mul3A_973 = arith.constant 3072 : i32
        %mul3A_974 = arith.muli %select_n3A_970, %mul3A_973 : i32
        %add3A_975 = arith.addi %mul3A_974, %mul3A_2 : i32
        %mul3A_976 = arith.constant 16 : i32
        %mul3A_977 = arith.muli %rem3A_972, %mul3A_976 : i32
        %add3A_978 = arith.addi %add3A_975, %mul3A_977 : i32
        %dma_wait3A_979 = arith.constant 0 : i32
        %dma_wait3A_980 = tpu.memref_slice %arg7[%add3A_978, %dma_wait3A_979] : memref<24576x1024xf32, #tpu.memory_space<hbm>> -> memref<16x1024xf32, #tpu.memory_space<hbm>>
        %dma_wait3A_981 = arith.constant 0 : i32
        %dma_wait3A_982 = tpu.memref_slice %arg7[%add3A_978, %dma_wait3A_981] : memref<24576x1024xf32, #tpu.memory_space<hbm>> -> memref<16x1024xf32, #tpu.memory_space<hbm>>
        tpu.wait_dma2 semaphore(%arg22 : memref<!tpu.dma_semaphore, #tpu.memory_space<semaphore_mem>>) src(%arg17 : memref<16x1024xf32, #tpu.memory_space<vmem>>) dst(%dma_wait3A_982 : memref<16x1024xf32, #tpu.memory_space<hbm>>)
      } else {
      }
      %rem3A_876 = arith.constant 6 : i32
      %rem3A_877 = arith.remsi %add3A_827, %rem3A_876 : i32
      %jit3A_878 = arith.constant 2 : i32
      %div3A_879 = arith.divsi %rem3A_877, %jit3A_878 : i32
      %sign3A_880 = arith.constant 0 : i32
      %sign3A_881 = arith.cmpi sgt, %rem3A_877, %sign3A_880 : i32
      %sign3A_882 = arith.extui %sign3A_881 : i1 to i32
      %sign3A_883 = arith.constant 0 : i32
      %sign3A_884 = arith.cmpi slt, %rem3A_877, %sign3A_883 : i32
      %sign3A_885 = arith.extui %sign3A_884 : i1 to i32
      %sign3A_886 = arith.subi %sign3A_882, %sign3A_885 : i32
      %sign3A_887 = arith.constant 0 : i32
      %sign3A_888 = arith.cmpi sgt, %jit3A_878, %sign3A_887 : i32
      %sign3A_889 = arith.extui %sign3A_888 : i1 to i32
      %sign3A_890 = arith.constant 0 : i32
      %sign3A_891 = arith.cmpi slt, %jit3A_878, %sign3A_890 : i32
      %sign3A_892 = arith.extui %sign3A_891 : i1 to i32
      %sign3A_893 = arith.subi %sign3A_889, %sign3A_892 : i32
      %ne3A_894 = arith.cmpi ne, %sign3A_886, %sign3A_893 : i32
      %rem3A_895 = arith.remsi %rem3A_877, %jit3A_878 : i32
      %ne3A_896 = arith.constant 0 : i32
      %ne3A_897 = arith.cmpi ne, %rem3A_895, %ne3A_896 : i32
      %and3A_898 = arith.andi %ne3A_894, %ne3A_897 : i1
      %sub3A_899 = arith.constant 1 : i32
      %sub3A_900 = arith.subi %div3A_879, %sub3A_899 : i32
      %select_n3A_901 = arith.select %and3A_898, %sub3A_900, %div3A_879 : i32
      %rem3A_902 = arith.constant 2 : i32
      %rem3A_903 = arith.remsi %rem3A_877, %rem3A_902 : i32
      %mul3A_904 = arith.constant 16 : i32
      %mul3A_905 = arith.muli %rem3A_903, %mul3A_904 : i32
      %parallel_loop3A_906 = arith.constant 0 : i32
      %parallel_loop3A_907 = arith.constant 1024 : i32
      %parallel_loop3A_908 = arith.constant 1 : i32
      scf.for %parallel_loop3A_945 = %parallel_loop3A_906 to %parallel_loop3A_907 step %parallel_loop3A_908  : i32 {
        %parallel_loop3A_946 = arith.constant 64 : i32
        %parallel_loop3A_947 = arith.divsi %parallel_loop3A_945, %parallel_loop3A_946 : i32
        %parallel_loop3A_948 = arith.constant 0 : i32
        %parallel_loop3A_949 = arith.cmpi sgt, %parallel_loop3A_945, %parallel_loop3A_948 : i32
        %parallel_loop3A_950 = arith.extui %parallel_loop3A_949 : i1 to i32
        %parallel_loop3A_951 = arith.constant 0 : i32
        %parallel_loop3A_952 = arith.cmpi slt, %parallel_loop3A_945, %parallel_loop3A_951 : i32
        %parallel_loop3A_953 = arith.extui %parallel_loop3A_952 : i1 to i32
        %parallel_loop3A_954 = arith.subi %parallel_loop3A_950, %parallel_loop3A_953 : i32
        %parallel_loop3A_955 = arith.constant 0 : i32
        %parallel_loop3A_956 = arith.cmpi sgt, %parallel_loop3A_946, %parallel_loop3A_955 : i32
        %parallel_loop3A_957 = arith.extui %parallel_loop3A_956 : i1 to i32
        %parallel_loop3A_958 = arith.constant 0 : i32
        %parallel_loop3A_959 = arith.cmpi slt, %parallel_loop3A_946, %parallel_loop3A_958 : i32
        %parallel_loop3A_960 = arith.extui %parallel_loop3A_959 : i1 to i32
        %parallel_loop3A_961 = arith.subi %parallel_loop3A_957, %parallel_loop3A_960 : i32
        %parallel_loop3A_962 = arith.cmpi ne, %parallel_loop3A_954, %parallel_loop3A_961 : i32
        %parallel_loop3A_963 = arith.remsi %parallel_loop3A_945, %parallel_loop3A_946 : i32
        %parallel_loop3A_964 = arith.constant 0 : i32
        %parallel_loop3A_965 = arith.cmpi ne, %parallel_loop3A_963, %parallel_loop3A_964 : i32
        %parallel_loop3A_966 = arith.andi %parallel_loop3A_962, %parallel_loop3A_965 : i1
        %parallel_loop3A_967 = arith.constant 1 : i32
        %parallel_loop3A_968 = arith.subi %parallel_loop3A_947, %parallel_loop3A_967 : i32
        %parallel_loop3A_969 = arith.select %parallel_loop3A_966, %parallel_loop3A_968, %parallel_loop3A_947 : i32
        %parallel_loop3A_970 = arith.constant 64 : i32
        %parallel_loop3A_971 = arith.remsi %parallel_loop3A_945, %parallel_loop3A_970 : i32
        %parallel_loop3A_972 = arith.constant 16 : i32
        %parallel_loop3A_973 = arith.muli %parallel_loop3A_971, %parallel_loop3A_972 : i32
        %parallel_loop3A_974 = arith.index_cast %parallel_loop3A_969 : i32 to index
        %parallel_loop3A_975 = arith.index_cast %parallel_loop3A_973 : i32 to index
        %parallel_loop3A_976 = tpu.vector_load %arg15[%parallel_loop3A_974, %parallel_loop3A_975] {strides = array<i32>} : memref<16x1024xf32, #tpu.memory_space<vmem>>, vector<1x16xf32>,
        %parallel_loop3A_977 = vector.shape_cast %parallel_loop3A_976 : vector<1x16xf32> to vector<16xf32>
        %parallel_loop3A_978 = arith.addi %mul3A_905, %parallel_loop3A_969 : i32
        %parallel_loop3A_979 = arith.index_cast %parallel_loop3A_978 : i32 to index
        %parallel_loop3A_980 = arith.index_cast %parallel_loop3A_973 : i32 to index
        %parallel_loop3A_981 = tpu.vector_load %arg9[%parallel_loop3A_979, %parallel_loop3A_980] {strides = array<i32>} : memref<32x1024xf32, #tpu.memory_space<vmem>>, vector<1x16xf32>,
        %parallel_loop3A_982 = vector.shape_cast %parallel_loop3A_981 : vector<1x16xf32> to vector<16xf32>
        %parallel_loop3A_983 = arith.addf %parallel_loop3A_977, %parallel_loop3A_982 : vector<16xf32>
        %parallel_loop3A_984 = arith.index_cast %select_n3A_901 : i32 to index
        %parallel_loop3A_985 = arith.index_cast %parallel_loop3A_973 : i32 to index
        %parallel_loop3A_986 = tpu.vector_load %arg10[%parallel_loop3A_984, %parallel_loop3A_985] {strides = array<i32>} : memref<3x1024xf32, #tpu.memory_space<vmem>>, vector<1x16xf32>,
        %parallel_loop3A_987 = vector.shape_cast %parallel_loop3A_986 : vector<1x16xf32> to vector<16xf32>
        %parallel_loop3A_988 = arith.addf %parallel_loop3A_983, %parallel_loop3A_987 : vector<16xf32>
        %parallel_loop3A_989 = arith.index_cast %parallel_loop3A_969 : i32 to index
        %parallel_loop3A_990 = arith.index_cast %parallel_loop3A_973 : i32 to index
        %parallel_loop3A_991 = tpu.vector_load %arg17[%parallel_loop3A_989, %parallel_loop3A_990] {strides = array<i32>} : memref<16x1024xf32, #tpu.memory_space<vmem>>, vector<1x16xf32>,
        %parallel_loop3A_992 = vector.shape_cast %parallel_loop3A_991 : vector<1x16xf32> to vector<16xf32>
        %parallel_loop3A_993 = vector.shape_cast %parallel_loop3A_988 : vector<16xf32> to vector<1x16xf32>
        tpu.vector_store %arg17[%parallel_loop3A_989, %parallel_loop3A_990], %parallel_loop3A_993 {strides = array<i32>} : memref<16x1024xf32, #tpu.memory_space<vmem>>, vector<1x16xf32>,
      } {sc.loop_unroll_factor = 16 : i64, sc.parallel_access}
      %jit3A_909 = arith.constant 6 : i32
      %div3A_910 = arith.divsi %add3A_827, %jit3A_909 : i32
      %sign3A_911 = arith.constant 0 : i32
      %sign3A_912 = arith.cmpi sgt, %add3A_827, %sign3A_911 : i32
      %sign3A_913 = arith.extui %sign3A_912 : i1 to i32
      %sign3A_914 = arith.constant 0 : i32
      %sign3A_915 = arith.cmpi slt, %add3A_827, %sign3A_914 : i32
      %sign3A_916 = arith.extui %sign3A_915 : i1 to i32
      %sign3A_917 = arith.subi %sign3A_913, %sign3A_916 : i32
      %sign3A_918 = arith.constant 0 : i32
      %sign3A_919 = arith.cmpi sgt, %jit3A_909, %sign3A_918 : i32
      %sign3A_920 = arith.extui %sign3A_919 : i1 to i32
      %sign3A_921 = arith.constant 0 : i32
      %sign3A_922 = arith.cmpi slt, %jit3A_909, %sign3A_921 : i32
      %sign3A_923 = arith.extui %sign3A_922 : i1 to i32
      %sign3A_924 = arith.subi %sign3A_920, %sign3A_923 : i32
      %ne3A_925 = arith.cmpi ne, %sign3A_917, %sign3A_924 : i32
      %rem3A_926 = arith.remsi %add3A_827, %jit3A_909 : i32
      %ne3A_927 = arith.constant 0 : i32
      %ne3A_928 = arith.cmpi ne, %rem3A_926, %ne3A_927 : i32
      %and3A_929 = arith.andi %ne3A_925, %ne3A_928 : i1
      %sub3A_930 = arith.constant 1 : i32
      %sub3A_931 = arith.subi %div3A_910, %sub3A_930 : i32
      %select_n3A_932 = arith.select %and3A_929, %sub3A_931, %div3A_910 : i32
      %rem3A_933 = arith.constant 6 : i32
      %rem3A_934 = arith.remsi %add3A_827, %rem3A_933 : i32
      %mul3A_935 = arith.constant 3072 : i32
      %mul3A_936 = arith.muli %select_n3A_932, %mul3A_935 : i32
      %add3A_937 = arith.addi %mul3A_936, %mul3A_2 : i32
      %mul3A_938 = arith.constant 16 : i32
      %mul3A_939 = arith.muli %rem3A_934, %mul3A_938 : i32
      %add3A_940 = arith.addi %add3A_937, %mul3A_939 : i32
      %dma_start3A_941 = arith.constant 0 : i32
      %dma_start3A_942 = tpu.memref_slice %arg7[%add3A_940, %dma_start3A_941] : memref<24576x1024xf32, #tpu.memory_space<hbm>> -> memref<16x1024xf32, #tpu.memory_space<hbm>>
      %dma_start3A_943 = arith.constant 0 : i32
      %dma_start3A_944 = tpu.memref_slice %arg7[%add3A_940, %dma_start3A_943] : memref<24576x1024xf32, #tpu.memory_space<hbm>> -> memref<16x1024xf32, #tpu.memory_space<hbm>>
      tpu.enqueue_dma source(%arg17 : memref<16x1024xf32, #tpu.memory_space<vmem>>) target(%dma_start3A_944 : memref<16x1024xf32, #tpu.memory_space<hbm>>) target_semaphore(%arg22 : memref<!tpu.dma_semaphore, #tpu.memory_space<semaphore_mem>>)
    }
    %scan3A_199 = arith.constant 8 : i32
    %rem3A_200 = arith.constant 46 : i32
    %rem3A_201 = arith.constant 6 : i32
    %rem3A_202 = arith.remsi %rem3A_200, %rem3A_201 : i32
    %add3A_203 = arith.constant 21504 : i32
    %add3A_204 = arith.addi %add3A_203, %mul3A_2 : i32
    %mul3A_205 = arith.constant 16 : i32
    %mul3A_206 = arith.muli %rem3A_202, %mul3A_205 : i32
    %add3A_207 = arith.addi %add3A_204, %mul3A_206 : i32
    %dma_wait3A = arith.constant 0 : i32
    %dma_wait3A_208 = tpu.memref_slice %arg7[%add3A_207, %dma_wait3A] : memref<24576x1024xf32, #tpu.memory_space<hbm>> -> memref<16x1024xf32, #tpu.memory_space<hbm>>
    %dma_wait3A_209 = arith.constant 0 : i32
    %dma_wait3A_210 = tpu.memref_slice %arg7[%add3A_207, %dma_wait3A_209] : memref<24576x1024xf32, #tpu.memory_space<hbm>> -> memref<16x1024xf32, #tpu.memory_space<hbm>>
    tpu.wait_dma2 semaphore(%arg21 : memref<!tpu.dma_semaphore, #tpu.memory_space<semaphore_mem>>) src(%arg16 : memref<16x1024xf32, #tpu.memory_space<vmem>>) dst(%dma_wait3A_210 : memref<16x1024xf32, #tpu.memory_space<hbm>>)
    %rem3A_211 = arith.constant 47 : i32
    %rem3A_212 = arith.constant 6 : i32
    %rem3A_213 = arith.remsi %rem3A_211, %rem3A_212 : i32
    %add3A_214 = arith.constant 21504 : i32
    %add3A_215 = arith.addi %add3A_214, %mul3A_2 : i32
    %mul3A_216 = arith.constant 16 : i32
    %mul3A_217 = arith.muli %rem3A_213, %mul3A_216 : i32
    %add3A_218 = arith.addi %add3A_215, %mul3A_217 : i32
    %dma_wait3A_219 = arith.constant 0 : i32
    %dma_wait3A_220 = tpu.memref_slice %arg7[%add3A_218, %dma_wait3A_219] : memref<24576x1024xf32, #tpu.memory_space<hbm>> -> memref<16x1024xf32, #tpu.memory_space<hbm>>
    %dma_wait3A_221 = arith.constant 0 : i32
    %dma_wait3A_222 = tpu.memref_slice %arg7[%add3A_218, %dma_wait3A_221] : memref<24576x1024xf32, #tpu.memory_space<hbm>> -> memref<16x1024xf32, #tpu.memory_space<hbm>>
    tpu.wait_dma2 semaphore(%arg22 : memref<!tpu.dma_semaphore, #tpu.memory_space<semaphore_mem>>) src(%arg17 : memref<16x1024xf32, #tpu.memory_space<vmem>>) dst(%dma_wait3A_222 : memref<16x1024xf32, #tpu.memory_space<hbm>>)
    return
  }
}

</mosaic_0001>

<sc_bundles>
// kernel: kernel.3.cloned.1.call-start
scs
__scs_entry_jumppad:
0x0: {  	(pc) =	sbr.rel $0x88, $3  }
0x1: {  	(tag) =	ssettag $0x0;
	lr =	simm.s32 $0x1  }
0x2: {  	[smem:$0x3F9C] =	sst lr;
	_ =	strace $0xD0000000  }
0x3: {  	_ = 	snop  }
0x4: {  	_ = 	snop  }
0x5: {  	_ = 	snop  }
0x6: {  	_ = 	snop  }
0x7: {  	_ = 	snop  }
__scs_overlays_trampoline_lowered:
0x8: {  	[smem:$0x3FAB] =	sst s0  }
0x9: {  	[smem:$0x3FAC] =	sst s1  }
0xa: {  	[smem:$0x3FAD] =	sst s2  }
0xb: {  	[smem:$0x3FAE] =	sst s3  }
0xc: {  	[smem:$0x3FAF] =	sst s4  }
0xd: {  	[smem:$0x3FB0] =	sst s5  }
0xe: {  	[smem:$0x3FB1] =	sst s6  }
0xf: {  	[smem:$0x3FB2] =	sst s7  }
0x10: {  	[smem:$0x3FB3] =	sst s8  }
0x11: {  	[smem:$0x3FB4] =	sst s9;
	s0 =	simm.s32 @!p0 $0x0  }
0x12: {  	s1 =	sld [smem:$0x3F9A];
	s0 =	simm.s32 @p0 $0x1  }
0x13: {  	[smem:$0x3FB5] =	sst s0;
	s0 =	simm.s32 @!p1 $0x0  }
0x14: {  	s2 =	sld [smem:$0x3F99];
	s0 =	simm.s32 @p1 $0x1  }
0x15: {  	[smem:$0x3FB6] =	sst s0;
	s0 =	simm.s32 @!p2 $0x0  }
0x16: {  	s3 =	sld [smem:$0x3FDB];
	s0 =	simm.s32 @p2 $0x1  }
0x17: {  	s4 =	simm.s32 $0x1BF5;
	[smem:$0x3FB8] =	sst s0  }
0x18: {  	s0 =	sld [smem:$0x3F9B];
	_ =	swait.ge [sflag:s4], $0x0  }
0x19: {  	s7 =	sld [smem:$0x3F9C]  }
0x1a: {  	s8 =	sadd.s32 $0xFFFFE003, lr  }
0x1b: {  	s9 =	sadd.s32 $0xFFFFFEF7, lr;
	s5 =	simm.s32 $0xFFFFFFFF;
	p2 =	slt.u32 s8, $0xFFFFF086  }
0x1c: {  	p1 =	slt.u32 s9, $0xF7A;
	s5 =	simm.s32 @!p2 $0x0  }
0x1d: {  	s5 =	simm.s32 @p1 $0x1;
	p0 =	seq.s32 s7, s2  }
0x1e: {  	s7 =	smul.u32 @!p0 $0xF7A, s2;
	p2 =	seq.s32 @!p0 s5, $0x0  }
0x1f: {  	s9 =	smul.u32 $0xF7A, s1;
	s8 =	simm.s32 @!p0 $0x1BF5;
	p2 =	por !p2, p0  }
0x20: {  	[sflag:s8] =	ssyncset.s32 @!p0 $0xFFFFF086;
	s6 =	sadd.s32 @!p0 s3, s7;
	s7 =	simm.s32 @!p0 $0x108  }
0x21: {  	s3 =	sadd.s32 s3, s9;
	s6 =	sadd.s32 @!p0 $0x88, s6;
	s7 =	simm.s32 @p2 $0x1082  }
0x22: {  	[simem:s7], [sflag:s8] =	dma.local @!p0 [hbm:s6], $0xF7A  }
0x23: {  	s9 =	sor.u32 $0xD0000000, s2;
	s6 =	simm.s32 $0x108;
	_ =	swait.ge @!p0 [sflag:s8], $0x0  }
0x24: {  	s3 =	sadd.s32 $0x88, s3;
	s6 =	simm.s32 @!p1 $0x1082;
	[sflag:s4] =	ssyncset.s32 $0xFFFFF086  }
0x25: {  	[simem:s6], [sflag:s4] =	dma.local [hbm:s3], $0xF7A  }
0x26: {  	[smem:$0x3F9C] =	sst s1;
	(tag) =	ssettag s2;
	_ =	strace s9  }
0x27: {  	s1 =	sld [smem:$0x3FAC]  }
0x28: {  	s2 =	sld [smem:$0x3FAD]  }
0x29: {  	s4 =	sld [smem:$0x3FAF]  }
0x2a: {  	p0 =	seq.s32 s5, $0x0;
	s5 =	sld [smem:$0x3FB0]  }
0x2b: {  	s6 =	sld [smem:$0x3FB1]  }
0x2c: {  	s7 =	sld [smem:$0x3FB2]  }
0x2d: {  	s3 =	simm.s32 $0x108;
	s8 =	sld [smem:$0x3FB3]  }
0x2e: {  	s3 =	simm.s32 @!p0 $0x1082;
	s9 =	sld [smem:$0x3FB4]  }
0x2f: {  	lr =	sadd.s32 s0, s3;
	s0 =	sld [smem:$0x3FAB]  }
0x30: {  	s3 =	sld [smem:$0x3FAE]  }
0x31: {  	[smem:$0x3FB7] =	sst s10  }
0x32: {  	s10 =	sld [smem:$0x3FB5];
	_ =	sdelay $0x3  }
0x33: {  	p0 =	seq.s32 s10, $0x1;
	s10 =	sld [smem:$0x3FB7];
	_ =	sdelay $0x3  }
0x34: {  	[smem:$0x3FB7] =	sst s10  }
0x35: {  	s10 =	sld [smem:$0x3FB6];
	_ =	sdelay $0x3  }
0x36: {  	p1 =	seq.s32 s10, $0x1;
	s10 =	sld [smem:$0x3FB7];
	_ =	sdelay $0x3  }
0x37: {  	[smem:$0x3FB7] =	sst s10  }
0x38: {  	s10 =	sld [smem:$0x3FB8]  }
0x39: {  	_ = 	snop;
	(pc) =	sbr.ind lr, $3  }
0x3a: {  	_ = 	snop  }
0x3b: {  	_ = 	snop  }
0x3c: {  	p2 =	seq.s32 s10, $0x1;
	s10 =	sld [smem:$0x3FB7]  }
0x3d: {  	_ =	shalt  }
0x3e: {  	_ =	shalt  }
0x3f: {  	_ =	shalt  }
0x40: {  	_ =	shalt  }
0x41: {  	_ =	shalt  }
0x42: {  	_ =	shalt  }
0x43: {  	_ =	shalt  }
0x44: {  	_ =	shalt  }
0x45: {  	_ =	shalt  }
0x46: {  	_ =	shalt  }
0x47: {  	_ =	shalt  }
0x48: {  	_ =	shalt  }
0x49: {  	_ =	shalt  }
0x4a: {  	_ =	shalt  }
0x4b: {  	_ =	shalt  }
0x4c: {  	_ =	shalt  }
0x4d: {  	_ =	shalt  }
0x4e: {  	_ =	shalt  }
0x4f: {  	_ =	shalt  }
0x50: {  	_ =	shalt  }
0x51: {  	_ =	shalt  }
0x52: {  	_ =	shalt  }
0x53: {  	_ =	shalt  }
0x54: {  	_ =	shalt  }
0x55: {  	_ =	shalt  }
0x56: {  	_ =	shalt  }
0x57: {  	_ =	shalt  }
0x58: {  	_ =	shalt  }
0x59: {  	_ =	shalt  }
0x5a: {  	_ =	shalt  }
0x5b: {  	_ =	shalt  }
0x5c: {  	_ =	shalt  }
0x5d: {  	_ =	shalt  }
0x5e: {  	_ =	shalt  }
0x5f: {  	_ =	shalt  }
0x60: {  	_ =	shalt  }
0x61: {  	_ =	shalt  }
0x62: {  	_ =	shalt  }
0x63: {  	_ =	shalt  }
0x64: {  	_ =	shalt  }
0x65: {  	_ =	shalt  }
0x66: {  	_ =	shalt  }
0x67: {  	_ =	shalt  }
0x68: {  	_ =	shalt  }
0x69: {  	_ =	shalt  }
0x6a: {  	_ =	shalt  }
0x6b: {  	_ =	shalt  }
0x6c: {  	_ =	shalt  }
0x6d: {  	_ =	shalt  }
0x6e: {  	_ =	shalt  }
0x6f: {  	_ =	shalt  }
0x70: {  	_ =	shalt  }
0x71: {  	_ =	shalt  }
0x72: {  	_ =	shalt  }
0x73: {  	_ =	shalt  }
0x74: {  	_ =	shalt  }
0x75: {  	_ =	shalt  }
0x76: {  	_ =	shalt  }
0x77: {  	_ =	shalt  }
0x78: {  	_ =	shalt  }
0x79: {  	_ =	shalt  }
0x7a: {  	_ =	shalt  }
0x7b: {  	_ =	shalt  }
0x7c: {  	_ =	shalt  }
0x7d: {  	_ =	shalt  }
0x7e: {  	_ =	shalt  }
0x7f: {  	_ =	shalt  }
0x80: {  	_ =	shalt  }
0x81: {  	_ =	shalt  }
0x82: {  	_ =	shalt  }
0x83: {  	_ =	shalt  }
0x84: {  	_ =	shalt  }
0x85: {  	_ =	shalt  }
0x86: {  	_ =	shalt  }
0x87: {  	_ =	shalt  }
.Lfunc_end0:
.L_simem_size_0:
called_computation_lowered:
.L_overlay_start_0:
0x88: {  	s2 =	sld [smem:$0x3FD9]  }
0x89: {  	s3 =	sld [smem:$0x3FFE];
	_ =	sdelay $0x1  }
0x8a: {  	s1 =	srdreg.scid  }
0x8b: {  	s0 =	sand.u32 $0x1, s1  }
0x8c: {  	s17 =	sshll.u32 s0, $0xA;
	s2 =	sadd.s32 s3, s2  }
0x8d: {  	s2 =	sadd.s32 s2, s17  }
0x8e: {  	[smem:$0x3FC3] =	sst s2  }
0x8f: {  	_ = 	snop  }
0x90: {  	s2 =	sld [smem:$0x3FC8]  }
0x91: {  	s18 =	sld [smem:$0x3FC7]  }
0x92: {  	s4 =	sld [smem:$0x3FC6]  }
0x93: {  	s5 =	sld [smem:$0x3FC5]  }
0x94: {  	s6 =	sld [smem:$0x3FD0];
	(tm) =	ssettm $0x1  }
0x95: {  	s7 =	sld [smem:$0x3FFB];
	_ =	sdelay $0x3  }
0x96: {  	_ =	strace s7  }
0x97: {  	s7 =	sld [smem:$0x3FFC];
	_ =	sdelay $0x3  }
0x98: {  	_ =	strace s7  }
0x99: {  	s7 =	sld [smem:$0x3FFD];
	_ =	sdelay $0x3  }
0x9a: {  	_ =	strace s7  }
0x9b: {  	_ =	strace $0x8FFFFFFF  }
0x9c: {  	s19 =	sld [smem:$0x3FDB];
	_ =	sdelay $0x1  }
0x9d: {  	s8 =	simm.s32 $_scs_section_size  }
0x9e: {  	s9 =	simm.s32 $_size__tile_overlayer_lowered;
	s10 =	simm.s32 $_tile_overlayer_lowered  }
0x9f: {  	s22 =	simm.s32 $0x1BFF;
	s21 =	sshll.u32 s10, $0x1;
	s7 =	sadd.s32 s8, s19  }
0xa0: {  	s11 =	simm.s32 $0x0;
	s20 =	sshll.u32 s9, $0x1;
	s9 =	sadd.s32 s21, s7  }
0xa1: {  	[timem:s11], [sflag:s22] =	dma.local [hbm:s9], s20  }
0xa2: {  	_ =	swait.ge [sflag:s22], s20  }
0xa3: {  	s8 =	ssub.s32 $0x0, s20;
	[sflag:s22] =	ssyncset.done $0x0  }
0xa4: {  	[sflag:s22] =	ssyncadd.s32 s8;
	_ =	sdelay $0x1  }
0xa5: {  	s23 =	simm.s32 $0x1B8B  }
0xa6: {  	_ =	swait.ge [sflag:s23], $0x1  }
0xa7: {  	[sflag:s23] =	ssyncset.done $0x0  }
0xa8: {  	s25 =	simm.s32 $0x1B8E;
	s24 =	sld [smem:$0x3FFE];
	[sflag:s23] =	ssyncadd.s32 $0xFFFFFFFF  }
0xa9: {  	s26 =	simm.s32 $execute0_lowered;
	[smem:$0x3FD2] =	sst s25  }
0xaa: {  	s9 =	sshll.u32 s26, $0x1;
	_ =	strace $0x80000046;
	[dreg:$0x1] =	wrdreg $0xFFFFFFFF  }
0xab: {  	s28 =	simm.s32 $_size_execute0_lowered;
	s7 =	sadd.s32 s7, s9;
	[dreg:$0x0] =	wrdreg $0x0  }
0xac: {  	s9 =	sshll.u32 s28, $0x1;
	[dreg:$0x2] =	wrdreg s7  }
0xad: {  	[dreg:$0x3] =	wrdreg s9  }
0xae: {  	[dreg:$0x4] =	wrdreg $0xC0  }
0xaf: {  	_ =	task [dreg:s11], $0x5FFFF  }
0xb0: {  	[dreg:$0x1] =	wrdreg $0xFFFFFFFF  }
0xb1: {  	[dreg:$0x0] =	wrdreg $0x60  }
0xb2: {  	[dreg:$0x2] =	wrdreg s24  }
0xb3: {  	[dreg:$0x3] =	wrdreg s2  }
0xb4: {  	[dreg:$0x4] =	wrdreg s18  }
0xb5: {  	[dreg:$0x5] =	wrdreg s4  }
0xb6: {  	[dreg:$0x6] =	wrdreg s5  }
0xb7: {  	[dreg:$0x7] =	wrdreg s6  }
0xb8: {  	[dreg:$0x8] =	wrdreg $0x9  }
0xb9: {  	_ =	task.clear_ibuf [dreg:s11], $0x9FFFF;
	_ =	strace $0x90000046  }
0xba: {  	s29 =	simm.s32 $0x9;
	_ =	strace $0x80000048  }
0xbb: {  	_ =	swait.ge [sflag:s29], $0x1  }
0xbc: {  	[sflag:s29] =	ssyncadd.s32 $0xFFFFFFFF  }
0xbd: {  	_ =	strace $0x90000048  }
0xbe: {  	_ =	sfence  }
0xbf: {  	s30 =	sld [smem:$0x0];
	_ =	sdelay $0x2  }
0xc0: {  	s31 =	sshll.u32 s1, $0xD;
	s1 =	sshrl.u32 s1, $0x2  }
0xc1: {  	s3 =	sand.u32 $0x4000, s31;
	s1 =	sadd.s32 s1, s30  }
0xc2: {  	s0 =	sor.u32 s3, s0;
	s1 =	sshll.u32 s1, $0x11  }
0xc3: {  	s0 =	sor.u32 s1, s0  }
0xc4: {  	s0 =	sadd.s32 $0x8F2B, s0  }
0xc5: {  	[sflag:s0] =	ssyncadd.remote.s32 $0x1  }
0xc6: {  	_ =	sfence.sel $0xFFFF  }
0xc7: {  	[dreg:$0x0] =	wrdreg $0xFFFFFFFF;
	(pc) =	sbr.abs _section_cstart, $3  }
0xc8: {  	[dreg:$0x1] =	wrdreg $0xFFFFFFFF  }
0xc9: {  	_ =	task.clear_ibuf [dreg:s11], $0x2FFFF;
	_ =	strace $0x9FFFFFFF  }
0xca: {  	(tm) =	ssettm $0x7FFFFFFF  }
0xcb: {  	_ =	shalt  }
tec
execute0_lowered:
.L_overlay_start_1:
0x0: {  	(tag) =	ssettag $0x1  }
0x1: {  	s0 =	rddreg [dreg:$0x0]  }
0x2: {  	s1 =	rddreg [dreg:$0x1]  }
0x3: {  	s2 =	rddreg [dreg:$0x2]  }
0x4: {  	s3 =	srdreg.scid;
	s4 =	stileid.u32  }
0x5: {  	s5 =	rddreg [dreg:$0x4];
	s3 =	sand.u32 $0x1, s3;
	s4 =	sshll.u32 s4, $0x1  }
0x6: {  	s6 =	simm.s32 $0x0;
	s29 =	simm.s32 $0x1;
	s4 =	sor.u32 s3, s4  }
0x7: {  	s30 =	simm.s32 $0x11B00;
	s31 =	simm.s32 $0x4;
	s12 =	smul.u32 $0x60, s4  }
0x8: {  	[smem:$0x7FF] =	sst s6;
	s15 =	sadd.s32 $0x100, s1;
	s3 =	ssub.s32 $0x2, s3  }
0x9: {  	s16 =	sadd.s32 $0x200, s1;
	s7 =	sshrl.u32 s3, $0x1;
	s4 =	sshrl.u32 s12, $0x3  }
0xa: {  	_ =	strace $0x80000047;
	s3 =	ssub.s32 s3, s7;
	s0 =	sadd.s32 s4, s0  }
0xb: {  	s11 =	sshll.u32 s12, $0x5;
	[dreg:$0x7] =	wrdreg s12;
	s4 =	sadd.s32 $0x400, s0  }
0xc: {  	s13 =	sshll.u32 s12, $0x2;
	s26 =	sadd.s32 $0x580, s0;
	[dreg:$0x8] =	wrdreg s4  }
0xd: {  	s14 =	sadd.s32 $0x20, s12;
	s28 =	sadd.s32 $0x700, s0;
	[dreg:$0x9] =	wrdreg s26  }
0xe: {  	s18 =	sadd.s32 $0x40, s12;
	s7 =	sadd.s32 $0x880, s0;
	[dreg:$0xa] =	wrdreg s28  }
0xf: {  	s22 =	sshrl.u32 s12, $0x6;
	s8 =	sadd.s32 $0xA00, s0;
	[dreg:$0xb] =	wrdreg s7  }
0x10: {  	s12 =	simm.s32 $0x9300;
	s9 =	sadd.s32 $0xB80, s0;
	[dreg:$0xc] =	wrdreg s8  }
0x11: {  	s23 =	sshrl.u32 s14, $0x6;
	s10 =	sadd.s32 $0xD00, s0;
	[dreg:$0xd] =	wrdreg s9  }
0x12: {  	s24 =	sshrl.u32 s18, $0x6;
	s0 =	sadd.s32 $0xE80, s0;
	[dreg:$0xe] =	wrdreg s10  }
0x13: {  	[dreg:$0xf] =	wrdreg s0;
	s0 =	sand.u32 $0x6000, s11;
	s4 =	sand.u32 $0x380, s13  }
0x14: {  	s8 =	sshll.u32 s14, $0x5;
	s9 =	sshll.u32 s14, $0x2;
	s10 =	sshll.u32 s18, $0x5  }
0x15: {  	s11 =	sshll.u32 s18, $0x2;
	s26 =	sand.u32 $0x30, s24;
	s28 =	smax.u32 s3, $0x1  }
0x16: {  	s13 =	simm.s32 $0x200;
	s14 =	simm.s32 $0x9700;
	s3 =	simm.s32 $0x5  }
0x17: {  	s0 =	sor.u32 s4, s0;
	s17 =	sand.u32 $0x6000, s8;
	s9 =	sand.u32 $0x380, s9  }
0x18: {  	s10 =	sand.u32 $0x6000, s10;
	s11 =	sand.u32 $0x380, s11;
	[dreg:$0x16] =	wrdreg s28  }
0x19: {  	s4 =	sor.u32 s9, s17;
	s19 =	sor.u32 s11, s10;
	s0 =	sshrl.u32 s0, $0x3  }
0x1a: {  	s17 =	sadd.s32 $0x300, s1;
	s4 =	sshrl.u32 s4, $0x3;
	s0 =	sadd.s32 s2, s0  }
0x1b: {  	s21 =	sshrl.u32 s19, $0x3;
	[dreg:$0x10] =	wrdreg s0;
	s20 =	sadd.s32 s2, s4  }
0x1c: {  	s0 =	sadd.s32 s2, s21;
	s2 =	sand.u32 $0x30, s23;
	[dreg:$0x11] =	wrdreg s20  }
0x1d: {  	[dreg:$0x12] =	wrdreg s0;
	s0 =	sand.u32 $0x30, s22;
	s25 =	sadd.s32 s5, s2  }
0x1e: {  	v2 =	vlaneseq.u32;
	s10 =	simm.s32 $0x80;
	s0 =	sadd.s32 s5, s0;
	[dreg:$0x14] =	wrdreg s25  }
0x1f: {  	vm0 =	vmmov $0xffff;
	v1 =	vshrl.u32 v2, $0x3;
	s11 =	simm.s32 $0x400;
	[dreg:$0x13] =	wrdreg s0;
	s0 =	sadd.s32 s5, s26  }
0x20: {  	v0 =	vand.u32 $0x7, v2;
	v2 =	vor.u32 $0x8, v2;
	v1 =	vmul.u32 $0x8, v1;
	s4 =	simm.s32 $0x0;
	s2 =	simm.s32 $0x6;
	[dreg:$0x15] =	wrdreg s0  }
.LBB2_1:
0x21: {  	[dreg:$0x17] =	wrdreg s4  }
0x22: {  	s0 =	rddreg [dreg:$0x8]  }
0x23: {  	[tilespmem:s6], [sflag:$0x6] =	stream.linear.gather [hbm4b:s0+s6], $0x60, $0x38;
	[tilespmem:$0x1DB00] =	vst v63  }
0x24: {  	_ =	swait.ge [sflag:s2], $0x60  }
0x25: {  	[sflag:s2] =	ssyncset.done $0x0  }
0x26: {  	s25 =	simm.s32 $0x60;
	s24 =	rddreg [dreg:$0x9];
	[sflag:s2] =	ssyncadd.s32 $0xFFFFFFA0  }
0x27: {  	[tilespmem:s25], [sflag:$0x6] =	stream.linear.gather [hbm4b:s24+s6], $0x60, $0x38;
	[tilespmem:$0x1DB00] =	vst v63  }
0x28: {  	_ =	swait.ge [sflag:s2], $0x60  }
0x29: {  	[sflag:s2] =	ssyncset.done $0x0  }
0x2a: {  	s28 =	simm.s32 $0xC0;
	s26 =	rddreg [dreg:$0xa];
	[sflag:s2] =	ssyncadd.s32 $0xFFFFFFA0  }
0x2b: {  	[tilespmem:s28], [sflag:$0x6] =	stream.linear.gather [hbm4b:s26+s6], $0x60, $0x38;
	[tilespmem:$0x1DB00] =	vst v63  }
0x2c: {  	_ =	swait.ge [sflag:s2], $0x60  }
0x2d: {  	[sflag:s2] =	ssyncset.done $0x0  }
0x2e: {  	s5 =	simm.s32 $0x120;
	s4 =	rddreg [dreg:$0xb];
	[sflag:s2] =	ssyncadd.s32 $0xFFFFFFA0  }
0x2f: {  	[tilespmem:s5], [sflag:$0x6] =	stream.linear.gather [hbm4b:s4+s6], $0x60, $0x38;
	[tilespmem:$0x1DB00] =	vst v63  }
0x30: {  	_ =	swait.ge [sflag:s2], $0x60  }
0x31: {  	[sflag:s2] =	ssyncset.done $0x0  }
0x32: {  	s8 =	simm.s32 $0x180;
	s7 =	rddreg [dreg:$0xc];
	[sflag:s2] =	ssyncadd.s32 $0xFFFFFFA0  }
0x33: {  	[tilespmem:s8], [sflag:$0x6] =	stream.linear.gather [hbm4b:s7+s6], $0x60, $0x38;
	[tilespmem:$0x1DB00] =	vst v63  }
0x34: {  	_ =	swait.ge [sflag:s2], $0x60  }
0x35: {  	[sflag:s2] =	ssyncset.done $0x0  }
0x36: {  	s18 =	simm.s32 $0x1E0;
	s9 =	rddreg [dreg:$0xd];
	[sflag:s2] =	ssyncadd.s32 $0xFFFFFFA0  }
0x37: {  	[tilespmem:s18], [sflag:$0x6] =	stream.linear.gather [hbm4b:s9+s6], $0x60, $0x38;
	[tilespmem:$0x1DB00] =	vst v63  }
0x38: {  	_ =	swait.ge [sflag:s2], $0x60  }
0x39: {  	[sflag:s2] =	ssyncset.done $0x0  }
0x3a: {  	s20 =	simm.s32 $0x240;
	s19 =	rddreg [dreg:$0xe];
	[sflag:s2] =	ssyncadd.s32 $0xFFFFFFA0  }
0x3b: {  	[tilespmem:s20], [sflag:$0x6] =	stream.linear.gather [hbm4b:s19+s6], $0x60, $0x38;
	[tilespmem:$0x1DB00] =	vst v63  }
0x3c: {  	_ =	swait.ge [sflag:s2], $0x60  }
0x3d: {  	[sflag:s2] =	ssyncset.done $0x0  }
0x3e: {  	s22 =	simm.s32 $0x2A0;
	s21 =	rddreg [dreg:$0xf];
	[sflag:s2] =	ssyncadd.s32 $0xFFFFFFA0  }
0x3f: {  	[tilespmem:s22], [sflag:$0x6] =	stream.linear.gather [hbm4b:s21+s6], $0x60, $0x38;
	[tilespmem:$0x1DB00] =	vst v63  }
0x40: {  	_ =	swait.ge [sflag:s2], $0x60  }
0x41: {  	[sflag:s2] =	ssyncset.done $0x0  }
0x42: {  	[sflag:s2] =	ssyncadd.s32 $0xFFFFFFA0  }
0x43: {  	v3 =	vld [tilespmem:$0x0];
	_ =	sdelay $0x4  }
0x44: {  	v4 =	vshll.u32 v3, $0x3  }
0x45: {  	v3 =	vand.u32 $0x7, v3;
	v4 =	vand.u32 $0xFFFFFFC0, v4  }
0x46: {  	v3 =	vor.u32 v3, v4  }
0x47: {  	v4 =	vperm.xlane v3, v0;
	_ =	sdelay $0x1  }
0x48: {  	v4 =	vadd.s32 v1, v4;
	_ =	sdelay $0x3  }
0x49: {  	s23 =	simm.s32 $0x9B00  }
0x4a: {  	[tilespmem:s23], [sflag:$0x1] =	stream.indirect_vreg.gather [hbm4b:s1+s6], $0x80, v4, vm0, $0xb8;
	[tilespmem:$0x1DB00] =	vst v63  }
0x4b: {  	s24 =	simm.s32 $0xA300;
	v3 =	vperm.xlane v3, v2  }
0x4c: {  	[tilespmem:s24], [sflag:$0x1] =	stream.indirect_vreg.gather [hbm4b:s15+s6], $0x80, v4, vm0, $0xb8;
	[tilespmem:$0x1DB00] =	vst v63  }
0x4d: {  	s25 =	simm.s32 $0xAB00;
	v3 =	vadd.s32 v1, v3  }
0x4e: {  	[tilespmem:s25], [sflag:$0x1] =	stream.indirect_vreg.gather [hbm4b:s16+s6], $0x80, v4, vm0, $0xb8;
	[tilespmem:$0x1DB00] =	vst v63  }
0x4f: {  	s26 =	simm.s32 $0xB300  }
0x50: {  	[tilespmem:s26], [sflag:$0x1] =	stream.indirect_vreg.gather [hbm4b:s17+s6], $0x80, v4, vm0, $0xb8;
	[tilespmem:$0x1DB00] =	vst v63  }
0x51: {  	s28 =	simm.s32 $0xBB00  }
0x52: {  	[tilespmem:s28], [sflag:$0x1] =	stream.indirect_vreg.gather [hbm4b:s1+s6], $0x80, v3, vm0, $0xb8;
	[tilespmem:$0x1DB00] =	vst v63  }
0x53: {  	s4 =	simm.s32 $0xC300  }
0x54: {  	[tilespmem:s4], [sflag:$0x1] =	stream.indirect_vreg.gather [hbm4b:s15+s6], $0x80, v3, vm0, $0xb8;
	[tilespmem:$0x1DB00] =	vst v63  }
0x55: {  	s5 =	simm.s32 $0xCB00  }
0x56: {  	[tilespmem:s5], [sflag:$0x1] =	stream.indirect_vreg.gather [hbm4b:s16+s6], $0x80, v3, vm0, $0xb8;
	[tilespmem:$0x1DB00] =	vst v63  }
0x57: {  	s7 =	simm.s32 $0xD300  }
0x58: {  	[tilespmem:s7], [sflag:$0x1] =	stream.indirect_vreg.gather [hbm4b:s17+s6], $0x80, v3, vm0, $0xb8;
	[tilespmem:$0x1DB00] =	vst v63  }
0x59: {  	v3 =	vld [tilespmem:$0x10];
	_ =	sdelay $0x4  }
0x5a: {  	v4 =	vshll.u32 v3, $0x3  }
0x5b: {  	v3 =	vand.u32 $0x7, v3;
	v4 =	vand.u32 $0xFFFFFFC0, v4  }
0x5c: {  	v3 =	vor.u32 v3, v4  }
0x5d: {  	v4 =	vperm.xlane v3, v0;
	_ =	sdelay $0x1  }
0x5e: {  	v4 =	vadd.s32 v1, v4;
	_ =	sdelay $0x3  }
0x5f: {  	s8 =	simm.s32 $0xDB00  }
0x60: {  	[tilespmem:s8], [sflag:$0x2] =	stream.indirect_vreg.gather [hbm4b:s1+s6], $0x80, v4, vm0, $0xb8;
	[tilespmem:$0x1DB00] =	vst v63  }
0x61: {  	s9 =	simm.s32 $0xE300;
	v3 =	vperm.xlane v3, v2  }
0x62: {  	[tilespmem:s9], [sflag:$0x2] =	stream.indirect_vreg.gather [hbm4b:s15+s6], $0x80, v4, vm0, $0xb8;
	[tilespmem:$0x1DB00] =	vst v63  }
0x63: {  	s18 =	simm.s32 $0xEB00;
	v3 =	vadd.s32 v1, v3  }
0x64: {  	[tilespmem:s18], [sflag:$0x2] =	stream.indirect_vreg.gather [hbm4b:s16+s6], $0x80, v4, vm0, $0xb8;
	[tilespmem:$0x1DB00] =	vst v63  }
0x65: {  	s19 =	simm.s32 $0xF300  }
0x66: {  	[tilespmem:s19], [sflag:$0x2] =	stream.indirect_vreg.gather [hbm4b:s17+s6], $0x80, v4, vm0, $0xb8;
	[tilespmem:$0x1DB00] =	vst v63  }
0x67: {  	s20 =	simm.s32 $0xFB00  }
0x68: {  	[tilespmem:s20], [sflag:$0x2] =	stream.indirect_vreg.gather [hbm4b:s1+s6], $0x80, v3, vm0, $0xb8;
	[tilespmem:$0x1DB00] =	vst v63  }
0x69: {  	s21 =	simm.s32 $0x10300  }
0x6a: {  	[tilespmem:s21], [sflag:$0x2] =	stream.indirect_vreg.gather [hbm4b:s15+s6], $0x80, v3, vm0, $0xb8;
	[tilespmem:$0x1DB00] =	vst v63  }
0x6b: {  	s22 =	simm.s32 $0x10B00  }
0x6c: {  	[tilespmem:s22], [sflag:$0x2] =	stream.indirect_vreg.gather [hbm4b:s16+s6], $0x80, v3, vm0, $0xb8;
	[tilespmem:$0x1DB00] =	vst v63  }
0x6d: {  	s23 =	simm.s32 $0x11300  }
0x6e: {  	[tilespmem:s23], [sflag:$0x2] =	stream.indirect_vreg.gather [hbm4b:s17+s6], $0x80, v3, vm0, $0xb8;
	[tilespmem:$0x1DB00] =	vst v63  }
0x6f: {  	s24 =	rddreg [dreg:$0x3];
	s25 =	simm.s32 $0x300  }
0x70: {  	[tilespmem:s25], [sflag:$0x6] =	stream.linear.gather [hbm4b:s24+s6], $0x8000, $0x38;
	[tilespmem:$0x1DB00] =	vst v63  }
0x71: {  	_ =	swait.ge [sflag:s2], $0x8000  }
0x72: {  	[sflag:s2] =	ssyncset.done $0x0  }
0x73: {  	s26 =	rddreg [dreg:$0x10];
	[sflag:s2] =	ssyncadd.s32 $0xFFFF8000  }
0x74: {  	[tilespmem:s12], [sflag:$0x6] =	stream.strided.gather [hbm4b:s26+s10], $0x400, s11, s10, $0x38;
	[tilespmem:$0x1DB00] =	vst v63  }
0x75: {  	_ =	swait.ge [sflag:s2], $0x400  }
0x76: {  	[sflag:s2] =	ssyncset.done $0x0  }
0x77: {  	s28 =	rddreg [dreg:$0x13];
	[sflag:s2] =	ssyncadd.s32 $0xFFFFFC00  }
0x78: {  	[tilespmem:s14], [sflag:$0x6] =	stream.strided.gather [hbm4b:s28+s10], $0x400, s13, s10, $0x38;
	[tilespmem:$0x1DB00] =	vst v63  }
0x79: {  	_ =	swait.ge [sflag:s2], $0x400  }
0x7a: {  	[sflag:s2] =	ssyncset.done $0x0  }
0x7b: {  	s8 =	simm.s32 $0x0;
	[sflag:s2] =	ssyncadd.s32 $0xFFFFFC00  }
0x7c: {  	s0 =	simm.s32 $0x0;
	s5 =	simm.s32 $0x10;
	s7 =	simm.s32 $0x0;
	v3 =	vld [tilespmem:s8+$0x9700]  }
.LBB2_2:
0x7d: {  	p0 =	sne.s32 s5, $0x3F0;
	v4 =	vld [tilespmem:s8+$0x9300];
	_ =	sdelay $0x3  }
.Ltmp0:
0x7e: {  	(pc) =	sbr.rel @p0 .LBB2_2-.Ltmp0, $4  }
0x7f: {  	s8 =	sand.u32 $0x70, s7;
	s9 =	sand.u32 $0xE00, s0;
	s7 =	smov.u32 s5;
	v3 =	vadd.f32 v3, v4  }
0x80: {  	s0 =	sadd.s32 $0x40, s0;
	s9 =	sor.u32 s8, s9  }
0x81: {  	s8 =	sshra.s32 s0, $0x2;
	[tilespmem:s9+$0x8300] =	vst v3  }
0x82: {  	s5 =	sadd.s32 $0x10, s5;
	v3 =	vld [tilespmem:s8+$0x9700]  }
0x83: {  	v4 =	vld [tilespmem:s8+$0x9300];
	_ =	sdelay $0x4  }
0x84: {  	s5 =	sand.u32 $0x70, s7;
	s0 =	sand.u32 $0xE00, s0;
	v3 =	vadd.f32 v3, v4  }
0x85: {  	s0 =	sor.u32 s5, s0  }
0x86: {  	s26 =	rddreg [dreg:$0x11];
	[tilespmem:s0+$0x8300] =	vst v3  }
0x87: {  	[tilespmem:s12], [sflag:$0x6] =	stream.strided.gather [hbm4b:s26+s10], $0x400, s11, s10, $0x38;
	[tilespmem:$0x1DB00] =	vst v63  }
0x88: {  	_ =	swait.ge [sflag:s2], $0x400  }
0x89: {  	[sflag:s2] =	ssyncset.done $0x0  }
0x8a: {  	s28 =	rddreg [dreg:$0x14];
	[sflag:s2] =	ssyncadd.s32 $0xFFFFFC00  }
0x8b: {  	[tilespmem:s14], [sflag:$0x6] =	stream.strided.gather [hbm4b:s28+s10], $0x400, s13, s10, $0x38;
	[tilespmem:$0x1DB00] =	vst v63  }
0x8c: {  	_ =	swait.ge [sflag:s2], $0x400  }
0x8d: {  	[sflag:s2] =	ssyncset.done $0x0  }
0x8e: {  	s8 =	simm.s32 $0x0;
	[sflag:s2] =	ssyncadd.s32 $0xFFFFFC00  }
0x8f: {  	s7 =	simm.s32 $0x10;
	s5 =	simm.s32 $0x0;
	s0 =	simm.s32 $0x0;
	v3 =	vld [tilespmem:s8+$0x9700]  }
.LBB2_4:
0x90: {  	p0 =	sne.s32 s7, $0x3F0;
	v4 =	vld [tilespmem:s8+$0x9300];
	_ =	sdelay $0x3  }
.Ltmp1:
0x91: {  	(pc) =	sbr.rel @p0 .LBB2_4-.Ltmp1, $4  }
0x92: {  	s8 =	sand.u32 $0x70, s5;
	s9 =	sand.u32 $0xE00, s0;
	s5 =	smov.u32 s7;
	v3 =	vadd.f32 v3, v4  }
0x93: {  	s0 =	sadd.s32 $0x40, s0;
	s9 =	sor.u32 s8, s9  }
0x94: {  	s8 =	sshra.s32 s0, $0x2;
	[tilespmem:s9+$0x8380] =	vst v3  }
0x95: {  	s7 =	sadd.s32 $0x10, s7;
	v3 =	vld [tilespmem:s8+$0x9700]  }
0x96: {  	v4 =	vld [tilespmem:s8+$0x9300];
	_ =	sdelay $0x4  }
0x97: {  	s5 =	sand.u32 $0x70, s5;
	s0 =	sand.u32 $0xE00, s0;
	v3 =	vadd.f32 v3, v4  }
0x98: {  	s0 =	sor.u32 s5, s0  }
0x99: {  	s26 =	rddreg [dreg:$0x12];
	[tilespmem:s0+$0x8380] =	vst v3  }
0x9a: {  	[tilespmem:s12], [sflag:$0x6] =	stream.strided.gather [hbm4b:s26+s10], $0x400, s11, s10, $0x38;
	[tilespmem:$0x1DB00] =	vst v63  }
0x9b: {  	_ =	swait.ge [sflag:s2], $0x400  }
0x9c: {  	[sflag:s2] =	ssyncset.done $0x0  }
0x9d: {  	s28 =	rddreg [dreg:$0x15];
	[sflag:s2] =	ssyncadd.s32 $0xFFFFFC00  }
0x9e: {  	[tilespmem:s14], [sflag:$0x6] =	stream.strided.gather [hbm4b:s28+s10], $0x400, s13, s10, $0x38;
	[tilespmem:$0x1DB00] =	vst v63  }
0x9f: {  	_ =	swait.ge [sflag:s2], $0x400  }
0xa0: {  	[sflag:s2] =	ssyncset.done $0x0  }
0xa1: {  	s9 =	simm.s32 $0x0;
	s7 =	simm.s32 $0x10;
	[sflag:s2] =	ssyncadd.s32 $0xFFFFFC00  }
0xa2: {  	s8 =	simm.s32 $0x0;
	s5 =	simm.s32 $0x0;
	s0 =	simm.s32 $0x0;
	v3 =	vld [tilespmem:s9+$0x9700]  }
.LBB2_6:
0xa3: {  	p0 =	sne.s32 s7, $0x3F0;
	v4 =	vld [tilespmem:s9+$0x9300];
	_ =	sdelay $0x3  }
.Ltmp2:
0xa4: {  	(pc) =	sbr.rel @p0 .LBB2_6-.Ltmp2, $4  }
0xa5: {  	s9 =	sand.u32 $0x70, s8;
	s10 =	sand.u32 $0xE00, s5;
	s8 =	smov.u32 s7;
	v3 =	vadd.f32 v3, v4  }
0xa6: {  	s5 =	sadd.s32 $0x40, s5;
	s10 =	sor.u32 s9, s10  }
0xa7: {  	s9 =	sshra.s32 s5, $0x2;
	[tilespmem:s10+$0x8400] =	vst v3  }
0xa8: {  	s7 =	sadd.s32 $0x10, s7;
	v3 =	vld [tilespmem:s9+$0x9700]  }
0xa9: {  	v4 =	vld [tilespmem:s9+$0x9300];
	_ =	sdelay $0x4  }
0xaa: {  	s7 =	sand.u32 $0x70, s8;
	s5 =	sand.u32 $0xE00, s5;
	v3 =	vadd.f32 v3, v4  }
0xab: {  	s5 =	sor.u32 s7, s5  }
0xac: {  	[tilespmem:s5+$0x8400] =	vst v3  }
.LBB2_8:
0xad: {  	s5 =	smul.u32 $0x6, s0;
	_ =	sdelay $0x1  }
0xae: {  	s5 =	sadd.s32 $0x2, s5  }
0xaf: {  	s7 =	sand.u32 $0xFE, s5  }
0xb0: {  	s7 =	smul.u32 $0xAB, s7;
	_ =	sdelay $0x1  }
0xb1: {  	s7 =	sshrl.u32 s7, $0xA  }
0xb2: {  	s7 =	smul.u32 $0x6, s7;
	_ =	sdelay $0x1  }
0xb3: {  	s5 =	ssub.s32 s5, s7  }
0xb4: {  	s28 =	smul.u32 $0x180, s0;
	s9 =	sand.u32 $0xFE, s5  }
0xb5: {  	_ =	swait.ge [sflag:s29], $0x4000;
	s10 =	sshll.u32 s9, $0x6  }
0xb6: {  	[sflag:s29] =	ssyncset.done $0x0;
	s8 =	sshra.s32 s28, $0x2;
	s2 =	sshrl.u32 s10, $0x2  }
0xb7: {  	[sflag:s29] =	ssyncadd.s32 $0xFFFFC000;
	s5 =	sadd.s32 s2, s8  }
0xb8: {  	v3 =	vld [tilespmem:s5+$0x0];
	_ =	sdelay $0x4  }
0xb9: {  	v4 =	vshll.u32 v3, $0x3  }
0xba: {  	v3 =	vand.u32 $0x7, v3;
	v4 =	vand.u32 $0xFFFFFFC0, v4  }
0xbb: {  	v3 =	vor.u32 v3, v4  }
0xbc: {  	v4 =	vperm.xlane v3, v0;
	_ =	sdelay $0x1  }
0xbd: {  	v4 =	vadd.s32 v1, v4;
	_ =	sdelay $0x4  }
0xbe: {  	[tilespmem:s30], [sflag:$0x3] =	stream.indirect_vreg.gather [hbm4b:s1+s6], $0x80, v4, vm0, $0xb8;
	[tilespmem:$0x1DB00] =	vst v63  }
0xbf: {  	s2 =	simm.s32 $0x12300;
	v3 =	vperm.xlane v3, v2  }
0xc0: {  	[tilespmem:s2], [sflag:$0x3] =	stream.indirect_vreg.gather [hbm4b:s15+s6], $0x80, v4, vm0, $0xb8;
	[tilespmem:$0x1DB00] =	vst v63  }
0xc1: {  	s4 =	simm.s32 $0x12B00;
	v3 =	vadd.s32 v1, v3  }
0xc2: {  	[tilespmem:s4], [sflag:$0x3] =	stream.indirect_vreg.gather [hbm4b:s16+s6], $0x80, v4, vm0, $0xb8;
	[tilespmem:$0x1DB00] =	vst v63  }
0xc3: {  	s11 =	simm.s32 $0x14300;
	s12 =	simm.s32 $0x14B00;
	s5 =	simm.s32 $0x13300  }
0xc4: {  	[tilespmem:s5], [sflag:$0x3] =	stream.indirect_vreg.gather [hbm4b:s17+s6], $0x80, v4, vm0, $0xb8;
	[tilespmem:$0x1DB00] =	vst v63  }
0xc5: {  	s13 =	simm.s32 $0x15300;
	s14 =	simm.s32 $0x0;
	s7 =	simm.s32 $0x13B00  }
0xc6: {  	[tilespmem:s7], [sflag:$0x3] =	stream.indirect_vreg.gather [hbm4b:s1+s6], $0x80, v3, vm0, $0xb8;
	[tilespmem:$0x1DB00] =	vst v63  }
0xc7: {  	p0 =	seq.s32 s0, $0x0;
	s14 =	sand.u32 $0x2000, s14;
	s7 =	simm.s32 $0x0  }
0xc8: {  	[tilespmem:s11], [sflag:$0x3] =	stream.indirect_vreg.gather [hbm4b:s15+s6], $0x80, v3, vm0, $0xb8;
	[tilespmem:$0x1DB00] =	vst v63  }
0xc9: {  	s20 =	sor.u32 $0x300, s14;
	s5 =	sand.u32 $0x6, s7;
	s11 =	simm.s32 $0x0  }
0xca: {  	[tilespmem:s12], [sflag:$0x3] =	stream.indirect_vreg.gather [hbm4b:s16+s6], $0x80, v3, vm0, $0xb8;
	[tilespmem:$0x1DB00] =	vst v63  }
0xcb: {  	s24 =	sshll.u32 s5, $0xA;
	s19 =	sand.u32 $0x30, s11;
	s12 =	simm.s32 @!p0 $0x4  }
0xcc: {  	[tilespmem:s13], [sflag:$0x3] =	stream.indirect_vreg.gather [hbm4b:s17+s6], $0x80, v3, vm0, $0xb8;
	[tilespmem:$0x1DB00] =	vst v63  }
0xcd: {  	s21 =	sshll.u32 s19, $0x7;
	s13 =	simm.s32 $0x0;
	_ =	swait.ge @!p0 [sflag:s12], $0x4000  }
0xce: {  	s25 =	sor.u32 s21, s20;
	s22 =	sand.u32 $0x380, s13;
	[sflag:s12] =	ssyncset.done @!p0 $0x0  }
0xcf: {  	s18 =	sor.u32 s24, s20;
	s25 =	sadd.s32 s22, s25;
	[sflag:s12] =	ssyncadd.s32 @!p0 $0xFFFFC000  }
0xd0: {  	s12 =	sadd.s32 s22, s18;
	v3 =	vld [tilespmem:s25+$0x0]  }
0xd1: {  	v4 =	vld [tilespmem:s12+$0x10]  }
0xd2: {  	v5 =	vld [tilespmem:s12+$0x20]  }
0xd3: {  	v6 =	vld [tilespmem:s12+$0x30]  }
0xd4: {  	s23 =	sor.u32 $0x8, s19;
	v10 =	vld [tilespmem:s12+$0x40]  }
0xd5: {  	s4 =	sshll.u32 s23, $0x7;
	v11 =	vld [tilespmem:s12+$0x50]  }
0xd6: {  	s26 =	sor.u32 s4, s20;
	v12 =	vld [tilespmem:s12+$0x60]  }
0xd7: {  	s29 =	sadd.s32 s22, s26;
	v13 =	vld [tilespmem:s12+$0x70]  }
0xd8: {  	s26 =	sor.u32 s22, s14;
	s18 =	sor.u32 $0x1, s5;
	v14 =	vld [tilespmem:s29+$0x0];
	s25 =	sshll.u32 s19, $0x6  }
0xd9: {  	s2 =	sshll.u32 s18, $0xA;
	s29 =	sor.u32 s21, s26;
	v22 =	vld [tilespmem:s25+$0x8300]  }
0xda: {  	s28 =	sor.u32 s2, s20;
	s20 =	sshll.u32 s23, $0x6;
	v23 =	vld [tilespmem:s29+$0x9B00]  }
0xdb: {  	s12 =	sadd.s32 s22, s28;
	v17 =	vld [tilespmem:s20+$0x8300]  }
0xdc: {  	v7 =	vld [tilespmem:s12+$0x70]  }
0xdd: {  	v15 =	vld [tilespmem:s12+$0x10]  }
0xde: {  	v16 =	vld [tilespmem:s12+$0x20]  }
0xdf: {  	v18 =	vld [tilespmem:s12+$0x30]  }
0xe0: {  	s30 =	sand.u32 $0xFFFFFF80, s13;
	v19 =	vld [tilespmem:s12+$0x40]  }
0xe1: {  	s23 =	sor.u32 s30, s14;
	v20 =	vld [tilespmem:s12+$0x50]  }
0xe2: {  	s13 =	sor.u32 s2, s23;
	v21 =	vld [tilespmem:s12+$0x60]  }
0xe3: {  	s28 =	sshll.u32 s18, $0x9;
	v8 =	vld [tilespmem:s13+$0x9B70]  }
0xe4: {  	s30 =	sor.u32 s4, s23;
	v9 =	vld [tilespmem:s28+$0x8370]  }
0xe5: {  	v31 =	vld [tilespmem:s30+$0x9B00]  }
0xe6: {  	v32 =	vld [tilespmem:s13+$0x9B10]  }
0xe7: {  	v33 =	vld [tilespmem:s13+$0x9B20]  }
0xe8: {  	s12 =	sor.u32 s24, s26;
	v34 =	vld [tilespmem:s13+$0x9B30]  }
0xe9: {  	v24 =	vld [tilespmem:s12+$0x9B10]  }
0xea: {  	v25 =	vld [tilespmem:s12+$0x9B20]  }
0xeb: {  	v28 =	vld [tilespmem:s12+$0x9B50]  }
0xec: {  	v30 =	vld [tilespmem:s12+$0x9B70]  }
0xed: {  	v26 =	vld [tilespmem:s12+$0x9B30]  }
0xee: {  	v27 =	vld [tilespmem:s12+$0x9B40]  }
0xef: {  	v29 =	vld [tilespmem:s12+$0x9B60];
	v23 =	vadd.f32 v3, v23  }
0xf0: {  	v36 =	vld [tilespmem:s13+$0x9B40];
	v7 =	vadd.f32 v7, v8;
	v8 =	vadd.f32 v5, v25  }
0xf1: {  	v58 =	vld [tilespmem:s13+$0x9B50];
	v5 =	vadd.f32 v11, v28;
	v3 =	vadd.f32 v13, v30  }
0xf2: {  	v60 =	vld [tilespmem:s28+$0x8310];
	v35 =	vadd.f32 v9, v7;
	v9 =	vadd.f32 v4, v24  }
0xf3: {  	v61 =	vld [tilespmem:s28+$0x8330];
	v7 =	vadd.f32 v6, v26;
	v6 =	vadd.f32 v10, v27  }
0xf4: {  	v10 =	vadd.f32 v14, v31;
	v4 =	vadd.f32 v12, v29;
	v12 =	vld [tilespmem:s28+$0x8320]  }
0xf5: {  	v59 =	vld [tilespmem:s13+$0x9B60];
	v13 =	vadd.f32 v15, v32;
	v11 =	vadd.f32 v22, v23  }
0xf6: {  	v62 =	vadd.f32 v16, v33;
	v10 =	vadd.f32 v17, v10;
	v17 =	vld [tilespmem:s28+$0x8340]  }
0xf7: {  	v18 =	vadd.f32 v18, v34;
	v14 =	vld [tilespmem:s28+$0x8350];
	[tilespmem:s29+$0x15B00] =	vst v11;
	v63 =	vadd.f32 v60, v13  }
0xf8: {  	s14 =	sshll.u32 s5, $0x9;
	v16 =	vadd.f32 v19, v36;
	v11 =	vld [tilespmem:s28+$0x8360];
	[tilespmem:s13+$0x15B70] =	vst v35  }
0xf9: {  	v15 =	vld [tilespmem:s14+$0x8310];
	v18 =	vadd.f32 v61, v18;
	[tilespmem:s13+$0x15B10] =	vst v63;
	v19 =	vadd.f32 v12, v62  }
0xfa: {  	v13 =	vadd.f32 v20, v58;
	[tilespmem:s30+$0x15B00] =	vst v10;
	v10 =	vadd.f32 v21, v59;
	v12 =	vld [tilespmem:s14+$0x8320]  }
.LBB2_9:
0xfb: {  	s11 =	sadd.s32 $0x10, s11;
	v20 =	vld [tilespmem:s14+$0x8330];
	[tilespmem:s13+$0x15B20] =	vst v19;
	v16 =	vadd.f32 v17, v16;
	s7 =	sadd.s32 $0x2, s7  }
0xfc: {  	s2 =	sshll.u32 s11, $0x4;
	s4 =	sshll.u32 s11, $0x1;
	s22 =	sand.u32 $0x6, s7;
	v17 =	vld [tilespmem:s14+$0x8340];
	[tilespmem:s13+$0x15B30] =	vst v18;
	v13 =	vadd.f32 v14, v13  }
0xfd: {  	s2 =	sand.u32 $0x2000, s2;
	s5 =	sand.u32 $0xFFFFFF80, s4;
	s18 =	sor.u32 $0x1, s22;
	v14 =	vld [tilespmem:s14+$0x8350];
	[tilespmem:s13+$0x15B40] =	vst v16;
	v10 =	vadd.f32 v11, v10  }
0xfe: {  	s19 =	sor.u32 $0x300, s2;
	s20 =	sor.u32 s5, s2;
	s5 =	sshll.u32 s18, $0xA;
	v9 =	vadd.f32 v15, v9;
	v11 =	vld [tilespmem:s14+$0x8360];
	[tilespmem:s13+$0x15B50] =	vst v13  }
0xff: {  	s4 =	sand.u32 $0x380, s4;
	s21 =	sor.u32 s5, s19;
	v8 =	vadd.f32 v12, v8;
	v12 =	vld [tilespmem:s14+$0x8370];
	[tilespmem:s13+$0x15B60] =	vst v10;
	s13 =	sor.u32 s5, s20  }
0x100: {  	s24 =	sshll.u32 s22, $0xA;
	s14 =	sand.u32 $0x30, s11;
	s21 =	sadd.s32 s4, s21;
	v10 =	vld [tilespmem:s13+$0x9B70];
	[tilespmem:s12+$0x15B10] =	vst v9;
	v7 =	vadd.f32 v20, v7  }
0x101: {  	s26 =	sor.u32 s24, s19;
	s25 =	sshll.u32 s14, $0x7;
	s29 =	sor.u32 $0x8, s14;
	v9 =	vld [tilespmem:s21+$0x70];
	[tilespmem:s12+$0x15B20] =	vst v8;
	v6 =	vadd.f32 v17, v6  }
0x102: {  	s5 =	sshll.u32 s18, $0x9;
	s23 =	sor.u32 s25, s19;
	s28 =	sshll.u32 s29, $0x7;
	v13 =	vld [tilespmem:s21+$0x10];
	[tilespmem:s12+$0x15B30] =	vst v7;
	v5 =	vadd.f32 v14, v5  }
0x103: {  	s2 =	sor.u32 s4, s2;
	s18 =	sadd.s32 s4, s23;
	s19 =	sor.u32 s28, s19;
	v7 =	vld [tilespmem:s5+$0x8370];
	[tilespmem:s12+$0x15B40] =	vst v6;
	v4 =	vadd.f32 v11, v4  }
0x104: {  	s25 =	sor.u32 s25, s2;
	v6 =	vld [tilespmem:s18+$0x0];
	s18 =	sadd.s32 s4, s26;
	s4 =	sadd.s32 s4, s19;
	[tilespmem:s12+$0x15B50] =	vst v5;
	v3 =	vadd.f32 v12, v3  }
0x105: {  	s2 =	sor.u32 s24, s2;
	s24 =	sor.u32 s28, s20;
	s20 =	sshll.u32 s29, $0x6;
	v5 =	vld [tilespmem:s18+$0x10];
	[tilespmem:s12+$0x15B60] =	vst v4  }
0x106: {  	p1 =	slt.u32 s11, $0x3F0;
	s19 =	sshll.u32 s14, $0x6;
	s14 =	sshll.u32 s22, $0x9;
	v4 =	vld [tilespmem:s18+$0x20];
	v8 =	vadd.f32 v9, v10;
	[tilespmem:s12+$0x15B70] =	vst v3  }
0x107: {  	s12 =	smov.u32 s2;
	v3 =	vld [tilespmem:s18+$0x30]  }
0x108: {  	v10 =	vld [tilespmem:s18+$0x40];
	v7 =	vadd.f32 v7, v8  }
0x109: {  	v11 =	vld [tilespmem:s18+$0x50]  }
0x10a: {  	v12 =	vld [tilespmem:s18+$0x60];
	[tilespmem:s13+$0x15B70] =	vst v7  }
0x10b: {  	v14 =	vld [tilespmem:s18+$0x70]  }
0x10c: {  	v15 =	vld [tilespmem:s4+$0x0]  }
0x10d: {  	v16 =	vld [tilespmem:s21+$0x20]  }
0x10e: {  	v17 =	vld [tilespmem:s21+$0x30]  }
0x10f: {  	v18 =	vld [tilespmem:s21+$0x40]  }
0x110: {  	v19 =	vld [tilespmem:s21+$0x50]  }
0x111: {  	v20 =	vld [tilespmem:s21+$0x60]  }
0x112: {  	v7 =	vld [tilespmem:s25+$0x9B00]  }
0x113: {  	v8 =	vld [tilespmem:s12+$0x9B10]  }
0x114: {  	v21 =	vld [tilespmem:s12+$0x9B20]  }
0x115: {  	v22 =	vld [tilespmem:s12+$0x9B30]  }
0x116: {  	v23 =	vld [tilespmem:s12+$0x9B40]  }
0x117: {  	v24 =	vadd.f32 v6, v7;
	v25 =	vld [tilespmem:s12+$0x9B50]  }
0x118: {  	v9 =	vadd.f32 v5, v8;
	v26 =	vld [tilespmem:s12+$0x9B60]  }
0x119: {  	v8 =	vadd.f32 v4, v21;
	v21 =	vld [tilespmem:s12+$0x9B70]  }
0x11a: {  	v7 =	vadd.f32 v3, v22;
	v22 =	vld [tilespmem:s24+$0x9B00]  }
0x11b: {  	v6 =	vadd.f32 v10, v23;
	v10 =	vld [tilespmem:s13+$0x9B10]  }
0x11c: {  	v5 =	vadd.f32 v11, v25;
	v11 =	vld [tilespmem:s13+$0x9B20]  }
0x11d: {  	v4 =	vadd.f32 v12, v26;
	v12 =	vld [tilespmem:s13+$0x9B30]  }
0x11e: {  	v3 =	vadd.f32 v14, v21;
	v14 =	vld [tilespmem:s13+$0x9B40]  }
0x11f: {  	v15 =	vadd.f32 v15, v22;
	v21 =	vld [tilespmem:s13+$0x9B50]  }
0x120: {  	v22 =	vadd.f32 v13, v10;
	v10 =	vld [tilespmem:s13+$0x9B60]  }
0x121: {  	v23 =	vld [tilespmem:s20+$0x8300];
	v25 =	vadd.f32 v16, v11  }
0x122: {  	v11 =	vld [tilespmem:s19+$0x8300];
	v26 =	vadd.f32 v17, v12  }
0x123: {  	v12 =	vld [tilespmem:s5+$0x8310];
	v16 =	vadd.f32 v18, v14  }
0x124: {  	v18 =	vld [tilespmem:s5+$0x8320];
	v13 =	vadd.f32 v19, v21  }
0x125: {  	v21 =	vld [tilespmem:s5+$0x8330];
	v10 =	vadd.f32 v20, v10  }
.Ltmp3:
0x126: {  	v15 =	vadd.f32 v23, v15;
	v17 =	vld [tilespmem:s5+$0x8340];
	(pc) =	sbr.rel @p1 .LBB2_9-.Ltmp3, $4  }
0x127: {  	v19 =	vadd.f32 v11, v24;
	v14 =	vld [tilespmem:s5+$0x8350]  }
0x128: {  	[tilespmem:s24+$0x15B00] =	vst v15;
	v20 =	vadd.f32 v12, v22;
	v11 =	vld [tilespmem:s5+$0x8360]  }
0x129: {  	[tilespmem:s25+$0x15B00] =	vst v19;
	v15 =	vld [tilespmem:s14+$0x8310];
	v19 =	vadd.f32 v18, v25  }
0x12a: {  	v12 =	vld [tilespmem:s14+$0x8320];
	[tilespmem:s13+$0x15B10] =	vst v20;
	v18 =	vadd.f32 v21, v26  }
0x12b: {  	v20 =	vld [tilespmem:s14+$0x8330];
	[tilespmem:s13+$0x15B20] =	vst v19;
	v16 =	vadd.f32 v17, v16  }
0x12c: {  	v17 =	vld [tilespmem:s14+$0x8340];
	[tilespmem:s13+$0x15B30] =	vst v18;
	v13 =	vadd.f32 v14, v13  }
0x12d: {  	v14 =	vld [tilespmem:s14+$0x8350];
	[tilespmem:s13+$0x15B40] =	vst v16;
	v10 =	vadd.f32 v11, v10  }
0x12e: {  	v9 =	vadd.f32 v15, v9;
	[tilespmem:s13+$0x15B50] =	vst v13  }
0x12f: {  	v8 =	vadd.f32 v12, v8;
	[tilespmem:s13+$0x15B60] =	vst v10  }
0x130: {  	v11 =	vld [tilespmem:s14+$0x8360];
	[tilespmem:s12+$0x15B10] =	vst v9;
	v7 =	vadd.f32 v20, v7  }
0x131: {  	v12 =	vld [tilespmem:s14+$0x8370];
	v6 =	vadd.f32 v17, v6;
	[tilespmem:s12+$0x15B20] =	vst v8  }
0x132: {  	v5 =	vadd.f32 v14, v5;
	[tilespmem:s12+$0x15B30] =	vst v7  }
0x133: {  	[tilespmem:s12+$0x15B40] =	vst v6  }
0x134: {  	s2 =	smul.u32 $0xC00, s0;
	[tilespmem:s12+$0x15B50] =	vst v5  }
0x135: {  	v4 =	vadd.f32 v11, v4;
	s4 =	rddreg [dreg:$0x7]  }
0x136: {  	v3 =	vadd.f32 v12, v3;
	s2 =	sadd.s32 s4, s2  }
0x137: {  	s11 =	rddreg [dreg:$0x5];
	[tilespmem:s12+$0x15B60] =	vst v4;
	s2 =	sshll.u32 s2, $0x7  }
0x138: {  	s13 =	simm.s32 $0x2;
	[tilespmem:s12+$0x15B70] =	vst v3;
	s12 =	simm.s32 $0x15B00;
	s7 =	sadd.s32 s11, s2  }
0x139: {  	[hbm4b:s7+s6] =	stream.linear.scatter [tilespmem:s12], [sflag:$0x4], $0x4000, $0x38;
	[tilespmem:$0x1DB00] =	vst v63  }
0x13a: {  	_ =	swait.ge [sflag:s13], $0x4000  }
0x13b: {  	[sflag:s13] =	ssyncset.done $0x0  }
0x13c: {  	[sflag:s13] =	ssyncadd.s32 $0xFFFFC000  }
0x13d: {  	v3 =	vld [tilespmem:s8+$0x30];
	_ =	sdelay $0x4  }
0x13e: {  	v4 =	vshll.u32 v3, $0x3  }
0x13f: {  	v3 =	vand.u32 $0x7, v3;
	v4 =	vand.u32 $0xFFFFFFC0, v4  }
0x140: {  	v3 =	vor.u32 v3, v4  }
0x141: {  	v4 =	vperm.xlane v3, v0;
	_ =	sdelay $0x1  }
0x142: {  	v4 =	vadd.s32 v1, v4;
	_ =	sdelay $0x3  }
0x143: {  	s14 =	simm.s32 $0x9B00  }
0x144: {  	[tilespmem:s14], [sflag:$0x1] =	stream.indirect_vreg.gather [hbm4b:s1+s6], $0x80, v4, vm0, $0xb8;
	[tilespmem:$0x1DB00] =	vst v63  }
0x145: {  	s18 =	simm.s32 $0xA300;
	v3 =	vperm.xlane v3, v2  }
0x146: {  	[tilespmem:s18], [sflag:$0x1] =	stream.indirect_vreg.gather [hbm4b:s15+s6], $0x80, v4, vm0, $0xb8;
	[tilespmem:$0x1DB00] =	vst v63  }
0x147: {  	s19 =	simm.s32 $0xAB00;
	v3 =	vadd.s32 v1, v3  }
0x148: {  	[tilespmem:s19], [sflag:$0x1] =	stream.indirect_vreg.gather [hbm4b:s16+s6], $0x80, v4, vm0, $0xb8;
	[tilespmem:$0x1DB00] =	vst v63  }
0x149: {  	s20 =	simm.s32 $0xB300;
	s21 =	simm.s32 $0xBB00;
	s22 =	simm.s32 $0xC300  }
0x14a: {  	[tilespmem:s20], [sflag:$0x1] =	stream.indirect_vreg.gather [hbm4b:s17+s6], $0x80, v4, vm0, $0xb8;
	[tilespmem:$0x1DB00] =	vst v63  }
0x14b: {  	s23 =	simm.s32 $0xCB00;
	s24 =	simm.s32 $0xD300;
	s25 =	simm.s32 $0x0  }
0x14c: {  	[tilespmem:s21], [sflag:$0x1] =	stream.indirect_vreg.gather [hbm4b:s1+s6], $0x80, v3, vm0, $0xb8;
	[tilespmem:$0x1DB00] =	vst v63  }
0x14d: {  	s4 =	sand.u32 $0x2000, s25;
	s2 =	simm.s32 @!p0 $0x5;
	s11 =	simm.s32 $0x0  }
0x14e: {  	[tilespmem:s22], [sflag:$0x1] =	stream.indirect_vreg.gather [hbm4b:s15+s6], $0x80, v3, vm0, $0xb8;
	[tilespmem:$0x1DB00] =	vst v63  }
0x14f: {  	s12 =	simm.s32 $0x0;
	s5 =	sand.u32 $0x6, s11;
	s13 =	simm.s32 $0x0  }
0x150: {  	[tilespmem:s23], [sflag:$0x1] =	stream.indirect_vreg.gather [hbm4b:s16+s6], $0x80, v3, vm0, $0xb8;
	[tilespmem:$0x1DB00] =	vst v63  }
0x151: {  	s14 =	sand.u32 $0x30, s12;
	s18 =	sor.u32 $0x300, s4;
	s19 =	sor.u32 $0x4300, s4  }
0x152: {  	[tilespmem:s24], [sflag:$0x1] =	stream.indirect_vreg.gather [hbm4b:s17+s6], $0x80, v3, vm0, $0xb8;
	[tilespmem:$0x1DB00] =	vst v63  }
0x153: {  	s20 =	sshll.u32 s14, $0x7;
	s21 =	sand.u32 $0x380, s13;
	_ =	swait.ge @!p0 [sflag:s2], $0x4000  }
0x154: {  	s22 =	sshll.u32 s5, $0xA;
	s23 =	sor.u32 s20, s19;
	[sflag:s2] =	ssyncset.done @!p0 $0x0  }
0x155: {  	s26 =	sor.u32 s22, s18;
	s23 =	sadd.s32 s21, s23;
	[sflag:s2] =	ssyncadd.s32 @!p0 $0xFFFFC000  }
0x156: {  	s2 =	sadd.s32 s21, s26;
	v3 =	vld [tilespmem:s23+$0x0]  }
0x157: {  	v4 =	vld [tilespmem:s2+$0x4010]  }
0x158: {  	v5 =	vld [tilespmem:s2+$0x4020]  }
0x159: {  	v6 =	vld [tilespmem:s2+$0x4030]  }
0x15a: {  	s28 =	sor.u32 $0x8, s14;
	v10 =	vld [tilespmem:s2+$0x4040]  }
0x15b: {  	s25 =	sshll.u32 s28, $0x7;
	v11 =	vld [tilespmem:s2+$0x4050]  }
0x15c: {  	s19 =	sor.u32 s25, s19;
	v12 =	vld [tilespmem:s2+$0x4060]  }
0x15d: {  	s30 =	sadd.s32 s21, s19;
	s24 =	sor.u32 $0x1, s5;
	v13 =	vld [tilespmem:s2+$0x4070]  }
0x15e: {  	s26 =	sshll.u32 s24, $0xA;
	v14 =	vld [tilespmem:s30+$0x0];
	s23 =	sshll.u32 s28, $0x6  }
0x15f: {  	s29 =	sor.u32 s26, s18;
	s28 =	sshll.u32 s14, $0x6;
	v17 =	vld [tilespmem:s23+$0x8300]  }
0x160: {  	s2 =	sadd.s32 s21, s29;
	v22 =	vld [tilespmem:s28+$0x8300]  }
0x161: {  	v7 =	vld [tilespmem:s2+$0x4070]  }
0x162: {  	v15 =	vld [tilespmem:s2+$0x4010]  }
0x163: {  	v16 =	vld [tilespmem:s2+$0x4020]  }
0x164: {  	v18 =	vld [tilespmem:s2+$0x4030]  }
0x165: {  	v19 =	vld [tilespmem:s2+$0x4040]  }
0x166: {  	v20 =	vld [tilespmem:s2+$0x4050]  }
0x167: {  	s29 =	sshll.u32 s24, $0x9;
	v21 =	vld [tilespmem:s2+$0x4060]  }
0x168: {  	s19 =	sand.u32 $0xFFFFFF80, s13;
	v9 =	vld [tilespmem:s29+$0x8370]  }
0x169: {  	s2 =	sor.u32 s19, s4;
	v60 =	vld [tilespmem:s29+$0x8310]  }
0x16a: {  	s4 =	sor.u32 s21, s4;
	v61 =	vld [tilespmem:s29+$0x8330];
	s14 =	sor.u32 s26, s2  }
0x16b: {  	s30 =	sor.u32 s20, s4;
	v8 =	vld [tilespmem:s14+$0xDB70]  }
0x16c: {  	s13 =	sor.u32 s22, s4;
	v23 =	vld [tilespmem:s30+$0xDB00]  }
0x16d: {  	v24 =	vld [tilespmem:s13+$0xDB10]  }
0x16e: {  	v25 =	vld [tilespmem:s13+$0xDB20]  }
0x16f: {  	v26 =	vld [tilespmem:s13+$0xDB30]  }
0x170: {  	v27 =	vld [tilespmem:s13+$0xDB40]  }
0x171: {  	v28 =	vld [tilespmem:s13+$0xDB50]  }
0x172: {  	v30 =	vld [tilespmem:s13+$0xDB70]  }
0x173: {  	s2 =	sor.u32 s25, s2;
	v29 =	vld [tilespmem:s13+$0xDB60]  }
0x174: {  	v31 =	vld [tilespmem:s2+$0xDB00]  }
0x175: {  	v32 =	vld [tilespmem:s14+$0xDB10];
	v7 =	vadd.f32 v7, v8  }
0x176: {  	v33 =	vld [tilespmem:s14+$0xDB20];
	v23 =	vadd.f32 v3, v23;
	v8 =	vadd.f32 v5, v25  }
0x177: {  	v34 =	vld [tilespmem:s14+$0xDB30];
	v5 =	vadd.f32 v11, v28;
	v3 =	vadd.f32 v13, v30  }
0x178: {  	v36 =	vld [tilespmem:s14+$0xDB40];
	v35 =	vadd.f32 v9, v7;
	v9 =	vadd.f32 v4, v24  }
0x179: {  	v58 =	vld [tilespmem:s14+$0xDB50];
	v7 =	vadd.f32 v6, v26;
	v6 =	vadd.f32 v10, v27  }
0x17a: {  	v10 =	vadd.f32 v14, v31;
	v4 =	vadd.f32 v12, v29;
	v12 =	vld [tilespmem:s29+$0x8320]  }
0x17b: {  	v59 =	vld [tilespmem:s14+$0xDB60];
	v13 =	vadd.f32 v15, v32;
	v11 =	vadd.f32 v22, v23  }
0x17c: {  	v10 =	vadd.f32 v17, v10;
	v17 =	vld [tilespmem:s29+$0x8340]  }
0x17d: {  	v62 =	vadd.f32 v16, v33;
	v14 =	vld [tilespmem:s29+$0x8350];
	v63 =	vadd.f32 v60, v13;
	[tilespmem:s30+$0x19B00] =	vst v11  }
0x17e: {  	s25 =	sshll.u32 s5, $0x9;
	v18 =	vadd.f32 v18, v34;
	v16 =	vadd.f32 v19, v36;
	v11 =	vld [tilespmem:s29+$0x8360];
	[tilespmem:s14+$0x19B70] =	vst v35  }
0x17f: {  	v15 =	vld [tilespmem:s25+$0x8310];
	v13 =	vadd.f32 v20, v58;
	[tilespmem:s14+$0x19B10] =	vst v63;
	v19 =	vadd.f32 v12, v62  }
0x180: {  	v18 =	vadd.f32 v61, v18;
	[tilespmem:s2+$0x19B00] =	vst v10;
	v10 =	vadd.f32 v21, v59;
	v12 =	vld [tilespmem:s25+$0x8320]  }
.LBB2_11:
0x181: {  	s12 =	sadd.s32 $0x10, s12;
	v20 =	vld [tilespmem:s25+$0x8330];
	[tilespmem:s14+$0x19B20] =	vst v19;
	v16 =	vadd.f32 v17, v16;
	s11 =	sadd.s32 $0x2, s11  }
0x182: {  	s2 =	sshll.u32 s12, $0x4;
	s4 =	sshll.u32 s12, $0x1;
	s21 =	sand.u32 $0x6, s11;
	v17 =	vld [tilespmem:s25+$0x8340];
	[tilespmem:s14+$0x19B30] =	vst v18;
	v13 =	vadd.f32 v14, v13  }
0x183: {  	s2 =	sand.u32 $0x2000, s2;
	s5 =	sand.u32 $0xFFFFFF80, s4;
	s18 =	sor.u32 $0x1, s21;
	v14 =	vld [tilespmem:s25+$0x8350];
	[tilespmem:s14+$0x19B40] =	vst v16;
	v10 =	vadd.f32 v11, v10  }
0x184: {  	s19 =	sor.u32 $0x300, s2;
	s20 =	sor.u32 s5, s2;
	s5 =	sshll.u32 s18, $0xA;
	v9 =	vadd.f32 v15, v9;
	v11 =	vld [tilespmem:s25+$0x8360];
	[tilespmem:s14+$0x19B50] =	vst v13  }
0x185: {  	s4 =	sand.u32 $0x380, s4;
	s22 =	sor.u32 s5, s19;
	v8 =	vadd.f32 v12, v8;
	v12 =	vld [tilespmem:s25+$0x8370];
	[tilespmem:s14+$0x19B60] =	vst v10;
	s14 =	sor.u32 s5, s20  }
0x186: {  	s23 =	sand.u32 $0x30, s12;
	s24 =	sor.u32 $0x4300, s2;
	s22 =	sadd.s32 s4, s22;
	v10 =	vld [tilespmem:s14+$0xDB70];
	[tilespmem:s13+$0x19B10] =	vst v9;
	v7 =	vadd.f32 v20, v7  }
0x187: {  	s26 =	sshll.u32 s21, $0xA;
	s28 =	sor.u32 $0x8, s23;
	s25 =	sshll.u32 s23, $0x7;
	v9 =	vld [tilespmem:s22+$0x4070];
	[tilespmem:s13+$0x19B20] =	vst v8;
	v6 =	vadd.f32 v17, v6  }
0x188: {  	s30 =	sshll.u32 s28, $0x7;
	s5 =	sshll.u32 s18, $0x9;
	s29 =	sor.u32 s25, s24;
	v13 =	vld [tilespmem:s22+$0x4010];
	[tilespmem:s13+$0x19B30] =	vst v7;
	v5 =	vadd.f32 v14, v5  }
0x189: {  	s2 =	sor.u32 s4, s2;
	s18 =	sor.u32 s26, s19;
	s19 =	sor.u32 s30, s24;
	v7 =	vld [tilespmem:s5+$0x8370];
	[tilespmem:s13+$0x19B40] =	vst v6;
	v4 =	vadd.f32 v11, v4  }
0x18a: {  	s18 =	sadd.s32 s4, s18;
	s29 =	sadd.s32 s4, s29;
	s4 =	sadd.s32 s4, s19;
	v11 =	vld [tilespmem:s22+$0x4020];
	[tilespmem:s13+$0x19B50] =	vst v5;
	v3 =	vadd.f32 v12, v3  }
0x18b: {  	s24 =	sor.u32 s25, s2;
	s2 =	sor.u32 s26, s2;
	s19 =	sor.u32 s30, s20;
	v5 =	vld [tilespmem:s29+$0x0];
	[tilespmem:s13+$0x19B60] =	vst v4  }
0x18c: {  	s25 =	sshll.u32 s21, $0x9;
	s21 =	sshll.u32 s28, $0x6;
	s20 =	sshll.u32 s23, $0x6;
	v4 =	vld [tilespmem:s18+$0x4010];
	v6 =	vadd.f32 v9, v10;
	[tilespmem:s13+$0x19B70] =	vst v3  }
0x18d: {  	p0 =	slt.u32 s12, $0x3F0;
	s13 =	smov.u32 s2;
	v3 =	vld [tilespmem:s18+$0x4020]  }
0x18e: {  	v10 =	vld [tilespmem:s18+$0x4030];
	v6 =	vadd.f32 v7, v6  }
0x18f: {  	v12 =	vld [tilespmem:s18+$0x4040]  }
0x190: {  	v14 =	vld [tilespmem:s18+$0x4050];
	[tilespmem:s14+$0x19B70] =	vst v6  }
0x191: {  	v15 =	vld [tilespmem:s18+$0x4060]  }
0x192: {  	v16 =	vld [tilespmem:s18+$0x4070]  }
0x193: {  	v17 =	vld [tilespmem:s4+$0x0]  }
0x194: {  	v18 =	vld [tilespmem:s22+$0x4030]  }
0x195: {  	v19 =	vld [tilespmem:s22+$0x4040]  }
0x196: {  	v20 =	vld [tilespmem:s22+$0x4050]  }
0x197: {  	v21 =	vld [tilespmem:s22+$0x4060]  }
0x198: {  	v6 =	vld [tilespmem:s24+$0xDB00]  }
0x199: {  	v7 =	vld [tilespmem:s13+$0xDB10]  }
0x19a: {  	v8 =	vld [tilespmem:s13+$0xDB20]  }
0x19b: {  	v22 =	vld [tilespmem:s13+$0xDB30]  }
0x19c: {  	v23 =	vld [tilespmem:s13+$0xDB40]  }
0x19d: {  	v24 =	vadd.f32 v5, v6;
	v5 =	vld [tilespmem:s13+$0xDB50]  }
0x19e: {  	v9 =	vadd.f32 v4, v7;
	v4 =	vld [tilespmem:s13+$0xDB60]  }
0x19f: {  	v8 =	vadd.f32 v3, v8;
	v3 =	vld [tilespmem:s13+$0xDB70]  }
0x1a0: {  	v7 =	vadd.f32 v10, v22;
	v10 =	vld [tilespmem:s19+$0xDB00]  }
0x1a1: {  	v6 =	vadd.f32 v12, v23;
	v12 =	vld [tilespmem:s14+$0xDB10]  }
0x1a2: {  	v5 =	vadd.f32 v14, v5;
	v14 =	vld [tilespmem:s14+$0xDB20]  }
0x1a3: {  	v4 =	vadd.f32 v15, v4;
	v15 =	vld [tilespmem:s14+$0xDB30]  }
0x1a4: {  	v3 =	vadd.f32 v16, v3;
	v16 =	vld [tilespmem:s14+$0xDB40]  }
0x1a5: {  	v17 =	vadd.f32 v17, v10;
	v10 =	vld [tilespmem:s14+$0xDB50]  }
0x1a6: {  	v12 =	vadd.f32 v13, v12;
	v22 =	vld [tilespmem:s14+$0xDB60]  }
0x1a7: {  	v23 =	vld [tilespmem:s21+$0x8300];
	v25 =	vadd.f32 v11, v14  }
0x1a8: {  	v11 =	vld [tilespmem:s20+$0x8300];
	v18 =	vadd.f32 v18, v15  }
0x1a9: {  	v15 =	vld [tilespmem:s5+$0x8310];
	v16 =	vadd.f32 v19, v16  }
0x1aa: {  	v19 =	vld [tilespmem:s5+$0x8320];
	v13 =	vadd.f32 v20, v10  }
0x1ab: {  	v20 =	vld [tilespmem:s5+$0x8330];
	v10 =	vadd.f32 v21, v22  }
.Ltmp4:
0x1ac: {  	v21 =	vadd.f32 v23, v17;
	v17 =	vld [tilespmem:s5+$0x8340];
	(pc) =	sbr.rel @p0 .LBB2_11-.Ltmp4, $4  }
0x1ad: {  	v22 =	vadd.f32 v11, v24;
	v14 =	vld [tilespmem:s5+$0x8350]  }
0x1ae: {  	[tilespmem:s19+$0x19B00] =	vst v21;
	v21 =	vadd.f32 v15, v12;
	v11 =	vld [tilespmem:s5+$0x8360]  }
0x1af: {  	[tilespmem:s24+$0x19B00] =	vst v22;
	v15 =	vld [tilespmem:s25+$0x8310];
	v19 =	vadd.f32 v19, v25  }
0x1b0: {  	v12 =	vld [tilespmem:s25+$0x8320];
	[tilespmem:s14+$0x19B10] =	vst v21;
	v18 =	vadd.f32 v20, v18  }
0x1b1: {  	v20 =	vld [tilespmem:s25+$0x8330];
	[tilespmem:s14+$0x19B20] =	vst v19;
	v16 =	vadd.f32 v17, v16  }
0x1b2: {  	v17 =	vld [tilespmem:s25+$0x8340];
	[tilespmem:s14+$0x19B30] =	vst v18;
	v13 =	vadd.f32 v14, v13  }
0x1b3: {  	v14 =	vld [tilespmem:s25+$0x8350];
	[tilespmem:s14+$0x19B40] =	vst v16;
	v10 =	vadd.f32 v11, v10  }
0x1b4: {  	v11 =	vld [tilespmem:s25+$0x8360];
	v9 =	vadd.f32 v15, v9;
	[tilespmem:s14+$0x19B50] =	vst v13  }
0x1b5: {  	v8 =	vadd.f32 v12, v8;
	v12 =	vld [tilespmem:s25+$0x8370];
	[tilespmem:s14+$0x19B60] =	vst v10  }
0x1b6: {  	[tilespmem:s13+$0x19B10] =	vst v9;
	v7 =	vadd.f32 v20, v7  }
0x1b7: {  	v6 =	vadd.f32 v17, v6;
	[tilespmem:s13+$0x19B20] =	vst v8  }
0x1b8: {  	v5 =	vadd.f32 v14, v5;
	[tilespmem:s13+$0x19B30] =	vst v7  }
0x1b9: {  	[tilespmem:s13+$0x19B40] =	vst v6;
	v4 =	vadd.f32 v11, v4  }
0x1ba: {  	[tilespmem:s13+$0x19B50] =	vst v5;
	v3 =	vadd.f32 v12, v3  }
0x1bb: {  	s2 =	sadd.s32 $0x800, s7;
	[tilespmem:s13+$0x19B60] =	vst v4  }
0x1bc: {  	s11 =	simm.s32 $0x0;
	s4 =	simm.s32 $0x19B00;
	s18 =	simm.s32 $0x3;
	[tilespmem:s13+$0x19B70] =	vst v3  }
0x1bd: {  	[hbm4b:s2+s11] =	stream.linear.scatter [tilespmem:s4], [sflag:$0x5], $0x4000, $0x38;
	[tilespmem:$0x1DB00] =	vst v63  }
0x1be: {  	_ =	swait.ge [sflag:s18], $0x4000  }
0x1bf: {  	[sflag:s18] =	ssyncset.done $0x0  }
0x1c0: {  	[sflag:s18] =	ssyncadd.s32 $0xFFFFC000  }
0x1c1: {  	v3 =	vld [tilespmem:s8+$0x40];
	_ =	sdelay $0x4  }
0x1c2: {  	v4 =	vshll.u32 v3, $0x3  }
0x1c3: {  	v3 =	vand.u32 $0x7, v3;
	v4 =	vand.u32 $0xFFFFFFC0, v4  }
0x1c4: {  	v3 =	vor.u32 v3, v4  }
0x1c5: {  	v4 =	vperm.xlane v3, v0;
	_ =	sdelay $0x1  }
0x1c6: {  	v4 =	vadd.s32 v1, v4;
	_ =	sdelay $0x3  }
0x1c7: {  	s19 =	simm.s32 $0xDB00  }
0x1c8: {  	[tilespmem:s19], [sflag:$0x2] =	stream.indirect_vreg.gather [hbm4b:s1+s11], $0x80, v4, vm0, $0xb8;
	[tilespmem:$0x1DB00] =	vst v63  }
0x1c9: {  	s20 =	simm.s32 $0xE300;
	v3 =	vperm.xlane v3, v2  }
0x1ca: {  	[tilespmem:s20], [sflag:$0x2] =	stream.indirect_vreg.gather [hbm4b:s15+s11], $0x80, v4, vm0, $0xb8;
	[tilespmem:$0x1DB00] =	vst v63  }
0x1cb: {  	s21 =	simm.s32 $0xEB00;
	v3 =	vadd.s32 v1, v3  }
0x1cc: {  	[tilespmem:s21], [sflag:$0x2] =	stream.indirect_vreg.gather [hbm4b:s16+s11], $0x80, v4, vm0, $0xb8;
	[tilespmem:$0x1DB00] =	vst v63  }
0x1cd: {  	s22 =	simm.s32 $0xF300  }
0x1ce: {  	[tilespmem:s22], [sflag:$0x2] =	stream.indirect_vreg.gather [hbm4b:s17+s11], $0x80, v4, vm0, $0xb8;
	[tilespmem:$0x1DB00] =	vst v63  }
0x1cf: {  	s23 =	simm.s32 $0xFB00;
	s24 =	simm.s32 $0x10300  }
0x1d0: {  	[tilespmem:s23], [sflag:$0x2] =	stream.indirect_vreg.gather [hbm4b:s1+s11], $0x80, v3, vm0, $0xb8;
	[tilespmem:$0x1DB00] =	vst v63  }
0x1d1: {  	s26 =	simm.s32 $0x11300;
	s12 =	simm.s32 $0x0;
	s28 =	simm.s32 $0x0  }
0x1d2: {  	[tilespmem:s24], [sflag:$0x2] =	stream.indirect_vreg.gather [hbm4b:s15+s11], $0x80, v3, vm0, $0xb8;
	[tilespmem:$0x1DB00] =	vst v63  }
0x1d3: {  	s5 =	sand.u32 $0x6, s11;
	s25 =	simm.s32 $0x10B00;
	s2 =	sand.u32 $0x2000, s28  }
0x1d4: {  	[tilespmem:s25], [sflag:$0x2] =	stream.indirect_vreg.gather [hbm4b:s16+s11], $0x80, v3, vm0, $0xb8;
	[tilespmem:$0x1DB00] =	vst v63  }
0x1d5: {  	s13 =	sand.u32 $0x30, s12;
	s4 =	simm.s32 $0x0;
	s30 =	sor.u32 $0x300, s2  }
0x1d6: {  	[tilespmem:s26], [sflag:$0x2] =	stream.indirect_vreg.gather [hbm4b:s17+s11], $0x80, v3, vm0, $0xb8;
	[tilespmem:$0x1DB00] =	vst v63  }
0x1d7: {  	s18 =	sshll.u32 s13, $0x7;
	s19 =	sand.u32 $0x380, s4;
	_ =	swait.ge [sflag:s31], $0x4000  }
0x1d8: {  	s20 =	sshll.u32 s5, $0xA;
	s21 =	sor.u32 s18, s30;
	[sflag:s31] =	ssyncset.done $0x0  }
0x1d9: {  	s21 =	sadd.s32 s19, s21;
	s22 =	sor.u32 s20, s30;
	[sflag:s31] =	ssyncadd.s32 $0xFFFFC000  }
0x1da: {  	s22 =	sadd.s32 s19, s22;
	v4 =	vld [tilespmem:s21+$0x0]  }
0x1db: {  	v5 =	vld [tilespmem:s22+$0x10]  }
0x1dc: {  	v6 =	vld [tilespmem:s22+$0x20]  }
0x1dd: {  	v7 =	vld [tilespmem:s22+$0x30]  }
0x1de: {  	s25 =	sor.u32 $0x8, s13;
	v11 =	vld [tilespmem:s22+$0x40]  }
0x1df: {  	s23 =	sor.u32 $0x1, s5;
	s24 =	sshll.u32 s25, $0x7;
	v12 =	vld [tilespmem:s22+$0x50]  }
0x1e0: {  	s28 =	sshll.u32 s23, $0xA;
	s26 =	sor.u32 s24, s30;
	v13 =	vld [tilespmem:s22+$0x60]  }
0x1e1: {  	s14 =	sor.u32 s28, s30;
	s30 =	sadd.s32 s19, s26;
	v14 =	vld [tilespmem:s22+$0x70]  }
0x1e2: {  	s14 =	sadd.s32 s19, s14;
	v15 =	vld [tilespmem:s30+$0x0]  }
0x1e3: {  	v8 =	vld [tilespmem:s14+$0x70]  }
0x1e4: {  	v16 =	vld [tilespmem:s14+$0x10]  }
0x1e5: {  	v17 =	vld [tilespmem:s14+$0x20]  }
0x1e6: {  	v20 =	vld [tilespmem:s14+$0x30]  }
0x1e7: {  	s4 =	sand.u32 $0xFFFFFF80, s4;
	v21 =	vld [tilespmem:s14+$0x40]  }
0x1e8: {  	s4 =	sor.u32 s4, s2;
	v22 =	vld [tilespmem:s14+$0x50]  }
0x1e9: {  	s2 =	sor.u32 s19, s2;
	s26 =	sshll.u32 s13, $0x6;
	s13 =	sor.u32 s28, s4;
	v23 =	vld [tilespmem:s14+$0x60]  }
0x1ea: {  	s10 =	sadd.s32 $0x8300, s10;
	s18 =	sor.u32 s18, s2;
	v9 =	vld [tilespmem:s13+$0x11B70]  }
0x1eb: {  	v3 =	vmov s10;
	s10 =	sor.u32 s20, s2;
	v19 =	vld [tilespmem:s18+$0x11B00]  }
0x1ec: {  	v25 =	vld [tilespmem:s10+$0x11B10]  }
0x1ed: {  	v26 =	vld [tilespmem:s10+$0x11B20]  }
0x1ee: {  	v27 =	vld [tilespmem:s10+$0x11B30]  }
0x1ef: {  	v28 =	vld [tilespmem:s10+$0x11B40]  }
0x1f0: {  	v29 =	vld [tilespmem:s10+$0x11B50]  }
0x1f1: {  	v30 =	vld [tilespmem:s10+$0x11B60]  }
0x1f2: {  	v31 =	vld [tilespmem:s10+$0x11B70]  }
0x1f3: {  	v33 =	vld [tilespmem:s13+$0x11B10]  }
0x1f4: {  	v34 =	vld [tilespmem:s13+$0x11B20]  }
0x1f5: {  	v35 =	vld [tilespmem:s13+$0x11B30]  }
0x1f6: {  	v36 =	vld [tilespmem:s13+$0x11B40]  }
0x1f7: {  	v39 =	vld [tilespmem:s13+$0x11B50]  }
0x1f8: {  	s28 =	sshll.u32 s23, $0x9;
	v60 =	vld [tilespmem:s13+$0x11B60]  }
0x1f9: {  	s30 =	sor.u32 s24, s4;
	v10 =	vld.idx.msk [tilespmem:v3+s28+$0x70 ss:$0x1], $0xffff  }
0x1fa: {  	v32 =	vld [tilespmem:s30+$0x11B00];
	v8 =	vadd.f32 v8, v9  }
0x1fb: {  	s22 =	sshll.u32 s25, $0x6;
	v24 =	vld.idx.msk [tilespmem:v3+s26+$0x0 ss:$0x1], $0xffff;
	v38 =	vadd.f32 v4, v19;
	v9 =	vadd.f32 v6, v26  }
0x1fc: {  	v18 =	vld.idx.msk [tilespmem:v3+s22+$0x0 ss:$0x1], $0xffff;
	v6 =	vadd.f32 v12, v29;
	v4 =	vadd.f32 v14, v31  }
0x1fd: {  	v61 =	vld.idx.msk [tilespmem:v3+s28+$0x10 ss:$0x1], $0xffff;
	v12 =	vadd.f32 v16, v33;
	v63 =	vadd.f32 v17, v34  }
0x1fe: {  	v62 =	vld.idx.msk [tilespmem:v3+s28+$0x20 ss:$0x1], $0xffff;
	v37 =	vadd.f32 v10, v8;
	v8 =	vadd.f32 v7, v27  }
0x1ff: {  	v19 =	vld.idx.msk [tilespmem:v3+s28+$0x30 ss:$0x1], $0xffff;
	v7 =	vadd.f32 v11, v28;
	v11 =	vadd.f32 v15, v32  }
0x200: {  	v16 =	vld.idx.msk [tilespmem:v3+s28+$0x50 ss:$0x1], $0xffff;
	v20 =	vadd.f32 v20, v35;
	v14 =	vadd.f32 v24, v38  }
0x201: {  	v17 =	vadd.f32 v21, v36;
	v11 =	vadd.f32 v18, v11;
	v18 =	vld.idx.msk [tilespmem:v3+s28+$0x40 ss:$0x1], $0xffff  }
0x202: {  	s14 =	sshll.u32 s5, $0x9;
	v10 =	vadd.f32 v5, v25;
	v5 =	vadd.f32 v13, v30;
	v13 =	vld.idx.msk [tilespmem:v3+s28+$0x60 ss:$0x1], $0xffff;
	[tilespmem:s18+$0x15B00] =	vst v14  }
0x203: {  	v15 =	vadd.f32 v22, v39;
	v22 =	vadd.f32 v61, v12;
	v12 =	vld.idx.msk [tilespmem:v3+s14+$0x20 ss:$0x1], $0xffff;
	[tilespmem:s13+$0x15B70] =	vst v37  }
0x204: {  	s29 =	simm.s32 $0x1;
	v21 =	vadd.f32 v62, v63;
	v14 =	vld.idx.msk [tilespmem:v3+s14+$0x10 ss:$0x1], $0xffff;
	[tilespmem:s30+$0x15B00] =	vst v11;
	v11 =	vadd.f32 v23, v60  }
.LBB2_13:
0x205: {  	s12 =	sadd.s32 $0x10, s12;
	v23 =	vld.idx.msk [tilespmem:v3+s14+$0x30 ss:$0x1], $0xffff;
	[tilespmem:s13+$0x15B10] =	vst v22;
	v19 =	vadd.f32 v19, v20;
	s11 =	sadd.s32 $0x2, s11  }
0x206: {  	v17 =	vadd.f32 v18, v17;
	s2 =	sshll.u32 s12, $0x4;
	s4 =	sshll.u32 s12, $0x1;
	s22 =	sand.u32 $0x6, s11;
	v20 =	vld.idx.msk [tilespmem:v3+s14+$0x40 ss:$0x1], $0xffff;
	[tilespmem:s13+$0x15B20] =	vst v21  }
0x207: {  	v15 =	vadd.f32 v16, v15;
	s2 =	sand.u32 $0x2000, s2;
	s5 =	sand.u32 $0xFFFFFF80, s4;
	s18 =	sor.u32 $0x1, s22;
	v18 =	vld.idx.msk [tilespmem:v3+s14+$0x50 ss:$0x1], $0xffff;
	[tilespmem:s13+$0x15B30] =	vst v19  }
0x208: {  	v11 =	vadd.f32 v13, v11;
	s19 =	sor.u32 $0x300, s2;
	s20 =	sor.u32 s5, s2;
	s5 =	sshll.u32 s18, $0xA;
	v16 =	vld.idx.msk [tilespmem:v3+s14+$0x60 ss:$0x1], $0xffff;
	[tilespmem:s13+$0x15B40] =	vst v17  }
0x209: {  	s4 =	sand.u32 $0x380, s4;
	v10 =	vadd.f32 v14, v10;
	s23 =	sor.u32 s5, s20;
	s5 =	sor.u32 s5, s19;
	v13 =	vld.idx.msk [tilespmem:v3+s14+$0x70 ss:$0x1], $0xffff;
	[tilespmem:s13+$0x15B50] =	vst v15  }
0x20a: {  	s24 =	sshll.u32 s22, $0xA;
	s14 =	sand.u32 $0x30, s12;
	v9 =	vadd.f32 v12, v9;
	s21 =	sadd.s32 s4, s5;
	v14 =	vld [tilespmem:s23+$0x11B70];
	[tilespmem:s13+$0x15B60] =	vst v11  }
0x20b: {  	s25 =	sshll.u32 s18, $0x9;
	s5 =	sshll.u32 s14, $0x7;
	s13 =	sor.u32 $0x8, s14;
	v8 =	vadd.f32 v23, v8;
	v11 =	vld [tilespmem:s21+$0x70];
	[tilespmem:s10+$0x15B10] =	vst v10  }
0x20c: {  	s26 =	sor.u32 s24, s19;
	s18 =	sor.u32 s5, s19;
	s28 =	sshll.u32 s13, $0x7;
	v7 =	vadd.f32 v20, v7;
	v10 =	vld.idx.msk [tilespmem:v3+s25+$0x70 ss:$0x1], $0xffff;
	[tilespmem:s10+$0x15B20] =	vst v9  }
0x20d: {  	s2 =	sor.u32 s4, s2;
	s18 =	sadd.s32 s4, s18;
	s19 =	sor.u32 s28, s19;
	v6 =	vadd.f32 v18, v6;
	v12 =	vld [tilespmem:s21+$0x10];
	[tilespmem:s10+$0x15B30] =	vst v8  }
0x20e: {  	s5 =	sor.u32 s5, s2;
	v5 =	vadd.f32 v16, v5;
	v8 =	vld [tilespmem:s18+$0x0];
	s18 =	sadd.s32 s4, s26;
	s4 =	sadd.s32 s4, s19;
	[tilespmem:s10+$0x15B40] =	vst v7  }
0x20f: {  	s2 =	sor.u32 s24, s2;
	s24 =	sor.u32 s28, s20;
	s19 =	sshll.u32 s13, $0x6;
	v4 =	vadd.f32 v13, v4;
	v7 =	vld [tilespmem:s18+$0x10];
	[tilespmem:s10+$0x15B50] =	vst v6  }
0x210: {  	p0 =	slt.u32 s12, $0x3F0;
	s20 =	sshll.u32 s14, $0x6;
	s14 =	sshll.u32 s22, $0x9;
	v6 =	vld [tilespmem:s18+$0x20];
	v9 =	vadd.f32 v11, v14;
	[tilespmem:s10+$0x15B60] =	vst v5  }
0x211: {  	s13 =	smov.u32 s23;
	v5 =	vld [tilespmem:s18+$0x30];
	[tilespmem:s10+$0x15B70] =	vst v4;
	s10 =	smov.u32 s2  }
0x212: {  	v4 =	vld [tilespmem:s18+$0x40];
	v9 =	vadd.f32 v10, v9  }
0x213: {  	v11 =	vld [tilespmem:s18+$0x50]  }
0x214: {  	v13 =	vld [tilespmem:s18+$0x60];
	[tilespmem:s13+$0x15B70] =	vst v9  }
0x215: {  	v14 =	vld [tilespmem:s18+$0x70]  }
0x216: {  	v15 =	vld [tilespmem:s4+$0x0]  }
0x217: {  	v16 =	vld [tilespmem:s21+$0x20]  }
0x218: {  	v17 =	vld [tilespmem:s21+$0x30]  }
0x219: {  	v18 =	vld [tilespmem:s21+$0x40]  }
0x21a: {  	v19 =	vld [tilespmem:s21+$0x50]  }
0x21b: {  	v21 =	vld [tilespmem:s21+$0x60]  }
0x21c: {  	v9 =	vld [tilespmem:s5+$0x11B00]  }
0x21d: {  	v10 =	vld [tilespmem:s10+$0x11B10]  }
0x21e: {  	v20 =	vld [tilespmem:s10+$0x11B20]  }
0x21f: {  	v22 =	vld [tilespmem:s10+$0x11B30]  }
0x220: {  	v23 =	vld [tilespmem:s10+$0x11B40]  }
0x221: {  	v24 =	vadd.f32 v8, v9;
	v25 =	vld [tilespmem:s10+$0x11B50]  }
0x222: {  	v10 =	vadd.f32 v7, v10;
	v26 =	vld [tilespmem:s10+$0x11B60]  }
0x223: {  	v9 =	vadd.f32 v6, v20;
	v20 =	vld [tilespmem:s10+$0x11B70]  }
0x224: {  	v8 =	vadd.f32 v5, v22;
	v22 =	vld [tilespmem:s24+$0x11B00]  }
0x225: {  	v7 =	vadd.f32 v4, v23;
	v23 =	vld [tilespmem:s13+$0x11B10]  }
0x226: {  	v6 =	vadd.f32 v11, v25;
	v11 =	vld [tilespmem:s13+$0x11B20]  }
0x227: {  	v5 =	vadd.f32 v13, v26;
	v13 =	vld [tilespmem:s13+$0x11B30]  }
0x228: {  	v4 =	vadd.f32 v14, v20;
	v14 =	vld [tilespmem:s13+$0x11B40]  }
0x229: {  	v22 =	vadd.f32 v15, v22;
	v15 =	vld [tilespmem:s13+$0x11B50]  }
0x22a: {  	v12 =	vadd.f32 v12, v23;
	v23 =	vld [tilespmem:s13+$0x11B60]  }
0x22b: {  	v25 =	vld.idx.msk [tilespmem:v3+s19+$0x0 ss:$0x1], $0xffff;
	v26 =	vadd.f32 v16, v11  }
0x22c: {  	v27 =	vld.idx.msk [tilespmem:v3+s20+$0x0 ss:$0x1], $0xffff;
	v20 =	vadd.f32 v17, v13  }
0x22d: {  	v28 =	vld.idx.msk [tilespmem:v3+s25+$0x10 ss:$0x1], $0xffff;
	v17 =	vadd.f32 v18, v14  }
0x22e: {  	v29 =	vld.idx.msk [tilespmem:v3+s25+$0x20 ss:$0x1], $0xffff;
	v15 =	vadd.f32 v19, v15  }
0x22f: {  	v19 =	vld.idx.msk [tilespmem:v3+s25+$0x30 ss:$0x1], $0xffff;
	v11 =	vadd.f32 v21, v23  }
.Ltmp5:
0x230: {  	v18 =	vld.idx.msk [tilespmem:v3+s25+$0x40 ss:$0x1], $0xffff;
	(pc) =	sbr.rel @p0 .LBB2_13-.Ltmp5, $4  }
0x231: {  	v21 =	vadd.f32 v25, v22;
	v16 =	vld.idx.msk [tilespmem:v3+s25+$0x50 ss:$0x1], $0xffff  }
0x232: {  	v23 =	vadd.f32 v27, v24;
	v13 =	vld.idx.msk [tilespmem:v3+s25+$0x60 ss:$0x1], $0xffff  }
0x233: {  	v22 =	vadd.f32 v28, v12;
	v14 =	vld.idx.msk [tilespmem:v3+s14+$0x10 ss:$0x1], $0xffff;
	[tilespmem:s24+$0x15B00] =	vst v21  }
0x234: {  	v21 =	vadd.f32 v29, v26;
	[tilespmem:s5+$0x15B00] =	vst v23;
	v12 =	vld.idx.msk [tilespmem:v3+s14+$0x20 ss:$0x1], $0xffff  }
0x235: {  	_ =	sdelay $0x2  }
0x236: {  	[tilespmem:s13+$0x15B10] =	vst v22;
	v19 =	vadd.f32 v19, v20  }
0x237: {  	v20 =	vld.idx.msk [tilespmem:v3+s14+$0x30 ss:$0x1], $0xffff;
	v17 =	vadd.f32 v18, v17;
	[tilespmem:s13+$0x15B20] =	vst v21  }
0x238: {  	v18 =	vld.idx.msk [tilespmem:v3+s14+$0x40 ss:$0x1], $0xffff;
	v15 =	vadd.f32 v16, v15;
	[tilespmem:s13+$0x15B30] =	vst v19  }
0x239: {  	v16 =	vld.idx.msk [tilespmem:v3+s14+$0x50 ss:$0x1], $0xffff;
	[tilespmem:s13+$0x15B40] =	vst v17;
	v11 =	vadd.f32 v13, v11  }
0x23a: {  	v13 =	vld.idx.msk [tilespmem:v3+s14+$0x60 ss:$0x1], $0xffff;
	v10 =	vadd.f32 v14, v10;
	[tilespmem:s13+$0x15B50] =	vst v15  }
0x23b: {  	v3 =	vld.idx.msk [tilespmem:v3+s14+$0x70 ss:$0x1], $0xffff;
	v9 =	vadd.f32 v12, v9;
	[tilespmem:s13+$0x15B60] =	vst v11  }
0x23c: {  	[tilespmem:s10+$0x15B10] =	vst v10;
	v8 =	vadd.f32 v20, v8  }
0x23d: {  	v7 =	vadd.f32 v18, v7;
	[tilespmem:s10+$0x15B20] =	vst v9  }
0x23e: {  	v6 =	vadd.f32 v16, v6;
	[tilespmem:s10+$0x15B30] =	vst v8  }
0x23f: {  	[tilespmem:s10+$0x15B40] =	vst v7;
	v5 =	vadd.f32 v13, v5  }
0x240: {  	v3 =	vadd.f32 v3, v4;
	[tilespmem:s10+$0x15B50] =	vst v6  }
0x241: {  	s2 =	sshll.u32 s9, $0xB;
	[tilespmem:s10+$0x15B60] =	vst v5  }
0x242: {  	s9 =	simm.s32 $0x0;
	s4 =	simm.s32 $0x15B00;
	s2 =	sadd.s32 s2, s7;
	[tilespmem:s10+$0x15B70] =	vst v3  }
0x243: {  	[hbm4b:s2+s9] =	stream.linear.scatter [tilespmem:s4], [sflag:$0x4], $0x4000, $0x38;
	[tilespmem:$0x1DB00] =	vst v63  }
0x244: {  	_ =	swait.ge [sflag:s29], $0x4000  }
0x245: {  	[sflag:s29] =	ssyncset.done $0x0  }
0x246: {  	[sflag:s29] =	ssyncadd.s32 $0xFFFFC000  }
0x247: {  	v3 =	vld [tilespmem:s8+$0x50];
	_ =	sdelay $0x4  }
0x248: {  	v4 =	vshll.u32 v3, $0x3  }
0x249: {  	v3 =	vand.u32 $0x7, v3;
	v4 =	vand.u32 $0xFFFFFFC0, v4  }
0x24a: {  	v3 =	vor.u32 v3, v4  }
0x24b: {  	v4 =	vperm.xlane v3, v0;
	_ =	sdelay $0x1  }
0x24c: {  	v4 =	vadd.s32 v1, v4;
	_ =	sdelay $0x3  }
0x24d: {  	s30 =	simm.s32 $0x11B00  }
0x24e: {  	[tilespmem:s30], [sflag:$0x3] =	stream.indirect_vreg.gather [hbm4b:s1+s9], $0x80, v4, vm0, $0xb8;
	[tilespmem:$0x1DB00] =	vst v63  }
0x24f: {  	s14 =	simm.s32 $0x12300;
	v3 =	vperm.xlane v3, v2  }
0x250: {  	[tilespmem:s14], [sflag:$0x3] =	stream.indirect_vreg.gather [hbm4b:s15+s9], $0x80, v4, vm0, $0xb8;
	[tilespmem:$0x1DB00] =	vst v63  }
0x251: {  	s18 =	simm.s32 $0x12B00;
	v3 =	vadd.s32 v1, v3  }
0x252: {  	[tilespmem:s18], [sflag:$0x3] =	stream.indirect_vreg.gather [hbm4b:s16+s9], $0x80, v4, vm0, $0xb8;
	[tilespmem:$0x1DB00] =	vst v63  }
0x253: {  	s19 =	simm.s32 $0x13300  }
0x254: {  	[tilespmem:s19], [sflag:$0x3] =	stream.indirect_vreg.gather [hbm4b:s17+s9], $0x80, v4, vm0, $0xb8;
	[tilespmem:$0x1DB00] =	vst v63  }
0x255: {  	s20 =	simm.s32 $0x13B00;
	s21 =	simm.s32 $0x14300;
	s22 =	simm.s32 $0x14B00  }
0x256: {  	[tilespmem:s20], [sflag:$0x3] =	stream.indirect_vreg.gather [hbm4b:s1+s9], $0x80, v3, vm0, $0xb8;
	[tilespmem:$0x1DB00] =	vst v63  }
0x257: {  	s23 =	simm.s32 $0x15300;
	s24 =	simm.s32 $0x0;
	s25 =	simm.s32 $0x0  }
0x258: {  	[tilespmem:s21], [sflag:$0x3] =	stream.indirect_vreg.gather [hbm4b:s15+s9], $0x80, v3, vm0, $0xb8;
	[tilespmem:$0x1DB00] =	vst v63  }
0x259: {  	s5 =	sand.u32 $0x6, s9;
	s10 =	simm.s32 $0x0;
	s2 =	sand.u32 $0x2000, s24  }
0x25a: {  	[tilespmem:s22], [sflag:$0x3] =	stream.indirect_vreg.gather [hbm4b:s16+s9], $0x80, v3, vm0, $0xb8;
	[tilespmem:$0x1DB00] =	vst v63  }
0x25b: {  	s11 =	sand.u32 $0x30, s10;
	s12 =	sor.u32 $0x300, s2;
	s26 =	sor.u32 $0x4300, s2  }
0x25c: {  	[tilespmem:s23], [sflag:$0x3] =	stream.indirect_vreg.gather [hbm4b:s17+s9], $0x80, v3, vm0, $0xb8;
	[tilespmem:$0x1DB00] =	vst v63  }
0x25d: {  	s14 =	sshll.u32 s11, $0x7;
	s18 =	sand.u32 $0x380, s25;
	_ =	swait.ge [sflag:s3], $0x4000  }
0x25e: {  	s19 =	sshll.u32 s5, $0xA;
	s20 =	sor.u32 s14, s26;
	[sflag:s3] =	ssyncset.done $0x0  }
0x25f: {  	s20 =	sadd.s32 s18, s20;
	s21 =	sor.u32 s19, s12;
	[sflag:s3] =	ssyncadd.s32 $0xFFFFC000  }
0x260: {  	s21 =	sadd.s32 s18, s21;
	v3 =	vld [tilespmem:s20+$0x0]  }
0x261: {  	v4 =	vld [tilespmem:s21+$0x4010]  }
0x262: {  	v5 =	vld [tilespmem:s21+$0x4020]  }
0x263: {  	v6 =	vld [tilespmem:s21+$0x4030]  }
0x264: {  	s28 =	sor.u32 $0x8, s11;
	v10 =	vld [tilespmem:s21+$0x4040]  }
0x265: {  	s22 =	sor.u32 $0x1, s5;
	s23 =	sshll.u32 s28, $0x7;
	v11 =	vld [tilespmem:s21+$0x4050]  }
0x266: {  	s24 =	sshll.u32 s22, $0xA;
	s13 =	sor.u32 s23, s26;
	v12 =	vld [tilespmem:s21+$0x4060]  }
0x267: {  	s12 =	sor.u32 s24, s12;
	s13 =	sadd.s32 s18, s13;
	v13 =	vld [tilespmem:s21+$0x4070]  }
0x268: {  	s12 =	sadd.s32 s18, s12;
	v14 =	vld [tilespmem:s13+$0x0]  }
0x269: {  	v7 =	vld [tilespmem:s12+$0x4070]  }
0x26a: {  	v15 =	vld [tilespmem:s12+$0x4010]  }
0x26b: {  	v16 =	vld [tilespmem:s12+$0x4020]  }
0x26c: {  	v18 =	vld [tilespmem:s12+$0x4030]  }
0x26d: {  	v19 =	vld [tilespmem:s12+$0x4040]  }
0x26e: {  	v20 =	vld [tilespmem:s12+$0x4050]  }
0x26f: {  	s4 =	sand.u32 $0xFFFFFF80, s25;
	s25 =	sshll.u32 s28, $0x6;
	v56 =	vld [tilespmem:s12+$0x4060]  }
0x270: {  	s11 =	sshll.u32 s11, $0x6;
	v17 =	vld [tilespmem:s25+$0x8380]  }
0x271: {  	s4 =	sor.u32 s4, s2;
	s2 =	sor.u32 s18, s2;
	s26 =	sshll.u32 s22, $0x9;
	v57 =	vld [tilespmem:s11+$0x8380]  }
0x272: {  	s14 =	sor.u32 s14, s2;
	v9 =	vld [tilespmem:s26+$0x83F0]  }
0x273: {  	s28 =	sor.u32 s23, s4;
	v23 =	vld [tilespmem:s14+$0x9B00]  }
0x274: {  	v31 =	vld [tilespmem:s28+$0x9B00]  }
0x275: {  	v60 =	vld [tilespmem:s26+$0x8390]  }
0x276: {  	s12 =	sor.u32 s24, s4;
	v61 =	vld [tilespmem:s26+$0x83B0]  }
0x277: {  	s11 =	sor.u32 s19, s2;
	v8 =	vld [tilespmem:s12+$0x9B70]  }
0x278: {  	v24 =	vld [tilespmem:s11+$0x9B10]  }
0x279: {  	v25 =	vld [tilespmem:s11+$0x9B20]  }
0x27a: {  	v26 =	vld [tilespmem:s11+$0x9B30]  }
0x27b: {  	v28 =	vld [tilespmem:s11+$0x9B50]  }
0x27c: {  	v30 =	vld [tilespmem:s11+$0x9B70]  }
0x27d: {  	v27 =	vld [tilespmem:s11+$0x9B40]  }
0x27e: {  	v29 =	vld [tilespmem:s11+$0x9B60]  }
0x27f: {  	v32 =	vld [tilespmem:s12+$0x9B10];
	v23 =	vadd.f32 v3, v23  }
0x280: {  	v33 =	vld [tilespmem:s12+$0x9B20];
	v7 =	vadd.f32 v7, v8;
	v8 =	vadd.f32 v5, v25  }
0x281: {  	v34 =	vld [tilespmem:s12+$0x9B30];
	v5 =	vadd.f32 v11, v28;
	v3 =	vadd.f32 v13, v30  }
0x282: {  	v36 =	vld [tilespmem:s12+$0x9B40];
	v35 =	vadd.f32 v9, v7;
	v9 =	vadd.f32 v4, v24  }
0x283: {  	v58 =	vld [tilespmem:s12+$0x9B50];
	v7 =	vadd.f32 v6, v26;
	v6 =	vadd.f32 v10, v27  }
0x284: {  	v10 =	vadd.f32 v14, v31;
	v4 =	vadd.f32 v12, v29;
	v12 =	vld [tilespmem:s26+$0x83A0]  }
0x285: {  	v59 =	vld [tilespmem:s12+$0x9B60];
	v13 =	vadd.f32 v15, v32;
	v11 =	vadd.f32 v57, v23  }
0x286: {  	v10 =	vadd.f32 v17, v10;
	v17 =	vld [tilespmem:s26+$0x83C0]  }
0x287: {  	v62 =	vadd.f32 v16, v33;
	v14 =	vld [tilespmem:s26+$0x83D0];
	v63 =	vadd.f32 v60, v13;
	[tilespmem:s14+$0x19B00] =	vst v11  }
0x288: {  	s13 =	sshll.u32 s5, $0x9;
	v18 =	vadd.f32 v18, v34;
	v16 =	vadd.f32 v19, v36;
	v11 =	vld [tilespmem:s26+$0x83E0];
	[tilespmem:s12+$0x19B70] =	vst v35  }
0x289: {  	v15 =	vld [tilespmem:s13+$0x8390];
	v13 =	vadd.f32 v20, v58;
	[tilespmem:s12+$0x19B10] =	vst v63;
	v19 =	vadd.f32 v12, v62  }
0x28a: {  	v18 =	vadd.f32 v61, v18;
	[tilespmem:s28+$0x19B00] =	vst v10;
	v10 =	vadd.f32 v56, v59;
	v12 =	vld [tilespmem:s13+$0x83A0]  }
.LBB2_15:
0x28b: {  	s10 =	sadd.s32 $0x10, s10;
	v20 =	vld [tilespmem:s13+$0x83B0];
	[tilespmem:s12+$0x19B20] =	vst v19;
	v16 =	vadd.f32 v17, v16;
	s9 =	sadd.s32 $0x2, s9  }
0x28c: {  	s2 =	sshll.u32 s10, $0x4;
	s4 =	sshll.u32 s10, $0x1;
	s21 =	sand.u32 $0x6, s9;
	v17 =	vld [tilespmem:s13+$0x83C0];
	[tilespmem:s12+$0x19B30] =	vst v18;
	v13 =	vadd.f32 v14, v13  }
0x28d: {  	s2 =	sand.u32 $0x2000, s2;
	s5 =	sand.u32 $0xFFFFFF80, s4;
	s14 =	sor.u32 $0x1, s21;
	v14 =	vld [tilespmem:s13+$0x83D0];
	[tilespmem:s12+$0x19B40] =	vst v16;
	v10 =	vadd.f32 v11, v10  }
0x28e: {  	s18 =	sor.u32 $0x300, s2;
	s19 =	sor.u32 s5, s2;
	s5 =	sshll.u32 s14, $0xA;
	v9 =	vadd.f32 v15, v9;
	v11 =	vld [tilespmem:s13+$0x83E0];
	[tilespmem:s12+$0x19B50] =	vst v13  }
0x28f: {  	s4 =	sand.u32 $0x380, s4;
	s20 =	sor.u32 s5, s18;
	v8 =	vadd.f32 v12, v8;
	v12 =	vld [tilespmem:s13+$0x83F0];
	[tilespmem:s12+$0x19B60] =	vst v10;
	s12 =	sor.u32 s5, s19  }
0x290: {  	s23 =	sor.u32 $0x4300, s2;
	s13 =	sand.u32 $0x30, s10;
	s22 =	sadd.s32 s4, s20;
	v10 =	vld [tilespmem:s12+$0x9B70];
	[tilespmem:s11+$0x19B10] =	vst v9;
	v7 =	vadd.f32 v20, v7  }
0x291: {  	s24 =	sshll.u32 s21, $0xA;
	s20 =	sshll.u32 s13, $0x7;
	s25 =	sor.u32 $0x8, s13;
	v9 =	vld [tilespmem:s22+$0x4070];
	[tilespmem:s11+$0x19B20] =	vst v8;
	v6 =	vadd.f32 v17, v6  }
0x292: {  	s5 =	sshll.u32 s14, $0x9;
	s26 =	sor.u32 s20, s23;
	s28 =	sshll.u32 s25, $0x7;
	v13 =	vld [tilespmem:s22+$0x4010];
	[tilespmem:s11+$0x19B30] =	vst v7;
	v5 =	vadd.f32 v14, v5  }
0x293: {  	s2 =	sor.u32 s4, s2;
	s14 =	sor.u32 s24, s18;
	s18 =	sor.u32 s28, s23;
	v7 =	vld [tilespmem:s5+$0x83F0];
	[tilespmem:s11+$0x19B40] =	vst v6;
	v4 =	vadd.f32 v11, v4  }
0x294: {  	s23 =	sadd.s32 s4, s26;
	s26 =	sadd.s32 s4, s14;
	s4 =	sadd.s32 s4, s18;
	v11 =	vld [tilespmem:s22+$0x4020];
	[tilespmem:s11+$0x19B50] =	vst v5;
	v3 =	vadd.f32 v12, v3  }
0x295: {  	s14 =	sor.u32 s20, s2;
	s2 =	sor.u32 s24, s2;
	s19 =	sor.u32 s28, s19;
	v5 =	vld [tilespmem:s23+$0x0];
	[tilespmem:s11+$0x19B60] =	vst v4  }
0x296: {  	s20 =	sshll.u32 s13, $0x6;
	s13 =	sshll.u32 s21, $0x9;
	s21 =	sshll.u32 s25, $0x6;
	v4 =	vld [tilespmem:s26+$0x4010];
	v6 =	vadd.f32 v9, v10;
	[tilespmem:s11+$0x19B70] =	vst v3  }
0x297: {  	p0 =	slt.u32 s10, $0x3F0;
	s11 =	smov.u32 s2;
	v3 =	vld [tilespmem:s26+$0x4020]  }
0x298: {  	v10 =	vld [tilespmem:s26+$0x4030];
	v6 =	vadd.f32 v7, v6  }
0x299: {  	v12 =	vld [tilespmem:s26+$0x4040]  }
0x29a: {  	v14 =	vld [tilespmem:s26+$0x4050];
	[tilespmem:s12+$0x19B70] =	vst v6  }
0x29b: {  	v15 =	vld [tilespmem:s26+$0x4060]  }
0x29c: {  	v16 =	vld [tilespmem:s26+$0x4070]  }
0x29d: {  	v17 =	vld [tilespmem:s4+$0x0]  }
0x29e: {  	v18 =	vld [tilespmem:s22+$0x4030]  }
0x29f: {  	v19 =	vld [tilespmem:s22+$0x4040]  }
0x2a0: {  	v20 =	vld [tilespmem:s22+$0x4050]  }
0x2a1: {  	v21 =	vld [tilespmem:s22+$0x4060]  }
0x2a2: {  	v6 =	vld [tilespmem:s14+$0x9B00]  }
0x2a3: {  	v7 =	vld [tilespmem:s11+$0x9B10]  }
0x2a4: {  	v8 =	vld [tilespmem:s11+$0x9B20]  }
0x2a5: {  	v22 =	vld [tilespmem:s11+$0x9B30]  }
0x2a6: {  	v23 =	vld [tilespmem:s11+$0x9B40]  }
0x2a7: {  	v24 =	vadd.f32 v5, v6;
	v5 =	vld [tilespmem:s11+$0x9B50]  }
0x2a8: {  	v9 =	vadd.f32 v4, v7;
	v4 =	vld [tilespmem:s11+$0x9B60]  }
0x2a9: {  	v8 =	vadd.f32 v3, v8;
	v3 =	vld [tilespmem:s11+$0x9B70]  }
0x2aa: {  	v7 =	vadd.f32 v10, v22;
	v10 =	vld [tilespmem:s19+$0x9B00]  }
0x2ab: {  	v6 =	vadd.f32 v12, v23;
	v12 =	vld [tilespmem:s12+$0x9B10]  }
0x2ac: {  	v5 =	vadd.f32 v14, v5;
	v14 =	vld [tilespmem:s12+$0x9B20]  }
0x2ad: {  	v4 =	vadd.f32 v15, v4;
	v15 =	vld [tilespmem:s12+$0x9B30]  }
0x2ae: {  	v3 =	vadd.f32 v16, v3;
	v16 =	vld [tilespmem:s12+$0x9B40]  }
0x2af: {  	v17 =	vadd.f32 v17, v10;
	v10 =	vld [tilespmem:s12+$0x9B50]  }
0x2b0: {  	v12 =	vadd.f32 v13, v12;
	v22 =	vld [tilespmem:s12+$0x9B60]  }
0x2b1: {  	v23 =	vld [tilespmem:s21+$0x8380];
	v25 =	vadd.f32 v11, v14  }
0x2b2: {  	v11 =	vld [tilespmem:s20+$0x8380];
	v18 =	vadd.f32 v18, v15  }
0x2b3: {  	v15 =	vld [tilespmem:s5+$0x8390];
	v16 =	vadd.f32 v19, v16  }
0x2b4: {  	v19 =	vld [tilespmem:s5+$0x83A0];
	v13 =	vadd.f32 v20, v10  }
0x2b5: {  	v20 =	vld [tilespmem:s5+$0x83B0];
	v10 =	vadd.f32 v21, v22  }
.Ltmp6:
0x2b6: {  	v21 =	vadd.f32 v23, v17;
	v17 =	vld [tilespmem:s5+$0x83C0];
	(pc) =	sbr.rel @p0 .LBB2_15-.Ltmp6, $4  }
0x2b7: {  	v22 =	vadd.f32 v11, v24;
	v14 =	vld [tilespmem:s5+$0x83D0]  }
0x2b8: {  	[tilespmem:s19+$0x19B00] =	vst v21;
	v21 =	vadd.f32 v15, v12;
	v11 =	vld [tilespmem:s5+$0x83E0]  }
0x2b9: {  	[tilespmem:s14+$0x19B00] =	vst v22;
	v15 =	vld [tilespmem:s13+$0x8390];
	v19 =	vadd.f32 v19, v25  }
0x2ba: {  	v12 =	vld [tilespmem:s13+$0x83A0];
	[tilespmem:s12+$0x19B10] =	vst v21;
	v18 =	vadd.f32 v20, v18  }
0x2bb: {  	v20 =	vld [tilespmem:s13+$0x83B0];
	[tilespmem:s12+$0x19B20] =	vst v19;
	v16 =	vadd.f32 v17, v16  }
0x2bc: {  	v17 =	vld [tilespmem:s13+$0x83C0];
	[tilespmem:s12+$0x19B30] =	vst v18;
	v13 =	vadd.f32 v14, v13  }
0x2bd: {  	v14 =	vld [tilespmem:s13+$0x83D0];
	[tilespmem:s12+$0x19B40] =	vst v16;
	v10 =	vadd.f32 v11, v10  }
0x2be: {  	v11 =	vld [tilespmem:s13+$0x83E0];
	v9 =	vadd.f32 v15, v9;
	[tilespmem:s12+$0x19B50] =	vst v13  }
0x2bf: {  	v8 =	vadd.f32 v12, v8;
	v12 =	vld [tilespmem:s13+$0x83F0];
	[tilespmem:s12+$0x19B60] =	vst v10  }
0x2c0: {  	[tilespmem:s11+$0x19B10] =	vst v9;
	v7 =	vadd.f32 v20, v7  }
0x2c1: {  	v6 =	vadd.f32 v17, v6;
	[tilespmem:s11+$0x19B20] =	vst v8  }
0x2c2: {  	v5 =	vadd.f32 v14, v5;
	[tilespmem:s11+$0x19B30] =	vst v7  }
0x2c3: {  	[tilespmem:s11+$0x19B40] =	vst v6;
	v4 =	vadd.f32 v11, v4  }
0x2c4: {  	[tilespmem:s11+$0x19B50] =	vst v5;
	v3 =	vadd.f32 v12, v3  }
0x2c5: {  	[tilespmem:s11+$0x19B60] =	vst v4  }
0x2c6: {  	s2 =	sadd.s32 $0x1800, s7;
	s4 =	simm.s32 $0x19B00;
	s23 =	simm.s32 $0x2;
	[tilespmem:s11+$0x19B70] =	vst v3  }
0x2c7: {  	[hbm4b:s2+s6] =	stream.linear.scatter [tilespmem:s4], [sflag:$0x5], $0x4000, $0x38;
	[tilespmem:$0x1DB00] =	vst v63  }
0x2c8: {  	_ =	swait.ge [sflag:s23], $0x4000  }
0x2c9: {  	[sflag:s23] =	ssyncset.done $0x0  }
0x2ca: {  	p0 =	seq.s32 s0, $0x7;
	[sflag:s23] =	ssyncadd.s32 $0xFFFFC000  }
0x2cb: {  	v3 =	vld @!p0 [tilespmem:s8+$0x60];
	_ =	sdelay $0x4  }
0x2cc: {  	v4 =	vshll.u32 @!p0 v3, $0x3  }
0x2cd: {  	v5 =	vlaneseq.u32 @!p0;
	v3 =	vand.u32 @!p0 $0x7, v3;
	v4 =	vand.u32 @!p0 $0xFFFFFFC0, v4  }
0x2ce: {  	v6 =	vshrl.u32 @!p0 v5, $0x3;
	v3 =	vor.u32 @!p0 v3, v4;
	v4 =	vand.u32 @!p0 $0x7, v5  }
0x2cf: {  	v6 =	vmul.u32 @!p0 $0x8, v6;
	v4 =	vperm.xlane @!p0 v3, v4;
	_ =	sdelay $0x1  }
0x2d0: {  	v4 =	vadd.s32 @!p0 v6, v4;
	_ =	sdelay $0x3  }
0x2d1: {  	vm1 =	vmmov @!p0 $0xffff;
	s2 =	simm.s32 @!p0 $0x0;
	s4 =	simm.s32 @!p0 $0x9B00  }
0x2d2: {  	v5 =	vor.u32 @!p0 $0x8, v5;
	[tilespmem:s4], [sflag:$0x1] =	stream.indirect_vreg.gather @!p0 [hbm4b:s1+s2], $0x80, v4, vm1, $0xb8;
	[tilespmem:$0x1DB00] =	vst v63  }
0x2d3: {  	v3 =	vperm.xlane @!p0 v3, v5;
	s4 =	simm.s32 @!p0 $0xA300  }
0x2d4: {  	[tilespmem:s4], [sflag:$0x1] =	stream.indirect_vreg.gather @!p0 [hbm4b:s15+s2], $0x80, v4, vm1, $0xb8;
	[tilespmem:$0x1DB00] =	vst v63  }
0x2d5: {  	v3 =	vadd.s32 @!p0 v6, v3;
	s4 =	simm.s32 @!p0 $0xAB00  }
0x2d6: {  	[tilespmem:s4], [sflag:$0x1] =	stream.indirect_vreg.gather @!p0 [hbm4b:s16+s2], $0x80, v4, vm1, $0xb8;
	[tilespmem:$0x1DB00] =	vst v63  }
0x2d7: {  	s4 =	simm.s32 @!p0 $0xB300  }
0x2d8: {  	[tilespmem:s4], [sflag:$0x1] =	stream.indirect_vreg.gather @!p0 [hbm4b:s17+s2], $0x80, v4, vm1, $0xb8;
	[tilespmem:$0x1DB00] =	vst v63  }
0x2d9: {  	s4 =	simm.s32 @!p0 $0xBB00  }
0x2da: {  	[tilespmem:s4], [sflag:$0x1] =	stream.indirect_vreg.gather @!p0 [hbm4b:s1+s2], $0x80, v3, vm1, $0xb8;
	[tilespmem:$0x1DB00] =	vst v63  }
0x2db: {  	s9 =	simm.s32 $0x0;
	s4 =	simm.s32 @!p0 $0xC300  }
0x2dc: {  	[tilespmem:s4], [sflag:$0x1] =	stream.indirect_vreg.gather @!p0 [hbm4b:s15+s2], $0x80, v3, vm1, $0xb8;
	[tilespmem:$0x1DB00] =	vst v63  }
0x2dd: {  	s10 =	simm.s32 $0x0;
	s24 =	simm.s32 $0x0;
	s4 =	simm.s32 @!p0 $0xCB00  }
0x2de: {  	[tilespmem:s4], [sflag:$0x1] =	stream.indirect_vreg.gather @!p0 [hbm4b:s16+s2], $0x80, v3, vm1, $0xb8;
	[tilespmem:$0x1DB00] =	vst v63  }
0x2df: {  	s5 =	sand.u32 $0x6, s9;
	s11 =	sand.u32 $0x30, s10;
	s4 =	simm.s32 @!p0 $0xD300  }
0x2e0: {  	[tilespmem:s4], [sflag:$0x1] =	stream.indirect_vreg.gather @!p0 [hbm4b:s17+s2], $0x80, v3, vm1, $0xb8;
	[tilespmem:$0x1DB00] =	vst v63  }
0x2e1: {  	s18 =	sshll.u32 s5, $0xA;
	s13 =	sshll.u32 s11, $0x7;
	s2 =	sand.u32 $0x2000, s24  }
0x2e2: {  	s4 =	simm.s32 $0x0;
	_ =	swait.ge [sflag:s31], $0x4000;
	s25 =	sor.u32 $0x300, s2  }
0x2e3: {  	s14 =	sand.u32 $0x380, s4;
	[sflag:s31] =	ssyncset.done $0x0;
	s19 =	sor.u32 s13, s25  }
0x2e4: {  	s20 =	sor.u32 s18, s25;
	[sflag:s31] =	ssyncadd.s32 $0xFFFFC000;
	s19 =	sadd.s32 s14, s19  }
0x2e5: {  	s26 =	sadd.s32 s14, s20;
	v3 =	vld [tilespmem:s19+$0x0]  }
0x2e6: {  	v4 =	vld [tilespmem:s26+$0x10]  }
0x2e7: {  	v5 =	vld [tilespmem:s26+$0x20]  }
0x2e8: {  	v6 =	vld [tilespmem:s26+$0x30]  }
0x2e9: {  	s28 =	sor.u32 $0x8, s11;
	v10 =	vld [tilespmem:s26+$0x40]  }
0x2ea: {  	s21 =	sor.u32 $0x1, s5;
	s22 =	sshll.u32 s28, $0x7;
	v11 =	vld [tilespmem:s26+$0x50]  }
0x2eb: {  	s23 =	sshll.u32 s21, $0xA;
	s24 =	sor.u32 s22, s25;
	v12 =	vld [tilespmem:s26+$0x60]  }
0x2ec: {  	s12 =	sor.u32 s23, s25;
	s24 =	sadd.s32 s14, s24;
	v13 =	vld [tilespmem:s26+$0x70]  }
0x2ed: {  	s12 =	sadd.s32 s14, s12;
	v14 =	vld [tilespmem:s24+$0x0]  }
0x2ee: {  	v7 =	vld [tilespmem:s12+$0x70]  }
0x2ef: {  	v15 =	vld [tilespmem:s12+$0x10]  }
0x2f0: {  	v16 =	vld [tilespmem:s12+$0x20]  }
0x2f1: {  	v18 =	vld [tilespmem:s12+$0x30]  }
0x2f2: {  	v19 =	vld [tilespmem:s12+$0x40]  }
0x2f3: {  	v20 =	vld [tilespmem:s12+$0x50]  }
0x2f4: {  	s4 =	sand.u32 $0xFFFFFF80, s4;
	s25 =	sshll.u32 s28, $0x6;
	v21 =	vld [tilespmem:s12+$0x60]  }
0x2f5: {  	s11 =	sshll.u32 s11, $0x6;
	s4 =	sor.u32 s4, s2;
	s2 =	sor.u32 s14, s2;
	v17 =	vld [tilespmem:s25+$0x8400]  }
0x2f6: {  	s13 =	sor.u32 s13, s2;
	v22 =	vld [tilespmem:s11+$0x8400]  }
0x2f7: {  	s28 =	sor.u32 s22, s4;
	v23 =	vld [tilespmem:s13+$0xDB00]  }
0x2f8: {  	s12 =	sor.u32 s23, s4;
	v31 =	vld [tilespmem:s28+$0xDB00]  }
0x2f9: {  	s26 =	sshll.u32 s21, $0x9;
	v8 =	vld [tilespmem:s12+$0xDB70]  }
0x2fa: {  	s11 =	sor.u32 s18, s2;
	v9 =	vld [tilespmem:s26+$0x8470]  }
0x2fb: {  	v24 =	vld [tilespmem:s11+$0xDB10]  }
0x2fc: {  	v25 =	vld [tilespmem:s11+$0xDB20]  }
0x2fd: {  	v26 =	vld [tilespmem:s11+$0xDB30]  }
0x2fe: {  	v27 =	vld [tilespmem:s11+$0xDB40]  }
0x2ff: {  	v28 =	vld [tilespmem:s11+$0xDB50]  }
0x300: {  	v29 =	vld [tilespmem:s11+$0xDB60]  }
0x301: {  	v30 =	vld [tilespmem:s11+$0xDB70]  }
0x302: {  	v32 =	vld [tilespmem:s12+$0xDB10]  }
0x303: {  	v33 =	vld [tilespmem:s12+$0xDB20]  }
0x304: {  	v34 =	vld [tilespmem:s12+$0xDB30];
	v23 =	vadd.f32 v3, v23  }
0x305: {  	v36 =	vld [tilespmem:s12+$0xDB40];
	v7 =	vadd.f32 v7, v8;
	v8 =	vadd.f32 v5, v25  }
0x306: {  	v58 =	vld [tilespmem:s12+$0xDB50];
	v5 =	vadd.f32 v11, v28;
	v3 =	vadd.f32 v13, v30  }
0x307: {  	v60 =	vld [tilespmem:s26+$0x8410];
	v35 =	vadd.f32 v9, v7;
	v9 =	vadd.f32 v4, v24  }
0x308: {  	v59 =	vld [tilespmem:s12+$0xDB60];
	v7 =	vadd.f32 v6, v26;
	v6 =	vadd.f32 v10, v27  }
0x309: {  	v10 =	vadd.f32 v14, v31;
	v4 =	vadd.f32 v12, v29;
	v12 =	vld [tilespmem:s26+$0x8420]  }
0x30a: {  	v61 =	vld [tilespmem:s26+$0x8430];
	v13 =	vadd.f32 v15, v32;
	v11 =	vadd.f32 v22, v23  }
0x30b: {  	v10 =	vadd.f32 v17, v10;
	v17 =	vld [tilespmem:s26+$0x8440]  }
0x30c: {  	v62 =	vadd.f32 v16, v33;
	v14 =	vld [tilespmem:s26+$0x8450];
	v63 =	vadd.f32 v60, v13;
	[tilespmem:s13+$0x15B00] =	vst v11  }
0x30d: {  	v18 =	vadd.f32 v18, v34;
	v16 =	vadd.f32 v19, v36;
	v11 =	vld [tilespmem:s26+$0x8460];
	s13 =	sshll.u32 s5, $0x9;
	[tilespmem:s12+$0x15B70] =	vst v35  }
0x30e: {  	v13 =	vadd.f32 v20, v58;
	v15 =	vld [tilespmem:s13+$0x8410];
	[tilespmem:s12+$0x15B10] =	vst v63;
	v19 =	vadd.f32 v12, v62  }
0x30f: {  	v18 =	vadd.f32 v61, v18;
	[tilespmem:s28+$0x15B00] =	vst v10;
	v10 =	vadd.f32 v21, v59;
	v12 =	vld [tilespmem:s13+$0x8420]  }
.LBB2_17:
0x310: {  	s10 =	sadd.s32 $0x10, s10;
	v20 =	vld [tilespmem:s13+$0x8430];
	[tilespmem:s12+$0x15B20] =	vst v19;
	v16 =	vadd.f32 v17, v16;
	s9 =	sadd.s32 $0x2, s9  }
0x311: {  	s2 =	sshll.u32 s10, $0x4;
	s4 =	sshll.u32 s10, $0x1;
	s22 =	sand.u32 $0x6, s9;
	v17 =	vld [tilespmem:s13+$0x8440];
	[tilespmem:s12+$0x15B30] =	vst v18;
	v13 =	vadd.f32 v14, v13  }
0x312: {  	s2 =	sand.u32 $0x2000, s2;
	s5 =	sand.u32 $0xFFFFFF80, s4;
	s14 =	sor.u32 $0x1, s22;
	v14 =	vld [tilespmem:s13+$0x8450];
	[tilespmem:s12+$0x15B40] =	vst v16;
	v10 =	vadd.f32 v11, v10  }
0x313: {  	s18 =	sor.u32 $0x300, s2;
	s19 =	sor.u32 s5, s2;
	s5 =	sshll.u32 s14, $0xA;
	v9 =	vadd.f32 v15, v9;
	v11 =	vld [tilespmem:s13+$0x8460];
	[tilespmem:s12+$0x15B50] =	vst v13  }
0x314: {  	s4 =	sand.u32 $0x380, s4;
	s20 =	sor.u32 s5, s18;
	v8 =	vadd.f32 v12, v8;
	v12 =	vld [tilespmem:s13+$0x8470];
	[tilespmem:s12+$0x15B60] =	vst v10;
	s12 =	sor.u32 s5, s19  }
0x315: {  	s23 =	sshll.u32 s22, $0xA;
	s13 =	sand.u32 $0x30, s10;
	s21 =	sadd.s32 s4, s20;
	v10 =	vld [tilespmem:s12+$0xDB70];
	[tilespmem:s11+$0x15B10] =	vst v9;
	v7 =	vadd.f32 v20, v7  }
0x316: {  	s24 =	sor.u32 s23, s18;
	s20 =	sshll.u32 s13, $0x7;
	s25 =	sor.u32 $0x8, s13;
	v9 =	vld [tilespmem:s21+$0x70];
	[tilespmem:s11+$0x15B20] =	vst v8;
	v6 =	vadd.f32 v17, v6  }
0x317: {  	s5 =	sshll.u32 s14, $0x9;
	s26 =	sor.u32 s20, s18;
	s28 =	sshll.u32 s25, $0x7;
	v13 =	vld [tilespmem:s21+$0x10];
	[tilespmem:s11+$0x15B30] =	vst v7;
	v5 =	vadd.f32 v14, v5  }
0x318: {  	s2 =	sor.u32 s4, s2;
	s26 =	sadd.s32 s4, s26;
	s18 =	sor.u32 s28, s18;
	v7 =	vld [tilespmem:s5+$0x8470];
	[tilespmem:s11+$0x15B40] =	vst v6;
	v4 =	vadd.f32 v11, v4  }
0x319: {  	s14 =	sor.u32 s20, s2;
	v6 =	vld [tilespmem:s26+$0x0];
	s26 =	sadd.s32 s4, s24;
	s4 =	sadd.s32 s4, s18;
	[tilespmem:s11+$0x15B50] =	vst v5;
	v3 =	vadd.f32 v12, v3  }
0x31a: {  	s2 =	sor.u32 s23, s2;
	s19 =	sor.u32 s28, s19;
	s24 =	sshll.u32 s25, $0x6;
	v5 =	vld [tilespmem:s26+$0x10];
	[tilespmem:s11+$0x15B60] =	vst v4  }
0x31b: {  	p1 =	slt.u32 s10, $0x3F0;
	s20 =	sshll.u32 s13, $0x6;
	s13 =	sshll.u32 s22, $0x9;
	v4 =	vld [tilespmem:s26+$0x20];
	v8 =	vadd.f32 v9, v10;
	[tilespmem:s11+$0x15B70] =	vst v3  }
0x31c: {  	s11 =	smov.u32 s2;
	v3 =	vld [tilespmem:s26+$0x30]  }
0x31d: {  	v10 =	vld [tilespmem:s26+$0x40];
	v7 =	vadd.f32 v7, v8  }
0x31e: {  	v11 =	vld [tilespmem:s26+$0x50]  }
0x31f: {  	v12 =	vld [tilespmem:s26+$0x60];
	[tilespmem:s12+$0x15B70] =	vst v7  }
0x320: {  	v14 =	vld [tilespmem:s26+$0x70]  }
0x321: {  	v15 =	vld [tilespmem:s4+$0x0]  }
0x322: {  	v16 =	vld [tilespmem:s21+$0x20]  }
0x323: {  	v17 =	vld [tilespmem:s21+$0x30]  }
0x324: {  	v18 =	vld [tilespmem:s21+$0x40]  }
0x325: {  	v19 =	vld [tilespmem:s21+$0x50]  }
0x326: {  	v20 =	vld [tilespmem:s21+$0x60]  }
0x327: {  	v7 =	vld [tilespmem:s14+$0xDB00]  }
0x328: {  	v8 =	vld [tilespmem:s11+$0xDB10]  }
0x329: {  	v21 =	vld [tilespmem:s11+$0xDB20]  }
0x32a: {  	v22 =	vld [tilespmem:s11+$0xDB30]  }
0x32b: {  	v23 =	vld [tilespmem:s11+$0xDB40]  }
0x32c: {  	v24 =	vadd.f32 v6, v7;
	v25 =	vld [tilespmem:s11+$0xDB50]  }
0x32d: {  	v9 =	vadd.f32 v5, v8;
	v26 =	vld [tilespmem:s11+$0xDB60]  }
0x32e: {  	v8 =	vadd.f32 v4, v21;
	v21 =	vld [tilespmem:s11+$0xDB70]  }
0x32f: {  	v7 =	vadd.f32 v3, v22;
	v22 =	vld [tilespmem:s19+$0xDB00]  }
0x330: {  	v6 =	vadd.f32 v10, v23;
	v10 =	vld [tilespmem:s12+$0xDB10]  }
0x331: {  	v5 =	vadd.f32 v11, v25;
	v11 =	vld [tilespmem:s12+$0xDB20]  }
0x332: {  	v4 =	vadd.f32 v12, v26;
	v12 =	vld [tilespmem:s12+$0xDB30]  }
0x333: {  	v3 =	vadd.f32 v14, v21;
	v14 =	vld [tilespmem:s12+$0xDB40]  }
0x334: {  	v15 =	vadd.f32 v15, v22;
	v21 =	vld [tilespmem:s12+$0xDB50]  }
0x335: {  	v22 =	vadd.f32 v13, v10;
	v10 =	vld [tilespmem:s12+$0xDB60]  }
0x336: {  	v23 =	vld [tilespmem:s24+$0x8400];
	v25 =	vadd.f32 v16, v11  }
0x337: {  	v11 =	vld [tilespmem:s20+$0x8400];
	v26 =	vadd.f32 v17, v12  }
0x338: {  	v12 =	vld [tilespmem:s5+$0x8410];
	v16 =	vadd.f32 v18, v14  }
0x339: {  	v18 =	vld [tilespmem:s5+$0x8420];
	v13 =	vadd.f32 v19, v21  }
0x33a: {  	v21 =	vld [tilespmem:s5+$0x8430];
	v10 =	vadd.f32 v20, v10  }
.Ltmp7:
0x33b: {  	v15 =	vadd.f32 v23, v15;
	v17 =	vld [tilespmem:s5+$0x8440];
	(pc) =	sbr.rel @p1 .LBB2_17-.Ltmp7, $4  }
0x33c: {  	v19 =	vadd.f32 v11, v24;
	v14 =	vld [tilespmem:s5+$0x8450]  }
0x33d: {  	[tilespmem:s19+$0x15B00] =	vst v15;
	v20 =	vadd.f32 v12, v22;
	v11 =	vld [tilespmem:s5+$0x8460]  }
0x33e: {  	[tilespmem:s14+$0x15B00] =	vst v19;
	v15 =	vld [tilespmem:s13+$0x8410];
	v19 =	vadd.f32 v18, v25  }
0x33f: {  	v12 =	vld [tilespmem:s13+$0x8420];
	[tilespmem:s12+$0x15B10] =	vst v20;
	v18 =	vadd.f32 v21, v26  }
0x340: {  	v20 =	vld [tilespmem:s13+$0x8430];
	[tilespmem:s12+$0x15B20] =	vst v19;
	v16 =	vadd.f32 v17, v16  }
0x341: {  	v17 =	vld [tilespmem:s13+$0x8440];
	[tilespmem:s12+$0x15B30] =	vst v18;
	v13 =	vadd.f32 v14, v13  }
0x342: {  	v14 =	vld [tilespmem:s13+$0x8450];
	[tilespmem:s12+$0x15B40] =	vst v16;
	v10 =	vadd.f32 v11, v10  }
0x343: {  	v11 =	vld [tilespmem:s13+$0x8460];
	v9 =	vadd.f32 v15, v9;
	[tilespmem:s12+$0x15B50] =	vst v13  }
0x344: {  	v8 =	vadd.f32 v12, v8;
	v12 =	vld [tilespmem:s13+$0x8470];
	[tilespmem:s12+$0x15B60] =	vst v10  }
0x345: {  	[tilespmem:s11+$0x15B10] =	vst v9;
	v7 =	vadd.f32 v20, v7  }
0x346: {  	v6 =	vadd.f32 v17, v6;
	[tilespmem:s11+$0x15B20] =	vst v8  }
0x347: {  	v5 =	vadd.f32 v14, v5;
	[tilespmem:s11+$0x15B30] =	vst v7  }
0x348: {  	[tilespmem:s11+$0x15B40] =	vst v6;
	v4 =	vadd.f32 v11, v4  }
0x349: {  	[tilespmem:s11+$0x15B50] =	vst v5;
	v3 =	vadd.f32 v12, v3  }
0x34a: {  	[tilespmem:s11+$0x15B60] =	vst v4  }
0x34b: {  	s2 =	sadd.s32 $0x2000, s7;
	s4 =	simm.s32 $0x15B00;
	s20 =	simm.s32 $0x3;
	[tilespmem:s11+$0x15B70] =	vst v3  }
0x34c: {  	[hbm4b:s2+s6] =	stream.linear.scatter [tilespmem:s4], [sflag:$0x4], $0x4000, $0x38;
	[tilespmem:$0x1DB00] =	vst v63  }
0x34d: {  	_ =	swait.ge [sflag:s20], $0x4000  }
0x34e: {  	[sflag:s20] =	ssyncset.done $0x0  }
0x34f: {  	[sflag:s20] =	ssyncadd.s32 $0xFFFFC000  }
0x350: {  	v3 =	vld @!p0 [tilespmem:s8+$0x70];
	_ =	sdelay $0x4  }
0x351: {  	v4 =	vshll.u32 @!p0 v3, $0x3  }
0x352: {  	v5 =	vlaneseq.u32 @!p0;
	v3 =	vand.u32 @!p0 $0x7, v3;
	v4 =	vand.u32 @!p0 $0xFFFFFFC0, v4  }
0x353: {  	v6 =	vshrl.u32 @!p0 v5, $0x3;
	v3 =	vor.u32 @!p0 v3, v4;
	v4 =	vand.u32 @!p0 $0x7, v5  }
0x354: {  	v6 =	vmul.u32 @!p0 $0x8, v6;
	v4 =	vperm.xlane @!p0 v3, v4;
	_ =	sdelay $0x1  }
0x355: {  	v4 =	vadd.s32 @!p0 v6, v4;
	_ =	sdelay $0x3  }
0x356: {  	s2 =	simm.s32 @!p0 $0x0;
	s4 =	simm.s32 @!p0 $0xDB00  }
0x357: {  	v5 =	vor.u32 @!p0 $0x8, v5;
	[tilespmem:s4], [sflag:$0x2] =	stream.indirect_vreg.gather @!p0 [hbm4b:s1+s2], $0x80, v4, vm1, $0xb8;
	[tilespmem:$0x1DB00] =	vst v63  }
0x358: {  	v3 =	vperm.xlane @!p0 v3, v5;
	s4 =	simm.s32 @!p0 $0xE300  }
0x359: {  	[tilespmem:s4], [sflag:$0x2] =	stream.indirect_vreg.gather @!p0 [hbm4b:s15+s2], $0x80, v4, vm1, $0xb8;
	[tilespmem:$0x1DB00] =	vst v63  }
0x35a: {  	v3 =	vadd.s32 @!p0 v6, v3;
	s4 =	simm.s32 @!p0 $0xEB00  }
0x35b: {  	[tilespmem:s4], [sflag:$0x2] =	stream.indirect_vreg.gather @!p0 [hbm4b:s16+s2], $0x80, v4, vm1, $0xb8;
	[tilespmem:$0x1DB00] =	vst v63  }
0x35c: {  	s4 =	simm.s32 @!p0 $0xF300  }
0x35d: {  	[tilespmem:s4], [sflag:$0x2] =	stream.indirect_vreg.gather @!p0 [hbm4b:s17+s2], $0x80, v4, vm1, $0xb8;
	[tilespmem:$0x1DB00] =	vst v63  }
0x35e: {  	s9 =	simm.s32 $0x0;
	s4 =	simm.s32 @!p0 $0xFB00  }
0x35f: {  	[tilespmem:s4], [sflag:$0x2] =	stream.indirect_vreg.gather @!p0 [hbm4b:s1+s2], $0x80, v3, vm1, $0xb8;
	[tilespmem:$0x1DB00] =	vst v63  }
0x360: {  	s21 =	simm.s32 $0x0;
	s5 =	sand.u32 $0x6, s9;
	s4 =	simm.s32 @!p0 $0x10300  }
0x361: {  	[tilespmem:s4], [sflag:$0x2] =	stream.indirect_vreg.gather @!p0 [hbm4b:s15+s2], $0x80, v3, vm1, $0xb8;
	[tilespmem:$0x1DB00] =	vst v63  }
0x362: {  	s22 =	simm.s32 $0x0;
	s24 =	sor.u32 $0x1, s5;
	s4 =	simm.s32 @!p0 $0x10B00  }
0x363: {  	[tilespmem:s4], [sflag:$0x2] =	stream.indirect_vreg.gather @!p0 [hbm4b:s16+s2], $0x80, v3, vm1, $0xb8;
	[tilespmem:$0x1DB00] =	vst v63  }
0x364: {  	s23 =	sand.u32 $0xFFFFFF80, s22;
	s10 =	sshll.u32 s24, $0xA;
	s4 =	simm.s32 @!p0 $0x11300  }
0x365: {  	[tilespmem:s4], [sflag:$0x2] =	stream.indirect_vreg.gather @!p0 [hbm4b:s17+s2], $0x80, v3, vm1, $0xb8;
	[tilespmem:$0x1DB00] =	vst v63  }
0x366: {  	s2 =	sand.u32 $0x2000, s21;
	s4 =	sand.u32 $0x380, s22;
	_ =	swait.ge [sflag:s3], $0x4000  }
0x367: {  	s25 =	sor.u32 $0x300, s2;
	s14 =	sor.u32 s23, s2;
	[sflag:s3] =	ssyncset.done $0x0  }
0x368: {  	s8 =	sor.u32 s10, s14;
	s26 =	sor.u32 s10, s25;
	[sflag:s3] =	ssyncadd.s32 $0xFFFFC000  }
0x369: {  	s18 =	sadd.s32 s4, s26;
	v3 =	vld [tilespmem:s8+$0x11B70]  }
0x36a: {  	v4 =	vld [tilespmem:s18+$0x4070]  }
0x36b: {  	s28 =	sshll.u32 s5, $0xA;
	s13 =	sshll.u32 s24, $0x9;
	v10 =	vld [tilespmem:s18+$0x4010]  }
0x36c: {  	s12 =	sor.u32 s28, s25;
	v5 =	vld [tilespmem:s13+$0x8470]  }
0x36d: {  	s12 =	sadd.s32 s4, s12;
	v11 =	vld [tilespmem:s18+$0x4020]  }
0x36e: {  	v7 =	vld [tilespmem:s12+$0x4010]  }
0x36f: {  	v8 =	vld [tilespmem:s12+$0x4020]  }
0x370: {  	v12 =	vld [tilespmem:s12+$0x4030]  }
0x371: {  	v13 =	vld [tilespmem:s12+$0x4040]  }
0x372: {  	v14 =	vld [tilespmem:s12+$0x4050]  }
0x373: {  	v15 =	vld [tilespmem:s12+$0x4060]  }
0x374: {  	v16 =	vld [tilespmem:s12+$0x4070]  }
0x375: {  	v18 =	vld [tilespmem:s18+$0x4030]  }
0x376: {  	v19 =	vld [tilespmem:s18+$0x4040]  }
0x377: {  	s20 =	sor.u32 $0x4300, s2;
	s2 =	sor.u32 s4, s2;
	v20 =	vld [tilespmem:s18+$0x4050]  }
0x378: {  	s11 =	sor.u32 s28, s2;
	v21 =	vld [tilespmem:s18+$0x4060]  }
0x379: {  	v22 =	vld [tilespmem:s11+$0x11B10]  }
0x37a: {  	v23 =	vld [tilespmem:s11+$0x11B20]  }
0x37b: {  	v24 =	vld [tilespmem:s11+$0x11B30]  }
0x37c: {  	v25 =	vld [tilespmem:s11+$0x11B40]  }
0x37d: {  	v26 =	vld [tilespmem:s11+$0x11B50]  }
0x37e: {  	v27 =	vld [tilespmem:s11+$0x11B60]  }
0x37f: {  	s10 =	simm.s32 $0x0;
	v28 =	vld [tilespmem:s11+$0x11B70]  }
0x380: {  	s19 =	sand.u32 $0x30, s10;
	v30 =	vld [tilespmem:s8+$0x11B10]  }
0x381: {  	s21 =	sshll.u32 s19, $0x7;
	s24 =	sor.u32 $0x8, s19;
	v31 =	vld [tilespmem:s8+$0x11B20]  }
0x382: {  	v32 =	vld [tilespmem:s8+$0x11B30];
	s22 =	sor.u32 s21, s20;
	s23 =	sshll.u32 s24, $0x7  }
0x383: {  	v33 =	vld [tilespmem:s8+$0x11B40];
	s22 =	sadd.s32 s4, s22;
	s20 =	sor.u32 s23, s20  }
0x384: {  	v6 =	vld [tilespmem:s22+$0x0];
	s20 =	sadd.s32 s4, s20;
	s4 =	sor.u32 s21, s2  }
0x385: {  	v9 =	vld [tilespmem:s4+$0x11B00]  }
0x386: {  	v34 =	vld [tilespmem:s8+$0x11B50];
	s25 =	sor.u32 s23, s14  }
0x387: {  	v29 =	vld [tilespmem:s25+$0x11B00]  }
0x388: {  	v17 =	vld [tilespmem:s20+$0x0]  }
0x389: {  	v61 =	vld [tilespmem:s13+$0x8430];
	s26 =	sshll.u32 s24, $0x6;
	v3 =	vadd.f32 v4, v3;
	v8 =	vadd.f32 v8, v23  }
0x38a: {  	s28 =	sshll.u32 s19, $0x6;
	v59 =	vld [tilespmem:s26+$0x8400];
	v4 =	vadd.f32 v15, v27;
	v37 =	vadd.f32 v6, v9  }
0x38b: {  	v9 =	vadd.f32 v7, v22;
	v7 =	vadd.f32 v12, v24;
	v12 =	vld [tilespmem:s28+$0x8400]  }
0x38c: {  	v35 =	vadd.f32 v5, v3;
	v6 =	vadd.f32 v13, v25;
	v13 =	vld [tilespmem:s13+$0x8410]  }
0x38d: {  	v60 =	vld [tilespmem:s13+$0x8420];
	v5 =	vadd.f32 v14, v26;
	v14 =	vadd.f32 v17, v29  }
0x38e: {  	v36 =	vld [tilespmem:s8+$0x11B60];
	v10 =	vadd.f32 v10, v30;
	v18 =	vadd.f32 v18, v32  }
0x38f: {  	v3 =	vadd.f32 v16, v28;
	v17 =	vld [tilespmem:s13+$0x8440];
	v16 =	vadd.f32 v59, v14  }
0x390: {  	v11 =	vadd.f32 v11, v31;
	v15 =	vld [tilespmem:s13+$0x8450];
	[tilespmem:s8+$0x19B70] =	vst v35;
	v62 =	vadd.f32 v12, v37  }
0x391: {  	s12 =	sshll.u32 s5, $0x9;
	v18 =	vadd.f32 v61, v18;
	[tilespmem:s25+$0x19B00] =	vst v16;
	v63 =	vadd.f32 v13, v10;
	v13 =	vld [tilespmem:s13+$0x8460]  }
0x392: {  	v14 =	vadd.f32 v19, v33;
	v19 =	vadd.f32 v60, v11;
	v16 =	vld [tilespmem:s12+$0x8410];
	[tilespmem:s4+$0x19B00] =	vst v62  }
0x393: {  	v11 =	vld [tilespmem:s12+$0x8420];
	v12 =	vadd.f32 v20, v34;
	v10 =	vadd.f32 v21, v36;
	[tilespmem:s8+$0x19B10] =	vst v63  }
.LBB2_19:
0x394: {  	s10 =	sadd.s32 $0x10, s10;
	v20 =	vld [tilespmem:s12+$0x8430];
	[tilespmem:s8+$0x19B20] =	vst v19;
	v14 =	vadd.f32 v17, v14;
	s9 =	sadd.s32 $0x2, s9  }
0x395: {  	s2 =	sshll.u32 s10, $0x4;
	s4 =	sshll.u32 s10, $0x1;
	s20 =	sand.u32 $0x6, s9;
	v17 =	vld [tilespmem:s12+$0x8440];
	[tilespmem:s8+$0x19B30] =	vst v18;
	v12 =	vadd.f32 v15, v12  }
0x396: {  	s2 =	sand.u32 $0x2000, s2;
	s5 =	sand.u32 $0xFFFFFF80, s4;
	s13 =	sor.u32 $0x1, s20;
	v15 =	vld [tilespmem:s12+$0x8450];
	[tilespmem:s8+$0x19B40] =	vst v14;
	v10 =	vadd.f32 v13, v10  }
0x397: {  	s14 =	sor.u32 $0x300, s2;
	s18 =	sor.u32 s5, s2;
	s5 =	sshll.u32 s13, $0xA;
	v9 =	vadd.f32 v16, v9;
	v13 =	vld [tilespmem:s12+$0x8460];
	[tilespmem:s8+$0x19B50] =	vst v12  }
0x398: {  	s4 =	sand.u32 $0x380, s4;
	s19 =	sor.u32 s5, s14;
	v8 =	vadd.f32 v11, v8;
	v11 =	vld [tilespmem:s12+$0x8470];
	[tilespmem:s8+$0x19B60] =	vst v10;
	s8 =	sor.u32 s5, s18  }
0x399: {  	s22 =	sor.u32 $0x4300, s2;
	s12 =	sand.u32 $0x30, s10;
	s21 =	sadd.s32 s4, s19;
	v10 =	vld [tilespmem:s8+$0x11B70];
	[tilespmem:s11+$0x19B10] =	vst v9;
	v7 =	vadd.f32 v20, v7  }
0x39a: {  	s23 =	sshll.u32 s20, $0xA;
	s19 =	sshll.u32 s12, $0x7;
	s24 =	sor.u32 $0x8, s12;
	v9 =	vld [tilespmem:s21+$0x4070];
	[tilespmem:s11+$0x19B20] =	vst v8;
	v6 =	vadd.f32 v17, v6  }
0x39b: {  	s5 =	sshll.u32 s13, $0x9;
	s25 =	sor.u32 s19, s22;
	s26 =	sshll.u32 s24, $0x7;
	v12 =	vld [tilespmem:s21+$0x4010];
	[tilespmem:s11+$0x19B30] =	vst v7;
	v5 =	vadd.f32 v15, v5  }
0x39c: {  	s2 =	sor.u32 s4, s2;
	s13 =	sor.u32 s23, s14;
	s14 =	sor.u32 s26, s22;
	v7 =	vld [tilespmem:s5+$0x8470];
	[tilespmem:s11+$0x19B40] =	vst v6;
	v4 =	vadd.f32 v13, v4  }
0x39d: {  	s22 =	sadd.s32 s4, s25;
	s25 =	sadd.s32 s4, s13;
	s4 =	sadd.s32 s4, s14;
	v13 =	vld [tilespmem:s21+$0x4020];
	[tilespmem:s11+$0x19B50] =	vst v5;
	v3 =	vadd.f32 v11, v3  }
0x39e: {  	s13 =	sor.u32 s19, s2;
	s2 =	sor.u32 s23, s2;
	s14 =	sor.u32 s26, s18;
	v5 =	vld [tilespmem:s22+$0x0];
	[tilespmem:s11+$0x19B60] =	vst v4  }
0x39f: {  	s19 =	sshll.u32 s12, $0x6;
	s12 =	sshll.u32 s20, $0x9;
	s20 =	sshll.u32 s24, $0x6;
	v4 =	vld [tilespmem:s25+$0x4010];
	v6 =	vadd.f32 v9, v10;
	[tilespmem:s11+$0x19B70] =	vst v3  }
0x3a0: {  	p0 =	slt.u32 s10, $0x3F0;
	s11 =	smov.u32 s2;
	v3 =	vld [tilespmem:s25+$0x4020]  }
0x3a1: {  	v10 =	vld [tilespmem:s25+$0x4030];
	v6 =	vadd.f32 v7, v6  }
0x3a2: {  	v11 =	vld [tilespmem:s25+$0x4040]  }
0x3a3: {  	v14 =	vld [tilespmem:s25+$0x4050];
	[tilespmem:s8+$0x19B70] =	vst v6  }
0x3a4: {  	v15 =	vld [tilespmem:s25+$0x4060]  }
0x3a5: {  	v16 =	vld [tilespmem:s25+$0x4070]  }
0x3a6: {  	v17 =	vld [tilespmem:s4+$0x0]  }
0x3a7: {  	v18 =	vld [tilespmem:s21+$0x4030]  }
0x3a8: {  	v19 =	vld [tilespmem:s21+$0x4040]  }
0x3a9: {  	v20 =	vld [tilespmem:s21+$0x4050]  }
0x3aa: {  	v21 =	vld [tilespmem:s21+$0x4060]  }
0x3ab: {  	v6 =	vld [tilespmem:s13+$0x11B00]  }
0x3ac: {  	v7 =	vld [tilespmem:s11+$0x11B10]  }
0x3ad: {  	v8 =	vld [tilespmem:s11+$0x11B20]  }
0x3ae: {  	v22 =	vld [tilespmem:s11+$0x11B30]  }
0x3af: {  	v23 =	vld [tilespmem:s11+$0x11B40]  }
0x3b0: {  	v24 =	vadd.f32 v5, v6;
	v5 =	vld [tilespmem:s11+$0x11B50]  }
0x3b1: {  	v9 =	vadd.f32 v4, v7;
	v4 =	vld [tilespmem:s11+$0x11B60]  }
0x3b2: {  	v8 =	vadd.f32 v3, v8;
	v3 =	vld [tilespmem:s11+$0x11B70]  }
0x3b3: {  	v7 =	vadd.f32 v10, v22;
	v10 =	vld [tilespmem:s14+$0x11B00]  }
0x3b4: {  	v6 =	vadd.f32 v11, v23;
	v11 =	vld [tilespmem:s8+$0x11B10]  }
0x3b5: {  	v5 =	vadd.f32 v14, v5;
	v14 =	vld [tilespmem:s8+$0x11B20]  }
0x3b6: {  	v4 =	vadd.f32 v15, v4;
	v15 =	vld [tilespmem:s8+$0x11B30]  }
0x3b7: {  	v3 =	vadd.f32 v16, v3;
	v16 =	vld [tilespmem:s8+$0x11B40]  }
0x3b8: {  	v17 =	vadd.f32 v17, v10;
	v10 =	vld [tilespmem:s8+$0x11B50]  }
0x3b9: {  	v11 =	vadd.f32 v12, v11;
	v22 =	vld [tilespmem:s8+$0x11B60]  }
0x3ba: {  	v23 =	vld [tilespmem:s20+$0x8400];
	v25 =	vadd.f32 v13, v14  }
0x3bb: {  	v13 =	vld [tilespmem:s19+$0x8400];
	v18 =	vadd.f32 v18, v15  }
0x3bc: {  	v26 =	vld [tilespmem:s5+$0x8410];
	v14 =	vadd.f32 v19, v16  }
0x3bd: {  	v19 =	vld [tilespmem:s5+$0x8420];
	v12 =	vadd.f32 v20, v10  }
0x3be: {  	v20 =	vld [tilespmem:s5+$0x8430];
	v10 =	vadd.f32 v21, v22  }
.Ltmp8:
0x3bf: {  	v16 =	vadd.f32 v23, v17;
	v17 =	vld [tilespmem:s5+$0x8440];
	(pc) =	sbr.rel @p0 .LBB2_19-.Ltmp8, $4  }
0x3c0: {  	v21 =	vadd.f32 v13, v24;
	v15 =	vld [tilespmem:s5+$0x8450]  }
0x3c1: {  	[tilespmem:s14+$0x19B00] =	vst v16;
	v22 =	vadd.f32 v26, v11;
	v13 =	vld [tilespmem:s5+$0x8460]  }
0x3c2: {  	[tilespmem:s13+$0x19B00] =	vst v21;
	v16 =	vld [tilespmem:s12+$0x8410];
	v19 =	vadd.f32 v19, v25  }
0x3c3: {  	v11 =	vld [tilespmem:s12+$0x8420];
	[tilespmem:s8+$0x19B10] =	vst v22;
	v18 =	vadd.f32 v20, v18  }
0x3c4: {  	v20 =	vld [tilespmem:s12+$0x8430];
	[tilespmem:s8+$0x19B20] =	vst v19;
	v14 =	vadd.f32 v17, v14  }
0x3c5: {  	v60 =	vld [tilespmem:s12+$0x8440];
	[tilespmem:s8+$0x19B30] =	vst v18;
	v12 =	vadd.f32 v15, v12  }
0x3c6: {  	v61 =	vld [tilespmem:s12+$0x8450];
	[tilespmem:s8+$0x19B40] =	vst v14;
	v10 =	vadd.f32 v13, v10  }
0x3c7: {  	v62 =	vld [tilespmem:s12+$0x8460];
	v9 =	vadd.f32 v16, v9;
	[tilespmem:s8+$0x19B50] =	vst v12  }
0x3c8: {  	v63 =	vld [tilespmem:s12+$0x8470];
	v8 =	vadd.f32 v11, v8;
	[tilespmem:s8+$0x19B60] =	vst v10  }
0x3c9: {  	[tilespmem:s11+$0x19B10] =	vst v9;
	v7 =	vadd.f32 v20, v7  }
0x3ca: {  	s0 =	sadd.s32 $0x1, s0;
	v6 =	vadd.f32 v60, v6;
	[tilespmem:s11+$0x19B20] =	vst v8  }
0x3cb: {  	p0 =	sne.s32 s0, $0x8;
	v5 =	vadd.f32 v61, v5;
	[tilespmem:s11+$0x19B30] =	vst v7  }
.Ltmp9:
0x3cc: {  	v4 =	vadd.f32 v62, v4;
	[tilespmem:s11+$0x19B40] =	vst v6;
	(pc) =	sbr.rel @p0 .LBB2_8-.Ltmp9, $4  }
0x3cd: {  	v3 =	vadd.f32 v63, v3;
	[tilespmem:s11+$0x19B50] =	vst v5  }
0x3ce: {  	[tilespmem:s11+$0x19B60] =	vst v4  }
0x3cf: {  	s2 =	sadd.s32 $0x2800, s7;
	s4 =	simm.s32 $0x19B00;
	[tilespmem:s11+$0x19B70] =	vst v3  }
0x3d0: {  	[hbm4b:s2+s6] =	stream.linear.scatter [tilespmem:s4], [sflag:$0x5], $0x4000, $0x38;
	[tilespmem:$0x1DB00] =	vst v63  }
0x3d1: {  	_ =	swait.ge [sflag:s31], $0x4000  }
0x3d2: {  	[sflag:s31] =	ssyncset.done $0x0  }
0x3d3: {  	[sflag:s31] =	ssyncadd.s32 $0xFFFFC000  }
0x3d4: {  	_ =	swait.ge [sflag:s3], $0x4000  }
0x3d5: {  	s4 =	rddreg [dreg:$0x17]  }
0x3d6: {  	s0 =	rddreg [dreg:$0x16];
	s4 =	sadd.s32 $0x1, s4  }
0x3d7: {  	p0 =	sne.s32 s4, s0  }
.Ltmp10:
0x3d8: {  	_ = 	snop;
	(pc) =	sbr.rel @p0 .LBB2_1-.Ltmp10, $4  }
0x3d9: {  	_ = 	snop  }
0x3da: {  	s2 =	simm.s32 $0x6;
	s10 =	simm.s32 $0x80  }
0x3db: {  	s11 =	simm.s32 $0x400;
	s12 =	simm.s32 $0x9300;
	[sflag:s3] =	ssyncset.done $0x0  }
0x3dc: {  	s13 =	simm.s32 $0x200;
	s14 =	simm.s32 $0x9700;
	[sflag:s3] =	ssyncadd.s32 $0xFFFFC000  }
0x3dd: {  	_ =	sfence.sel $0x180000  }
0x3de: {  	[bflag:$0x0] =	sbarrier.arrive $0xFFFF  }
0x3df: {  	_ =	strace $0x90000047  }
0x3e0: {  	s0 =	stileid.u32;
	[bflag:$0x2] =	sbarrier.arrive $0xFFFF  }
0x3e1: {  	p0 =	sne.s32 s0, $0x0;
	s0 =	rddreg [dreg:$0x6]  }
0x3e2: {  	s0 =	sadd.s32 @!p0 $0x100000, s0  }
0x3e3: {  	[sflag:s0] =	ssyncadd.tile.s32 @!p0 $0x1;
	_ =	shalt  }
.Lfunc_end2:
_tile_overlayer_lowered:
.L_overlay_start_2:
0x3e4: {  	(tag) =	ssettag $0x2  }
0x3e5: {  	s0 =	rddreg [dreg:$0x0];
	s2 =	stileid.u32  }
0x3e6: {  	s1 =	rddreg [dreg:$0x1];
	p0 =	sne.s32 s2, $0x0  }
0x3e7: {  	s3 =	rddreg [dreg:$0x2];
	[bflag:$0x3] =	sbarrier.arrive $0xFFFF;
	s2 =	simm.s32 @!p0 $0x1C06  }
0x3e8: {  	[timem:s3], [sflag:s2] =	dma.local @!p0 [hbm:s0], s1  }
0x3e9: {  	s0 =	simm.s32 @!p0 $0x6  }
0x3ea: {  	_ =	swait.ge @!p0 [sflag:s0], s1  }
0x3eb: {  	s1 =	ssub.s32 @!p0 $0x0, s1;
	[sflag:s0] =	ssyncset.done @!p0 $0x0  }
0x3ec: {  	[sflag:s0] =	ssyncadd.s32 @!p0 s1  }
0x3ed: {  	[bflag:$0x3] =	sbarrier.arrive $0xFFFF  }
0x3ee: {  	_ =	shalt  }

</sc_bundles>
